<compile_context>
chip_gen: v7x
topology: tpu7x:2x2x1
jax: 0.10.2.dev20260603
libtpu: 0.0.44.dev20260713+nightly
codegen_flags: <defaults>
</compile_context>

<pallas_src>
import jax
import jax.numpy as jnp
from jax import lax
from jax.experimental import pallas as pl
from jax.experimental.pallas import tpu as pltpu
from jax.experimental.pallas import tpu_sc as plsc

V = 100000
D = 128
B = 16384

NC = 2
NS = 16
L = 16
NW = NC * NS
PAIRS_PER_W = B // NW
CHUNK = 64
NCHUNK = PAIRS_PER_W // CHUNK
NGROUP = CHUNK // L
NJ = D // L

_SHUF_DNUMS = lax.GatherDimensionNumbers(
    offset_dims=(), collapsed_slice_dims=(0,), start_index_map=(0,))


def _lane_shuffle(v, perm):
    return lax.gather(v, perm[:, None], _SHUF_DNUMS, slice_sizes=(1,),
                      mode=lax.GatherScatterMode.PROMISE_IN_BOUNDS)


def _glove_kernel(center_hbm, outside_hbm, coocs_hbm, wt_hbm,
                  wc_hbm, wo_hbm, bc_hbm, bo_hbm,
                  out_hbm,
                  idx_c, idx_o, rows_c, rows_o,
                  bias_c, bias_o, cooc_v, wt_v,
                  outv, isem, bsem, rsem):
    wid = lax.axis_index("s") * NC + lax.axis_index("c")
    lane_iota = lax.iota(jnp.int32, L)
    base = wid * PAIRS_PER_W

    c1 = pltpu.async_copy(center_hbm.at[pl.ds(base, PAIRS_PER_W)], idx_c, isem)
    c2 = pltpu.async_copy(outside_hbm.at[pl.ds(base, PAIRS_PER_W)], idx_o, isem)
    c3 = pltpu.async_copy(coocs_hbm.at[pl.ds(base, PAIRS_PER_W)], cooc_v, bsem)
    c4 = pltpu.async_copy(wt_hbm.at[pl.ds(base, PAIRS_PER_W)], wt_v, bsem)
    c1.wait()
    c2.wait()
    c5 = pltpu.async_copy(bc_hbm.at[idx_c], bias_c, bsem)
    c6 = pltpu.async_copy(bo_hbm.at[idx_o], bias_o, bsem)

    pltpu.async_copy(wc_hbm.at[idx_c.at[pl.ds(0, CHUNK)]],
                     rows_c.at[0], rsem)
    pltpu.async_copy(wo_hbm.at[idx_o.at[pl.ds(0, CHUNK)]],
                     rows_o.at[0], rsem)
    c3.wait()
    c4.wait()
    c5.wait()
    c6.wait()

    def chunk_body(c, acc):
        buf = lax.rem(c, 2)
        pltpu.make_async_copy(wc_hbm.at[idx_c.at[pl.ds(0, CHUNK)]],
                              rows_c.at[buf], rsem).wait()
        pltpu.make_async_copy(wo_hbm.at[idx_o.at[pl.ds(0, CHUNK)]],
                              rows_o.at[buf], rsem).wait()

        @pl.when(c < NCHUNK - 1)
        def _issue_next():
            nb = 1 - buf
            nxt = (c + 1) * CHUNK
            pltpu.async_copy(wc_hbm.at[idx_c.at[pl.ds(nxt, CHUNK)]],
                             rows_c.at[nb], rsem)
            pltpu.async_copy(wo_hbm.at[idx_o.at[pl.ds(nxt, CHUNK)]],
                             rows_o.at[nb], rsem)

        @plsc.parallel_loop(0, NGROUP, 1, carry=acc)
        def group_body(g, acc):
            parts = []
            for p in range(L):
                row = g * L + p
                part = (rows_c[buf, row, pl.ds(0, L)]
                        * rows_o[buf, row, pl.ds(0, L)])
                for j in range(1, NJ):
                    part = part + (rows_c[buf, row, pl.ds(j * L, L)]
                                   * rows_o[buf, row, pl.ds(j * L, L)])
                parts.append(part)
            def combine(a, b, s):
                sel = (lane_iota & s) == 0
                t = jnp.where(sel, b, a)
                return jnp.where(sel, a, b) + _lane_shuffle(t, lane_iota ^ s)
            u = [combine(parts[i], parts[i + 8], 8) for i in range(8)]
            w = [combine(u[i], u[i + 4], 4) for i in range(4)]
            x = [combine(w[i], w[i + 2], 2) for i in range(2)]
            dots = combine(x[0], x[1], 1)
            off = c * CHUNK
            bc = bias_c[pl.ds(off + g * L, L)]
            bo = bias_o[pl.ds(off + g * L, L)]
            cv = cooc_v[pl.ds(off + g * L, L)]
            wv = wt_v[pl.ds(off + g * L, L)]
            r = dots + bc + bo - cv
            return acc + wv * r * r

        return group_body

    acc = lax.fori_loop(0, NCHUNK, chunk_body, jnp.zeros((L,), jnp.float32))

    outv[...] = acc
    pltpu.sync_copy(outv, out_hbm.at[wid])


@jax.jit
def kernel(center, outside, coocs, weighting, Wc, Wo, Bc, Bo):
    center = center.reshape(B).astype(jnp.int32)
    outside = outside.reshape(B).astype(jnp.int32)
    coocs = coocs.reshape(B)
    weighting = weighting.reshape(B)
    bc = Bc.reshape(V)
    bo = Bo.reshape(V)

    mesh = plsc.VectorSubcoreMesh(core_axis_name="c", subcore_axis_name="s")
    run = pl.kernel(
        _glove_kernel,
        out_type=jax.ShapeDtypeStruct((NW, L), jnp.float32),
        mesh=mesh,
        scratch_types=[
            pltpu.VMEM((PAIRS_PER_W,), jnp.int32),
            pltpu.VMEM((PAIRS_PER_W,), jnp.int32),
            pltpu.VMEM((2, CHUNK, D), jnp.float32),
            pltpu.VMEM((2, CHUNK, D), jnp.float32),
            pltpu.VMEM((PAIRS_PER_W,), jnp.float32),
            pltpu.VMEM((PAIRS_PER_W,), jnp.float32),
            pltpu.VMEM((PAIRS_PER_W,), jnp.float32),
            pltpu.VMEM((PAIRS_PER_W,), jnp.float32),
            pltpu.VMEM((L,), jnp.float32),
            pltpu.SemaphoreType.DMA,
            pltpu.SemaphoreType.DMA,
            pltpu.SemaphoreType.DMA,
        ],
    )
    partials = run(center, outside, coocs, weighting, Wc, Wo, bc, bo)
    return jnp.sum(partials)

# --- scband reference (transcript-rebuilt; emitter-appended) ---
"""Pipeline reference for scband-glove-78073915507329 (READ-ONLY COPY).

The authoritative reference and input builder live on the scoring server;
editing this copy changes nothing except your own understanding.
"""

import jax, jax.numpy as jnp
import numpy as np

V = 100000
D = 128
B = 16384

def setup_inputs(seed: int = 0) -> dict:
    key = jax.random.key(seed)
    ks = jax.random.split(key, 8)
    center = jax.random.randint(ks[0], (B, 1), 0, V, dtype=jnp.int64) if jax.config.jax_enable_x64 else jax.random.randint(ks[0], (B, 1), 0, V, dtype=jnp.int32)
    outside = jax.random.randint(ks[1], (B, 1), 0, V, dtype=center.dtype)
    coocs = jax.random.uniform(ks[2], (B, 1), dtype=jnp.float32)
    weighting = jax.random.uniform(ks[3], (B, 1), dtype=jnp.float32)
    Wc = jax.random.normal(ks[4], (V, D), dtype=jnp.float32) * 0.02
    Wo = jax.random.normal(ks[5], (V, D), dtype=jnp.float32) * 0.02
    Bc = jax.random.normal(ks[6], (V, 1), dtype=jnp.float32) * 0.02
    Bo = jax.random.normal(ks[7], (V, 1), dtype=jnp.float32) * 0.02
    return {"center": center, "outside": outside, "coocs": coocs, "weighting": weighting, "Wc": Wc, "Wo": Wo, "Bc": Bc, "Bo": Bo}

def reference(center, outside, coocs, weighting, Wc, Wo, Bc, Bo):
    # center/outside: int[B, 1]
    center_embeds = jnp.take(Wc, center, axis=0)            # [B, 1, D]
    outside_embeds = jnp.take(Wo, outside, axis=0)          # [B, 1, D]
    center_bias = jnp.take(Bc, center, axis=0)[:, 0, :]     # [B, 1, 1] -> squeeze(1) -> [B, 1]
    target_bias = jnp.take(Bo, outside, axis=0)[:, 0, :]    # [B, 1]
    # bmm(outside_embeds, center_embeds.transpose(1,2)) -> [B,1,1]; squeeze(2) -> [B,1]
    inner_product = jnp.matmul(outside_embeds, jnp.swapaxes(center_embeds, 1, 2))[:, :, 0]
    loss = weighting * jnp.power(inner_product + center_bias + target_bias - coocs, 2)
    return jnp.sum(loss)

if __name__ == "__main__":
    import jax
    _d = setup_inputs()
    print(jax.jit(kernel)(*tuple(_d.values())))

</pallas_src>

<mosaic_0001>
#map = affine_map<(d0, d1) -> (0)>
#map1 = affine_map<(d0, d1) -> (0, 0)>
module attributes {stable_mosaic.version = 14 : i64} {
  func.func @_glove_kernel(%arg0: i32, %arg1: i32, %arg2: memref<16384xi32, #tpu.memory_space<hbm>>, %arg3: memref<16384xi32, #tpu.memory_space<hbm>>, %arg4: memref<16384xf32, #tpu.memory_space<hbm>>, %arg5: memref<16384xf32, #tpu.memory_space<hbm>>, %arg6: memref<100000x128xf32, #tpu.memory_space<hbm>>, %arg7: memref<100000x128xf32, #tpu.memory_space<hbm>>, %arg8: memref<100000xf32, #tpu.memory_space<hbm>>, %arg9: memref<100000xf32, #tpu.memory_space<hbm>>, %arg10: memref<32x16xf32, #tpu.memory_space<hbm>>, %arg11: memref<512xi32, #tpu.memory_space<vmem>>, %arg12: memref<512xi32, #tpu.memory_space<vmem>>, %arg13: memref<2x64x128xf32, #tpu.memory_space<vmem>>, %arg14: memref<2x64x128xf32, #tpu.memory_space<vmem>>, %arg15: memref<512xf32, #tpu.memory_space<vmem>>, %arg16: memref<512xf32, #tpu.memory_space<vmem>>, %arg17: memref<512xf32, #tpu.memory_space<vmem>>, %arg18: memref<512xf32, #tpu.memory_space<vmem>>, %arg19: memref<16xf32, #tpu.memory_space<vmem>>, %arg20: memref<!tpu.dma_semaphore, #tpu.memory_space<semaphore_mem>>, %arg21: memref<!tpu.dma_semaphore, #tpu.memory_space<semaphore_mem>>, %arg22: memref<!tpu.dma_semaphore, #tpu.memory_space<semaphore_mem>>) attributes {dimension_semantics = [#tpu.dimension_semantics<core_parallel>, #tpu.dimension_semantics<subcore_parallel>], iteration_bounds = array<i64: 2, 16>, scalar_prefetch = 0 : i64, scratch_operands = 12 : i64, tpu.core_type = #tpu.core_type<sc_vector_subcore>, window_params = [{transform_indices = #map}, {transform_indices = #map}, {transform_indices = #map}, {transform_indices = #map}, {transform_indices = #map1}, {transform_indices = #map1}, {transform_indices = #map}, {transform_indices = #map}, {transform_indices = #map1}]} {
    %mul3A = arith.constant 2 : i32
    %mul3A_0 = arith.muli %arg1, %mul3A : i32
    %add3A = arith.addi %mul3A_0, %arg0 : i32
    %iota3A = tpu.iota {dimensions = array<i32: 0>} : vector<16xi32>
    %mul3A_1 = arith.constant 512 : i32
    %mul3A_2 = arith.muli %add3A, %mul3A_1 : i32
    %dma_start3A = tpu.memref_slice %arg2[%mul3A_2] : memref<16384xi32, #tpu.memory_space<hbm>> -> memref<512xi32, #tpu.memory_space<hbm>>
    %dma_start3A_3 = tpu.memref_slice %arg2[%mul3A_2] : memref<16384xi32, #tpu.memory_space<hbm>> -> memref<512xi32, #tpu.memory_space<hbm>>
    tpu.enqueue_dma source(%dma_start3A_3 : memref<512xi32, #tpu.memory_space<hbm>>) target(%arg11 : memref<512xi32, #tpu.memory_space<vmem>>) target_semaphore(%arg20 : memref<!tpu.dma_semaphore, #tpu.memory_space<semaphore_mem>>)
    %dma_start3A_4 = tpu.memref_slice %arg3[%mul3A_2] : memref<16384xi32, #tpu.memory_space<hbm>> -> memref<512xi32, #tpu.memory_space<hbm>>
    %dma_start3A_5 = tpu.memref_slice %arg3[%mul3A_2] : memref<16384xi32, #tpu.memory_space<hbm>> -> memref<512xi32, #tpu.memory_space<hbm>>
    tpu.enqueue_dma source(%dma_start3A_5 : memref<512xi32, #tpu.memory_space<hbm>>) target(%arg12 : memref<512xi32, #tpu.memory_space<vmem>>) target_semaphore(%arg20 : memref<!tpu.dma_semaphore, #tpu.memory_space<semaphore_mem>>)
    %dma_start3A_6 = tpu.memref_slice %arg4[%mul3A_2] : memref<16384xf32, #tpu.memory_space<hbm>> -> memref<512xf32, #tpu.memory_space<hbm>>
    %dma_start3A_7 = tpu.memref_slice %arg4[%mul3A_2] : memref<16384xf32, #tpu.memory_space<hbm>> -> memref<512xf32, #tpu.memory_space<hbm>>
    tpu.enqueue_dma source(%dma_start3A_7 : memref<512xf32, #tpu.memory_space<hbm>>) target(%arg17 : memref<512xf32, #tpu.memory_space<vmem>>) target_semaphore(%arg21 : memref<!tpu.dma_semaphore, #tpu.memory_space<semaphore_mem>>)
    %dma_start3A_8 = tpu.memref_slice %arg5[%mul3A_2] : memref<16384xf32, #tpu.memory_space<hbm>> -> memref<512xf32, #tpu.memory_space<hbm>>
    %dma_start3A_9 = tpu.memref_slice %arg5[%mul3A_2] : memref<16384xf32, #tpu.memory_space<hbm>> -> memref<512xf32, #tpu.memory_space<hbm>>
    tpu.enqueue_dma source(%dma_start3A_9 : memref<512xf32, #tpu.memory_space<hbm>>) target(%arg18 : memref<512xf32, #tpu.memory_space<vmem>>) target_semaphore(%arg21 : memref<!tpu.dma_semaphore, #tpu.memory_space<semaphore_mem>>)
    %dma_wait3A = tpu.memref_slice %arg2[%mul3A_2] : memref<16384xi32, #tpu.memory_space<hbm>> -> memref<512xi32, #tpu.memory_space<hbm>>
    %dma_wait3A_10 = tpu.memref_slice %arg2[%mul3A_2] : memref<16384xi32, #tpu.memory_space<hbm>> -> memref<512xi32, #tpu.memory_space<hbm>>
    tpu.wait_dma2 semaphore(%arg20 : memref<!tpu.dma_semaphore, #tpu.memory_space<semaphore_mem>>) src(%dma_wait3A_10 : memref<512xi32, #tpu.memory_space<hbm>>) dst(%arg11 : memref<512xi32, #tpu.memory_space<vmem>>)
    %dma_wait3A_11 = tpu.memref_slice %arg3[%mul3A_2] : memref<16384xi32, #tpu.memory_space<hbm>> -> memref<512xi32, #tpu.memory_space<hbm>>
    %dma_wait3A_12 = tpu.memref_slice %arg3[%mul3A_2] : memref<16384xi32, #tpu.memory_space<hbm>> -> memref<512xi32, #tpu.memory_space<hbm>>
    tpu.wait_dma2 semaphore(%arg20 : memref<!tpu.dma_semaphore, #tpu.memory_space<semaphore_mem>>) src(%dma_wait3A_12 : memref<512xi32, #tpu.memory_space<hbm>>) dst(%arg12 : memref<512xi32, #tpu.memory_space<vmem>>)
    %dma_start3A_13 = arith.constant 0 : i32
    %dma_start3A_14 = tpu.memref_slice %arg8[%dma_start3A_13] : memref<100000xf32, #tpu.memory_space<hbm>> -> memref<100000xf32, #tpu.memory_space<hbm>>
    tpu.enqueue_indirect_dma source(%dma_start3A_14 : memref<100000xf32, #tpu.memory_space<hbm>>) target(%arg15 : memref<512xf32, #tpu.memory_space<vmem>>) offsets(%arg11 : memref<512xi32, #tpu.memory_space<vmem>>) semaphore(%arg21 : memref<!tpu.dma_semaphore, #tpu.memory_space<semaphore_mem>>)
    %dma_start3A_15 = arith.constant 0 : i32
    %dma_start3A_16 = tpu.memref_slice %arg9[%dma_start3A_15] : memref<100000xf32, #tpu.memory_space<hbm>> -> memref<100000xf32, #tpu.memory_space<hbm>>
    tpu.enqueue_indirect_dma source(%dma_start3A_16 : memref<100000xf32, #tpu.memory_space<hbm>>) target(%arg16 : memref<512xf32, #tpu.memory_space<vmem>>) offsets(%arg12 : memref<512xi32, #tpu.memory_space<vmem>>) semaphore(%arg21 : memref<!tpu.dma_semaphore, #tpu.memory_space<semaphore_mem>>)
    %dma_start3A_17 = arith.constant 0 : i32
    %dma_start3A_18 = arith.constant 0 : i32
    %dma_start3A_19 = arith.constant 0 : i32
    %dma_start3A_20 = tpu.memref_slice %arg13[%dma_start3A_17, %dma_start3A_18, %dma_start3A_19] : memref<2x64x128xf32, #tpu.memory_space<vmem>> -> memref<1x64x128xf32, #tpu.memory_space<vmem>>
    %dma_start3A_21 = tpu.memref_squeeze %dma_start3A_20 : memref<1x64x128xf32, #tpu.memory_space<vmem>> -> memref<64x128xf32, #tpu.memory_space<vmem>>
    %dma_start3A_22 = arith.constant 0 : i32
    %dma_start3A_23 = tpu.memref_slice %arg11[%dma_start3A_22] : memref<512xi32, #tpu.memory_space<vmem>> -> memref<64xi32, #tpu.memory_space<vmem>>
    %dma_start3A_24 = arith.constant 0 : i32
    %dma_start3A_25 = arith.constant 0 : i32
    %dma_start3A_26 = tpu.memref_slice %arg6[%dma_start3A_24, %dma_start3A_25] : memref<100000x128xf32, #tpu.memory_space<hbm>> -> memref<100000x128xf32, #tpu.memory_space<hbm>>
    tpu.enqueue_indirect_dma source(%dma_start3A_26 : memref<100000x128xf32, #tpu.memory_space<hbm>>) target(%dma_start3A_21 : memref<64x128xf32, #tpu.memory_space<vmem>>) offsets(%dma_start3A_23 : memref<64xi32, #tpu.memory_space<vmem>>) semaphore(%arg22 : memref<!tpu.dma_semaphore, #tpu.memory_space<semaphore_mem>>)
    %dma_start3A_27 = arith.constant 0 : i32
    %dma_start3A_28 = arith.constant 0 : i32
    %dma_start3A_29 = arith.constant 0 : i32
    %dma_start3A_30 = tpu.memref_slice %arg14[%dma_start3A_27, %dma_start3A_28, %dma_start3A_29] : memref<2x64x128xf32, #tpu.memory_space<vmem>> -> memref<1x64x128xf32, #tpu.memory_space<vmem>>
    %dma_start3A_31 = tpu.memref_squeeze %dma_start3A_30 : memref<1x64x128xf32, #tpu.memory_space<vmem>> -> memref<64x128xf32, #tpu.memory_space<vmem>>
    %dma_start3A_32 = arith.constant 0 : i32
    %dma_start3A_33 = tpu.memref_slice %arg12[%dma_start3A_32] : memref<512xi32, #tpu.memory_space<vmem>> -> memref<64xi32, #tpu.memory_space<vmem>>
    %dma_start3A_34 = arith.constant 0 : i32
    %dma_start3A_35 = arith.constant 0 : i32
    %dma_start3A_36 = tpu.memref_slice %arg7[%dma_start3A_34, %dma_start3A_35] : memref<100000x128xf32, #tpu.memory_space<hbm>> -> memref<100000x128xf32, #tpu.memory_space<hbm>>
    tpu.enqueue_indirect_dma source(%dma_start3A_36 : memref<100000x128xf32, #tpu.memory_space<hbm>>) target(%dma_start3A_31 : memref<64x128xf32, #tpu.memory_space<vmem>>) offsets(%dma_start3A_33 : memref<64xi32, #tpu.memory_space<vmem>>) semaphore(%arg22 : memref<!tpu.dma_semaphore, #tpu.memory_space<semaphore_mem>>)
    %dma_wait3A_37 = tpu.memref_slice %arg4[%mul3A_2] : memref<16384xf32, #tpu.memory_space<hbm>> -> memref<512xf32, #tpu.memory_space<hbm>>
    %dma_wait3A_38 = tpu.memref_slice %arg4[%mul3A_2] : memref<16384xf32, #tpu.memory_space<hbm>> -> memref<512xf32, #tpu.memory_space<hbm>>
    tpu.wait_dma2 semaphore(%arg21 : memref<!tpu.dma_semaphore, #tpu.memory_space<semaphore_mem>>) src(%dma_wait3A_38 : memref<512xf32, #tpu.memory_space<hbm>>) dst(%arg17 : memref<512xf32, #tpu.memory_space<vmem>>)
    %dma_wait3A_39 = tpu.memref_slice %arg5[%mul3A_2] : memref<16384xf32, #tpu.memory_space<hbm>> -> memref<512xf32, #tpu.memory_space<hbm>>
    %dma_wait3A_40 = tpu.memref_slice %arg5[%mul3A_2] : memref<16384xf32, #tpu.memory_space<hbm>> -> memref<512xf32, #tpu.memory_space<hbm>>
    tpu.wait_dma2 semaphore(%arg21 : memref<!tpu.dma_semaphore, #tpu.memory_space<semaphore_mem>>) src(%dma_wait3A_40 : memref<512xf32, #tpu.memory_space<hbm>>) dst(%arg18 : memref<512xf32, #tpu.memory_space<vmem>>)
    %dma_wait3A_41 = arith.constant 0 : i32
    %dma_wait3A_42 = tpu.memref_slice %arg8[%dma_wait3A_41] : memref<100000xf32, #tpu.memory_space<hbm>> -> memref<100000xf32, #tpu.memory_space<hbm>>
    tpu.wait_indirect_dma semaphore(%arg21 : memref<!tpu.dma_semaphore, #tpu.memory_space<semaphore_mem>>) src(%dma_wait3A_42 : memref<100000xf32, #tpu.memory_space<hbm>>) dst(%arg15 : memref<512xf32, #tpu.memory_space<vmem>>)
    %dma_wait3A_43 = arith.constant 0 : i32
    %dma_wait3A_44 = tpu.memref_slice %arg9[%dma_wait3A_43] : memref<100000xf32, #tpu.memory_space<hbm>> -> memref<100000xf32, #tpu.memory_space<hbm>>
    tpu.wait_indirect_dma semaphore(%arg21 : memref<!tpu.dma_semaphore, #tpu.memory_space<semaphore_mem>>) src(%dma_wait3A_44 : memref<100000xf32, #tpu.memory_space<hbm>>) dst(%arg16 : memref<512xf32, #tpu.memory_space<vmem>>)
    %broadcast_in_dim3A = arith.constant 0.000000e+00 : f32
    %broadcast_in_dim3A_45 = vector.broadcast %broadcast_in_dim3A : f32 to vector<16xf32>
    %scan3A = arith.constant 0 : i32
    %scan3A_46 = arith.constant 8 : i32
    %scan3A_47 = arith.addi %scan3A, %scan3A_46 : i32
    %scan3A_48 = arith.constant 1 : i32
    %scan3A_49 = scf.for %scan3A_54 = %scan3A to %scan3A_47 step %scan3A_48 iter_args(%scan3A_55 = %broadcast_in_dim3A_45) -> (vector<16xf32>)  : i32 {
      %rem3A = arith.constant 2 : i32
      %rem3A_56 = arith.remsi %scan3A_54, %rem3A : i32
      %dma_wait3A_57 = arith.constant 0 : i32
      %dma_wait3A_58 = arith.constant 0 : i32
      %dma_wait3A_59 = tpu.memref_slice %arg13[%rem3A_56, %dma_wait3A_57, %dma_wait3A_58] : memref<2x64x128xf32, #tpu.memory_space<vmem>> -> memref<1x64x128xf32, #tpu.memory_space<vmem>>
      %dma_wait3A_60 = tpu.memref_squeeze %dma_wait3A_59 : memref<1x64x128xf32, #tpu.memory_space<vmem>> -> memref<64x128xf32, #tpu.memory_space<vmem>>
      %dma_wait3A_61 = arith.constant 0 : i32
      %dma_wait3A_62 = tpu.memref_slice %arg11[%dma_wait3A_61] : memref<512xi32, #tpu.memory_space<vmem>> -> memref<64xi32, #tpu.memory_space<vmem>>
      %dma_wait3A_63 = arith.constant 0 : i32
      %dma_wait3A_64 = arith.constant 0 : i32
      %dma_wait3A_65 = tpu.memref_slice %arg6[%dma_wait3A_63, %dma_wait3A_64] : memref<100000x128xf32, #tpu.memory_space<hbm>> -> memref<100000x128xf32, #tpu.memory_space<hbm>>
      tpu.wait_indirect_dma semaphore(%arg22 : memref<!tpu.dma_semaphore, #tpu.memory_space<semaphore_mem>>) src(%dma_wait3A_65 : memref<100000x128xf32, #tpu.memory_space<hbm>>) dst(%dma_wait3A_60 : memref<64x128xf32, #tpu.memory_space<vmem>>)
      %dma_wait3A_66 = arith.constant 0 : i32
      %dma_wait3A_67 = arith.constant 0 : i32
      %dma_wait3A_68 = tpu.memref_slice %arg14[%rem3A_56, %dma_wait3A_66, %dma_wait3A_67] : memref<2x64x128xf32, #tpu.memory_space<vmem>> -> memref<1x64x128xf32, #tpu.memory_space<vmem>>
      %dma_wait3A_69 = tpu.memref_squeeze %dma_wait3A_68 : memref<1x64x128xf32, #tpu.memory_space<vmem>> -> memref<64x128xf32, #tpu.memory_space<vmem>>
      %dma_wait3A_70 = arith.constant 0 : i32
      %dma_wait3A_71 = tpu.memref_slice %arg12[%dma_wait3A_70] : memref<512xi32, #tpu.memory_space<vmem>> -> memref<64xi32, #tpu.memory_space<vmem>>
      %dma_wait3A_72 = arith.constant 0 : i32
      %dma_wait3A_73 = arith.constant 0 : i32
      %dma_wait3A_74 = tpu.memref_slice %arg7[%dma_wait3A_72, %dma_wait3A_73] : memref<100000x128xf32, #tpu.memory_space<hbm>> -> memref<100000x128xf32, #tpu.memory_space<hbm>>
      tpu.wait_indirect_dma semaphore(%arg22 : memref<!tpu.dma_semaphore, #tpu.memory_space<semaphore_mem>>) src(%dma_wait3A_74 : memref<100000x128xf32, #tpu.memory_space<hbm>>) dst(%dma_wait3A_69 : memref<64x128xf32, #tpu.memory_space<vmem>>)
      %lt3A = arith.constant 7 : i32
      %lt3A_75 = arith.cmpi slt, %scan3A_54, %lt3A : i32
      %convert_element_type3A = arith.extui %lt3A_75 : i1 to i32
      %cond3A = arith.constant 0 : i32
      %cond3A_76 = arith.cmpi ne, %convert_element_type3A, %cond3A : i32
      scf.if %cond3A_76 {
        %sub3A = arith.constant 1 : i32
        %sub3A_80 = arith.subi %sub3A, %rem3A_56 : i32
        %add3A_81 = arith.constant 1 : i32
        %add3A_82 = arith.addi %scan3A_54, %add3A_81 : i32
        %mul3A_83 = arith.constant 64 : i32
        %mul3A_84 = arith.muli %add3A_82, %mul3A_83 : i32
        %dma_start3A_85 = arith.constant 0 : i32
        %dma_start3A_86 = arith.constant 0 : i32
        %dma_start3A_87 = tpu.memref_slice %arg13[%sub3A_80, %dma_start3A_85, %dma_start3A_86] : memref<2x64x128xf32, #tpu.memory_space<vmem>> -> memref<1x64x128xf32, #tpu.memory_space<vmem>>
        %dma_start3A_88 = tpu.memref_squeeze %dma_start3A_87 : memref<1x64x128xf32, #tpu.memory_space<vmem>> -> memref<64x128xf32, #tpu.memory_space<vmem>>
        %dma_start3A_89 = tpu.memref_slice %arg11[%mul3A_84] : memref<512xi32, #tpu.memory_space<vmem>> -> memref<64xi32, #tpu.memory_space<vmem>>
        %dma_start3A_90 = arith.constant 0 : i32
        %dma_start3A_91 = arith.constant 0 : i32
        %dma_start3A_92 = tpu.memref_slice %arg6[%dma_start3A_90, %dma_start3A_91] : memref<100000x128xf32, #tpu.memory_space<hbm>> -> memref<100000x128xf32, #tpu.memory_space<hbm>>
        tpu.enqueue_indirect_dma source(%dma_start3A_92 : memref<100000x128xf32, #tpu.memory_space<hbm>>) target(%dma_start3A_88 : memref<64x128xf32, #tpu.memory_space<vmem>>) offsets(%dma_start3A_89 : memref<64xi32, #tpu.memory_space<vmem>>) semaphore(%arg22 : memref<!tpu.dma_semaphore, #tpu.memory_space<semaphore_mem>>)
        %dma_start3A_93 = arith.constant 0 : i32
        %dma_start3A_94 = arith.constant 0 : i32
        %dma_start3A_95 = tpu.memref_slice %arg14[%sub3A_80, %dma_start3A_93, %dma_start3A_94] : memref<2x64x128xf32, #tpu.memory_space<vmem>> -> memref<1x64x128xf32, #tpu.memory_space<vmem>>
        %dma_start3A_96 = tpu.memref_squeeze %dma_start3A_95 : memref<1x64x128xf32, #tpu.memory_space<vmem>> -> memref<64x128xf32, #tpu.memory_space<vmem>>
        %dma_start3A_97 = tpu.memref_slice %arg12[%mul3A_84] : memref<512xi32, #tpu.memory_space<vmem>> -> memref<64xi32, #tpu.memory_space<vmem>>
        %dma_start3A_98 = arith.constant 0 : i32
        %dma_start3A_99 = arith.constant 0 : i32
        %dma_start3A_100 = tpu.memref_slice %arg7[%dma_start3A_98, %dma_start3A_99] : memref<100000x128xf32, #tpu.memory_space<hbm>> -> memref<100000x128xf32, #tpu.memory_space<hbm>>
        tpu.enqueue_indirect_dma source(%dma_start3A_100 : memref<100000x128xf32, #tpu.memory_space<hbm>>) target(%dma_start3A_96 : memref<64x128xf32, #tpu.memory_space<vmem>>) offsets(%dma_start3A_97 : memref<64xi32, #tpu.memory_space<vmem>>) semaphore(%arg22 : memref<!tpu.dma_semaphore, #tpu.memory_space<semaphore_mem>>)
      } else {
      }
      %parallel_loop3A = arith.constant 0 : i32
      %parallel_loop3A_77 = arith.constant 4 : i32
      %parallel_loop3A_78 = arith.constant 1 : i32
      %parallel_loop3A_79 = scf.for %parallel_loop3A_80 = %parallel_loop3A to %parallel_loop3A_77 step %parallel_loop3A_78 iter_args(%parallel_loop3A_81 = %scan3A_55) -> (vector<16xf32>)  : i32 {
        %parallel_loop3A_82 = arith.constant 16 : i32
        %parallel_loop3A_83 = arith.muli %parallel_loop3A_80, %parallel_loop3A_82 : i32
        %parallel_loop3A_84 = arith.constant 0 : i32
        %parallel_loop3A_85 = arith.addi %parallel_loop3A_83, %parallel_loop3A_84 : i32
        %parallel_loop3A_86 = arith.index_cast %rem3A_56 : i32 to index
        %parallel_loop3A_87 = arith.index_cast %parallel_loop3A_85 : i32 to index
        %parallel_loop3A_88 = arith.constant 0 : index
        %parallel_loop3A_89 = tpu.vector_load %arg13[%parallel_loop3A_86, %parallel_loop3A_87, %parallel_loop3A_88] {strides = array<i32>} : memref<2x64x128xf32, #tpu.memory_space<vmem>>, vector<1x1x16xf32>,
        %parallel_loop3A_90 = vector.shape_cast %parallel_loop3A_89 : vector<1x1x16xf32> to vector<16xf32>
        %parallel_loop3A_91 = arith.index_cast %rem3A_56 : i32 to index
        %parallel_loop3A_92 = arith.index_cast %parallel_loop3A_85 : i32 to index
        %parallel_loop3A_93 = arith.constant 0 : index
        %parallel_loop3A_94 = tpu.vector_load %arg14[%parallel_loop3A_91, %parallel_loop3A_92, %parallel_loop3A_93] {strides = array<i32>} : memref<2x64x128xf32, #tpu.memory_space<vmem>>, vector<1x1x16xf32>,
        %parallel_loop3A_95 = vector.shape_cast %parallel_loop3A_94 : vector<1x1x16xf32> to vector<16xf32>
        %parallel_loop3A_96 = arith.mulf %parallel_loop3A_90, %parallel_loop3A_95 : vector<16xf32>
        %parallel_loop3A_97 = arith.index_cast %rem3A_56 : i32 to index
        %parallel_loop3A_98 = arith.index_cast %parallel_loop3A_85 : i32 to index
        %parallel_loop3A_99 = arith.constant 16 : index
        %parallel_loop3A_100 = tpu.vector_load %arg13[%parallel_loop3A_97, %parallel_loop3A_98, %parallel_loop3A_99] {strides = array<i32>} : memref<2x64x128xf32, #tpu.memory_space<vmem>>, vector<1x1x16xf32>,
        %parallel_loop3A_101 = vector.shape_cast %parallel_loop3A_100 : vector<1x1x16xf32> to vector<16xf32>
        %parallel_loop3A_102 = arith.index_cast %rem3A_56 : i32 to index
        %parallel_loop3A_103 = arith.index_cast %parallel_loop3A_85 : i32 to index
        %parallel_loop3A_104 = arith.constant 16 : index
        %parallel_loop3A_105 = tpu.vector_load %arg14[%parallel_loop3A_102, %parallel_loop3A_103, %parallel_loop3A_104] {strides = array<i32>} : memref<2x64x128xf32, #tpu.memory_space<vmem>>, vector<1x1x16xf32>,
        %parallel_loop3A_106 = vector.shape_cast %parallel_loop3A_105 : vector<1x1x16xf32> to vector<16xf32>
        %parallel_loop3A_107 = arith.mulf %parallel_loop3A_101, %parallel_loop3A_106 : vector<16xf32>
        %parallel_loop3A_108 = arith.addf %parallel_loop3A_96, %parallel_loop3A_107 : vector<16xf32>
        %parallel_loop3A_109 = arith.index_cast %rem3A_56 : i32 to index
        %parallel_loop3A_110 = arith.index_cast %parallel_loop3A_85 : i32 to index
        %parallel_loop3A_111 = arith.constant 32 : index
        %parallel_loop3A_112 = tpu.vector_load %arg13[%parallel_loop3A_109, %parallel_loop3A_110, %parallel_loop3A_111] {strides = array<i32>} : memref<2x64x128xf32, #tpu.memory_space<vmem>>, vector<1x1x16xf32>,
        %parallel_loop3A_113 = vector.shape_cast %parallel_loop3A_112 : vector<1x1x16xf32> to vector<16xf32>
        %parallel_loop3A_114 = arith.index_cast %rem3A_56 : i32 to index
        %parallel_loop3A_115 = arith.index_cast %parallel_loop3A_85 : i32 to index
        %parallel_loop3A_116 = arith.constant 32 : index
        %parallel_loop3A_117 = tpu.vector_load %arg14[%parallel_loop3A_114, %parallel_loop3A_115, %parallel_loop3A_116] {strides = array<i32>} : memref<2x64x128xf32, #tpu.memory_space<vmem>>, vector<1x1x16xf32>,
        %parallel_loop3A_118 = vector.shape_cast %parallel_loop3A_117 : vector<1x1x16xf32> to vector<16xf32>
        %parallel_loop3A_119 = arith.mulf %parallel_loop3A_113, %parallel_loop3A_118 : vector<16xf32>
        %parallel_loop3A_120 = arith.addf %parallel_loop3A_108, %parallel_loop3A_119 : vector<16xf32>
        %parallel_loop3A_121 = arith.index_cast %rem3A_56 : i32 to index
        %parallel_loop3A_122 = arith.index_cast %parallel_loop3A_85 : i32 to index
        %parallel_loop3A_123 = arith.constant 48 : index
        %parallel_loop3A_124 = tpu.vector_load %arg13[%parallel_loop3A_121, %parallel_loop3A_122, %parallel_loop3A_123] {strides = array<i32>} : memref<2x64x128xf32, #tpu.memory_space<vmem>>, vector<1x1x16xf32>,
        %parallel_loop3A_125 = vector.shape_cast %parallel_loop3A_124 : vector<1x1x16xf32> to vector<16xf32>
        %parallel_loop3A_126 = arith.index_cast %rem3A_56 : i32 to index
        %parallel_loop3A_127 = arith.index_cast %parallel_loop3A_85 : i32 to index
        %parallel_loop3A_128 = arith.constant 48 : index
        %parallel_loop3A_129 = tpu.vector_load %arg14[%parallel_loop3A_126, %parallel_loop3A_127, %parallel_loop3A_128] {strides = array<i32>} : memref<2x64x128xf32, #tpu.memory_space<vmem>>, vector<1x1x16xf32>,
        %parallel_loop3A_130 = vector.shape_cast %parallel_loop3A_129 : vector<1x1x16xf32> to vector<16xf32>
        %parallel_loop3A_131 = arith.mulf %parallel_loop3A_125, %parallel_loop3A_130 : vector<16xf32>
        %parallel_loop3A_132 = arith.addf %parallel_loop3A_120, %parallel_loop3A_131 : vector<16xf32>
        %parallel_loop3A_133 = arith.index_cast %rem3A_56 : i32 to index
        %parallel_loop3A_134 = arith.index_cast %parallel_loop3A_85 : i32 to index
        %parallel_loop3A_135 = arith.constant 64 : index
        %parallel_loop3A_136 = tpu.vector_load %arg13[%parallel_loop3A_133, %parallel_loop3A_134, %parallel_loop3A_135] {strides = array<i32>} : memref<2x64x128xf32, #tpu.memory_space<vmem>>, vector<1x1x16xf32>,
        %parallel_loop3A_137 = vector.shape_cast %parallel_loop3A_136 : vector<1x1x16xf32> to vector<16xf32>
        %parallel_loop3A_138 = arith.index_cast %rem3A_56 : i32 to index
        %parallel_loop3A_139 = arith.index_cast %parallel_loop3A_85 : i32 to index
        %parallel_loop3A_140 = arith.constant 64 : index
        %parallel_loop3A_141 = tpu.vector_load %arg14[%parallel_loop3A_138, %parallel_loop3A_139, %parallel_loop3A_140] {strides = array<i32>} : memref<2x64x128xf32, #tpu.memory_space<vmem>>, vector<1x1x16xf32>,
        %parallel_loop3A_142 = vector.shape_cast %parallel_loop3A_141 : vector<1x1x16xf32> to vector<16xf32>
        %parallel_loop3A_143 = arith.mulf %parallel_loop3A_137, %parallel_loop3A_142 : vector<16xf32>
        %parallel_loop3A_144 = arith.addf %parallel_loop3A_132, %parallel_loop3A_143 : vector<16xf32>
        %parallel_loop3A_145 = arith.index_cast %rem3A_56 : i32 to index
        %parallel_loop3A_146 = arith.index_cast %parallel_loop3A_85 : i32 to index
        %parallel_loop3A_147 = arith.constant 80 : index
        %parallel_loop3A_148 = tpu.vector_load %arg13[%parallel_loop3A_145, %parallel_loop3A_146, %parallel_loop3A_147] {strides = array<i32>} : memref<2x64x128xf32, #tpu.memory_space<vmem>>, vector<1x1x16xf32>,
        %parallel_loop3A_149 = vector.shape_cast %parallel_loop3A_148 : vector<1x1x16xf32> to vector<16xf32>
        %parallel_loop3A_150 = arith.index_cast %rem3A_56 : i32 to index
        %parallel_loop3A_151 = arith.index_cast %parallel_loop3A_85 : i32 to index
        %parallel_loop3A_152 = arith.constant 80 : index
        %parallel_loop3A_153 = tpu.vector_load %arg14[%parallel_loop3A_150, %parallel_loop3A_151, %parallel_loop3A_152] {strides = array<i32>} : memref<2x64x128xf32, #tpu.memory_space<vmem>>, vector<1x1x16xf32>,
        %parallel_loop3A_154 = vector.shape_cast %parallel_loop3A_153 : vector<1x1x16xf32> to vector<16xf32>
        %parallel_loop3A_155 = arith.mulf %parallel_loop3A_149, %parallel_loop3A_154 : vector<16xf32>
        %parallel_loop3A_156 = arith.addf %parallel_loop3A_144, %parallel_loop3A_155 : vector<16xf32>
        %parallel_loop3A_157 = arith.index_cast %rem3A_56 : i32 to index
        %parallel_loop3A_158 = arith.index_cast %parallel_loop3A_85 : i32 to index
        %parallel_loop3A_159 = arith.constant 96 : index
        %parallel_loop3A_160 = tpu.vector_load %arg13[%parallel_loop3A_157, %parallel_loop3A_158, %parallel_loop3A_159] {strides = array<i32>} : memref<2x64x128xf32, #tpu.memory_space<vmem>>, vector<1x1x16xf32>,
        %parallel_loop3A_161 = vector.shape_cast %parallel_loop3A_160 : vector<1x1x16xf32> to vector<16xf32>
        %parallel_loop3A_162 = arith.index_cast %rem3A_56 : i32 to index
        %parallel_loop3A_163 = arith.index_cast %parallel_loop3A_85 : i32 to index
        %parallel_loop3A_164 = arith.constant 96 : index
        %parallel_loop3A_165 = tpu.vector_load %arg14[%parallel_loop3A_162, %parallel_loop3A_163, %parallel_loop3A_164] {strides = array<i32>} : memref<2x64x128xf32, #tpu.memory_space<vmem>>, vector<1x1x16xf32>,
        %parallel_loop3A_166 = vector.shape_cast %parallel_loop3A_165 : vector<1x1x16xf32> to vector<16xf32>
        %parallel_loop3A_167 = arith.mulf %parallel_loop3A_161, %parallel_loop3A_166 : vector<16xf32>
        %parallel_loop3A_168 = arith.addf %parallel_loop3A_156, %parallel_loop3A_167 : vector<16xf32>
        %parallel_loop3A_169 = arith.index_cast %rem3A_56 : i32 to index
        %parallel_loop3A_170 = arith.index_cast %parallel_loop3A_85 : i32 to index
        %parallel_loop3A_171 = arith.constant 112 : index
        %parallel_loop3A_172 = tpu.vector_load %arg13[%parallel_loop3A_169, %parallel_loop3A_170, %parallel_loop3A_171] {strides = array<i32>} : memref<2x64x128xf32, #tpu.memory_space<vmem>>, vector<1x1x16xf32>,
        %parallel_loop3A_173 = vector.shape_cast %parallel_loop3A_172 : vector<1x1x16xf32> to vector<16xf32>
        %parallel_loop3A_174 = arith.index_cast %rem3A_56 : i32 to index
        %parallel_loop3A_175 = arith.index_cast %parallel_loop3A_85 : i32 to index
        %parallel_loop3A_176 = arith.constant 112 : index
        %parallel_loop3A_177 = tpu.vector_load %arg14[%parallel_loop3A_174, %parallel_loop3A_175, %parallel_loop3A_176] {strides = array<i32>} : memref<2x64x128xf32, #tpu.memory_space<vmem>>, vector<1x1x16xf32>,
        %parallel_loop3A_178 = vector.shape_cast %parallel_loop3A_177 : vector<1x1x16xf32> to vector<16xf32>
        %parallel_loop3A_179 = arith.mulf %parallel_loop3A_173, %parallel_loop3A_178 : vector<16xf32>
        %parallel_loop3A_180 = arith.addf %parallel_loop3A_168, %parallel_loop3A_179 : vector<16xf32>
        %parallel_loop3A_181 = arith.constant 16 : i32
        %parallel_loop3A_182 = arith.muli %parallel_loop3A_80, %parallel_loop3A_181 : i32
        %parallel_loop3A_183 = arith.constant 1 : i32
        %parallel_loop3A_184 = arith.addi %parallel_loop3A_182, %parallel_loop3A_183 : i32
        %parallel_loop3A_185 = arith.index_cast %rem3A_56 : i32 to index
        %parallel_loop3A_186 = arith.index_cast %parallel_loop3A_184 : i32 to index
        %parallel_loop3A_187 = arith.constant 0 : index
        %parallel_loop3A_188 = tpu.vector_load %arg13[%parallel_loop3A_185, %parallel_loop3A_186, %parallel_loop3A_187] {strides = array<i32>} : memref<2x64x128xf32, #tpu.memory_space<vmem>>, vector<1x1x16xf32>,
        %parallel_loop3A_189 = vector.shape_cast %parallel_loop3A_188 : vector<1x1x16xf32> to vector<16xf32>
        %parallel_loop3A_190 = arith.index_cast %rem3A_56 : i32 to index
        %parallel_loop3A_191 = arith.index_cast %parallel_loop3A_184 : i32 to index
        %parallel_loop3A_192 = arith.constant 0 : index
        %parallel_loop3A_193 = tpu.vector_load %arg14[%parallel_loop3A_190, %parallel_loop3A_191, %parallel_loop3A_192] {strides = array<i32>} : memref<2x64x128xf32, #tpu.memory_space<vmem>>, vector<1x1x16xf32>,
        %parallel_loop3A_194 = vector.shape_cast %parallel_loop3A_193 : vector<1x1x16xf32> to vector<16xf32>
        %parallel_loop3A_195 = arith.mulf %parallel_loop3A_189, %parallel_loop3A_194 : vector<16xf32>
        %parallel_loop3A_196 = arith.index_cast %rem3A_56 : i32 to index
        %parallel_loop3A_197 = arith.index_cast %parallel_loop3A_184 : i32 to index
        %parallel_loop3A_198 = arith.constant 16 : index
        %parallel_loop3A_199 = tpu.vector_load %arg13[%parallel_loop3A_196, %parallel_loop3A_197, %parallel_loop3A_198] {strides = array<i32>} : memref<2x64x128xf32, #tpu.memory_space<vmem>>, vector<1x1x16xf32>,
        %parallel_loop3A_200 = vector.shape_cast %parallel_loop3A_199 : vector<1x1x16xf32> to vector<16xf32>
        %parallel_loop3A_201 = arith.index_cast %rem3A_56 : i32 to index
        %parallel_loop3A_202 = arith.index_cast %parallel_loop3A_184 : i32 to index
        %parallel_loop3A_203 = arith.constant 16 : index
        %parallel_loop3A_204 = tpu.vector_load %arg14[%parallel_loop3A_201, %parallel_loop3A_202, %parallel_loop3A_203] {strides = array<i32>} : memref<2x64x128xf32, #tpu.memory_space<vmem>>, vector<1x1x16xf32>,
        %parallel_loop3A_205 = vector.shape_cast %parallel_loop3A_204 : vector<1x1x16xf32> to vector<16xf32>
        %parallel_loop3A_206 = arith.mulf %parallel_loop3A_200, %parallel_loop3A_205 : vector<16xf32>
        %parallel_loop3A_207 = arith.addf %parallel_loop3A_195, %parallel_loop3A_206 : vector<16xf32>
        %parallel_loop3A_208 = arith.index_cast %rem3A_56 : i32 to index
        %parallel_loop3A_209 = arith.index_cast %parallel_loop3A_184 : i32 to index
        %parallel_loop3A_210 = arith.constant 32 : index
        %parallel_loop3A_211 = tpu.vector_load %arg13[%parallel_loop3A_208, %parallel_loop3A_209, %parallel_loop3A_210] {strides = array<i32>} : memref<2x64x128xf32, #tpu.memory_space<vmem>>, vector<1x1x16xf32>,
        %parallel_loop3A_212 = vector.shape_cast %parallel_loop3A_211 : vector<1x1x16xf32> to vector<16xf32>
        %parallel_loop3A_213 = arith.index_cast %rem3A_56 : i32 to index
        %parallel_loop3A_214 = arith.index_cast %parallel_loop3A_184 : i32 to index
        %parallel_loop3A_215 = arith.constant 32 : index
        %parallel_loop3A_216 = tpu.vector_load %arg14[%parallel_loop3A_213, %parallel_loop3A_214, %parallel_loop3A_215] {strides = array<i32>} : memref<2x64x128xf32, #tpu.memory_space<vmem>>, vector<1x1x16xf32>,
        %parallel_loop3A_217 = vector.shape_cast %parallel_loop3A_216 : vector<1x1x16xf32> to vector<16xf32>
        %parallel_loop3A_218 = arith.mulf %parallel_loop3A_212, %parallel_loop3A_217 : vector<16xf32>
        %parallel_loop3A_219 = arith.addf %parallel_loop3A_207, %parallel_loop3A_218 : vector<16xf32>
        %parallel_loop3A_220 = arith.index_cast %rem3A_56 : i32 to index
        %parallel_loop3A_221 = arith.index_cast %parallel_loop3A_184 : i32 to index
        %parallel_loop3A_222 = arith.constant 48 : index
        %parallel_loop3A_223 = tpu.vector_load %arg13[%parallel_loop3A_220, %parallel_loop3A_221, %parallel_loop3A_222] {strides = array<i32>} : memref<2x64x128xf32, #tpu.memory_space<vmem>>, vector<1x1x16xf32>,
        %parallel_loop3A_224 = vector.shape_cast %parallel_loop3A_223 : vector<1x1x16xf32> to vector<16xf32>
        %parallel_loop3A_225 = arith.index_cast %rem3A_56 : i32 to index
        %parallel_loop3A_226 = arith.index_cast %parallel_loop3A_184 : i32 to index
        %parallel_loop3A_227 = arith.constant 48 : index
        %parallel_loop3A_228 = tpu.vector_load %arg14[%parallel_loop3A_225, %parallel_loop3A_226, %parallel_loop3A_227] {strides = array<i32>} : memref<2x64x128xf32, #tpu.memory_space<vmem>>, vector<1x1x16xf32>,
        %parallel_loop3A_229 = vector.shape_cast %parallel_loop3A_228 : vector<1x1x16xf32> to vector<16xf32>
        %parallel_loop3A_230 = arith.mulf %parallel_loop3A_224, %parallel_loop3A_229 : vector<16xf32>
        %parallel_loop3A_231 = arith.addf %parallel_loop3A_219, %parallel_loop3A_230 : vector<16xf32>
        %parallel_loop3A_232 = arith.index_cast %rem3A_56 : i32 to index
        %parallel_loop3A_233 = arith.index_cast %parallel_loop3A_184 : i32 to index
        %parallel_loop3A_234 = arith.constant 64 : index
        %parallel_loop3A_235 = tpu.vector_load %arg13[%parallel_loop3A_232, %parallel_loop3A_233, %parallel_loop3A_234] {strides = array<i32>} : memref<2x64x128xf32, #tpu.memory_space<vmem>>, vector<1x1x16xf32>,
        %parallel_loop3A_236 = vector.shape_cast %parallel_loop3A_235 : vector<1x1x16xf32> to vector<16xf32>
        %parallel_loop3A_237 = arith.index_cast %rem3A_56 : i32 to index
        %parallel_loop3A_238 = arith.index_cast %parallel_loop3A_184 : i32 to index
        %parallel_loop3A_239 = arith.constant 64 : index
        %parallel_loop3A_240 = tpu.vector_load %arg14[%parallel_loop3A_237, %parallel_loop3A_238, %parallel_loop3A_239] {strides = array<i32>} : memref<2x64x128xf32, #tpu.memory_space<vmem>>, vector<1x1x16xf32>,
        %parallel_loop3A_241 = vector.shape_cast %parallel_loop3A_240 : vector<1x1x16xf32> to vector<16xf32>
        %parallel_loop3A_242 = arith.mulf %parallel_loop3A_236, %parallel_loop3A_241 : vector<16xf32>
        %parallel_loop3A_243 = arith.addf %parallel_loop3A_231, %parallel_loop3A_242 : vector<16xf32>
        %parallel_loop3A_244 = arith.index_cast %rem3A_56 : i32 to index
        %parallel_loop3A_245 = arith.index_cast %parallel_loop3A_184 : i32 to index
        %parallel_loop3A_246 = arith.constant 80 : index
        %parallel_loop3A_247 = tpu.vector_load %arg13[%parallel_loop3A_244, %parallel_loop3A_245, %parallel_loop3A_246] {strides = array<i32>} : memref<2x64x128xf32, #tpu.memory_space<vmem>>, vector<1x1x16xf32>,
        %parallel_loop3A_248 = vector.shape_cast %parallel_loop3A_247 : vector<1x1x16xf32> to vector<16xf32>
        %parallel_loop3A_249 = arith.index_cast %rem3A_56 : i32 to index
        %parallel_loop3A_250 = arith.index_cast %parallel_loop3A_184 : i32 to index
        %parallel_loop3A_251 = arith.constant 80 : index
        %parallel_loop3A_252 = tpu.vector_load %arg14[%parallel_loop3A_249, %parallel_loop3A_250, %parallel_loop3A_251] {strides = array<i32>} : memref<2x64x128xf32, #tpu.memory_space<vmem>>, vector<1x1x16xf32>,
        %parallel_loop3A_253 = vector.shape_cast %parallel_loop3A_252 : vector<1x1x16xf32> to vector<16xf32>
        %parallel_loop3A_254 = arith.mulf %parallel_loop3A_248, %parallel_loop3A_253 : vector<16xf32>
        %parallel_loop3A_255 = arith.addf %parallel_loop3A_243, %parallel_loop3A_254 : vector<16xf32>
        %parallel_loop3A_256 = arith.index_cast %rem3A_56 : i32 to index
        %parallel_loop3A_257 = arith.index_cast %parallel_loop3A_184 : i32 to index
        %parallel_loop3A_258 = arith.constant 96 : index
        %parallel_loop3A_259 = tpu.vector_load %arg13[%parallel_loop3A_256, %parallel_loop3A_257, %parallel_loop3A_258] {strides = array<i32>} : memref<2x64x128xf32, #tpu.memory_space<vmem>>, vector<1x1x16xf32>,
        %parallel_loop3A_260 = vector.shape_cast %parallel_loop3A_259 : vector<1x1x16xf32> to vector<16xf32>
        %parallel_loop3A_261 = arith.index_cast %rem3A_56 : i32 to index
        %parallel_loop3A_262 = arith.index_cast %parallel_loop3A_184 : i32 to index
        %parallel_loop3A_263 = arith.constant 96 : index
        %parallel_loop3A_264 = tpu.vector_load %arg14[%parallel_loop3A_261, %parallel_loop3A_262, %parallel_loop3A_263] {strides = array<i32>} : memref<2x64x128xf32, #tpu.memory_space<vmem>>, vector<1x1x16xf32>,
        %parallel_loop3A_265 = vector.shape_cast %parallel_loop3A_264 : vector<1x1x16xf32> to vector<16xf32>
        %parallel_loop3A_266 = arith.mulf %parallel_loop3A_260, %parallel_loop3A_265 : vector<16xf32>
        %parallel_loop3A_267 = arith.addf %parallel_loop3A_255, %parallel_loop3A_266 : vector<16xf32>
        %parallel_loop3A_268 = arith.index_cast %rem3A_56 : i32 to index
        %parallel_loop3A_269 = arith.index_cast %parallel_loop3A_184 : i32 to index
        %parallel_loop3A_270 = arith.constant 112 : index
        %parallel_loop3A_271 = tpu.vector_load %arg13[%parallel_loop3A_268, %parallel_loop3A_269, %parallel_loop3A_270] {strides = array<i32>} : memref<2x64x128xf32, #tpu.memory_space<vmem>>, vector<1x1x16xf32>,
        %parallel_loop3A_272 = vector.shape_cast %parallel_loop3A_271 : vector<1x1x16xf32> to vector<16xf32>
        %parallel_loop3A_273 = arith.index_cast %rem3A_56 : i32 to index
        %parallel_loop3A_274 = arith.index_cast %parallel_loop3A_184 : i32 to index
        %parallel_loop3A_275 = arith.constant 112 : index
        %parallel_loop3A_276 = tpu.vector_load %arg14[%parallel_loop3A_273, %parallel_loop3A_274, %parallel_loop3A_275] {strides = array<i32>} : memref<2x64x128xf32, #tpu.memory_space<vmem>>, vector<1x1x16xf32>,
        %parallel_loop3A_277 = vector.shape_cast %parallel_loop3A_276 : vector<1x1x16xf32> to vector<16xf32>
        %parallel_loop3A_278 = arith.mulf %parallel_loop3A_272, %parallel_loop3A_277 : vector<16xf32>
        %parallel_loop3A_279 = arith.addf %parallel_loop3A_267, %parallel_loop3A_278 : vector<16xf32>
        %parallel_loop3A_280 = arith.constant 16 : i32
        %parallel_loop3A_281 = arith.muli %parallel_loop3A_80, %parallel_loop3A_280 : i32
        %parallel_loop3A_282 = arith.constant 2 : i32
        %parallel_loop3A_283 = arith.addi %parallel_loop3A_281, %parallel_loop3A_282 : i32
        %parallel_loop3A_284 = arith.index_cast %rem3A_56 : i32 to index
        %parallel_loop3A_285 = arith.index_cast %parallel_loop3A_283 : i32 to index
        %parallel_loop3A_286 = arith.constant 0 : index
        %parallel_loop3A_287 = tpu.vector_load %arg13[%parallel_loop3A_284, %parallel_loop3A_285, %parallel_loop3A_286] {strides = array<i32>} : memref<2x64x128xf32, #tpu.memory_space<vmem>>, vector<1x1x16xf32>,
        %parallel_loop3A_288 = vector.shape_cast %parallel_loop3A_287 : vector<1x1x16xf32> to vector<16xf32>
        %parallel_loop3A_289 = arith.index_cast %rem3A_56 : i32 to index
        %parallel_loop3A_290 = arith.index_cast %parallel_loop3A_283 : i32 to index
        %parallel_loop3A_291 = arith.constant 0 : index
        %parallel_loop3A_292 = tpu.vector_load %arg14[%parallel_loop3A_289, %parallel_loop3A_290, %parallel_loop3A_291] {strides = array<i32>} : memref<2x64x128xf32, #tpu.memory_space<vmem>>, vector<1x1x16xf32>,
        %parallel_loop3A_293 = vector.shape_cast %parallel_loop3A_292 : vector<1x1x16xf32> to vector<16xf32>
        %parallel_loop3A_294 = arith.mulf %parallel_loop3A_288, %parallel_loop3A_293 : vector<16xf32>
        %parallel_loop3A_295 = arith.index_cast %rem3A_56 : i32 to index
        %parallel_loop3A_296 = arith.index_cast %parallel_loop3A_283 : i32 to index
        %parallel_loop3A_297 = arith.constant 16 : index
        %parallel_loop3A_298 = tpu.vector_load %arg13[%parallel_loop3A_295, %parallel_loop3A_296, %parallel_loop3A_297] {strides = array<i32>} : memref<2x64x128xf32, #tpu.memory_space<vmem>>, vector<1x1x16xf32>,
        %parallel_loop3A_299 = vector.shape_cast %parallel_loop3A_298 : vector<1x1x16xf32> to vector<16xf32>
        %parallel_loop3A_300 = arith.index_cast %rem3A_56 : i32 to index
        %parallel_loop3A_301 = arith.index_cast %parallel_loop3A_283 : i32 to index
        %parallel_loop3A_302 = arith.constant 16 : index
        %parallel_loop3A_303 = tpu.vector_load %arg14[%parallel_loop3A_300, %parallel_loop3A_301, %parallel_loop3A_302] {strides = array<i32>} : memref<2x64x128xf32, #tpu.memory_space<vmem>>, vector<1x1x16xf32>,
        %parallel_loop3A_304 = vector.shape_cast %parallel_loop3A_303 : vector<1x1x16xf32> to vector<16xf32>
        %parallel_loop3A_305 = arith.mulf %parallel_loop3A_299, %parallel_loop3A_304 : vector<16xf32>
        %parallel_loop3A_306 = arith.addf %parallel_loop3A_294, %parallel_loop3A_305 : vector<16xf32>
        %parallel_loop3A_307 = arith.index_cast %rem3A_56 : i32 to index
        %parallel_loop3A_308 = arith.index_cast %parallel_loop3A_283 : i32 to index
        %parallel_loop3A_309 = arith.constant 32 : index
        %parallel_loop3A_310 = tpu.vector_load %arg13[%parallel_loop3A_307, %parallel_loop3A_308, %parallel_loop3A_309] {strides = array<i32>} : memref<2x64x128xf32, #tpu.memory_space<vmem>>, vector<1x1x16xf32>,
        %parallel_loop3A_311 = vector.shape_cast %parallel_loop3A_310 : vector<1x1x16xf32> to vector<16xf32>
        %parallel_loop3A_312 = arith.index_cast %rem3A_56 : i32 to index
        %parallel_loop3A_313 = arith.index_cast %parallel_loop3A_283 : i32 to index
        %parallel_loop3A_314 = arith.constant 32 : index
        %parallel_loop3A_315 = tpu.vector_load %arg14[%parallel_loop3A_312, %parallel_loop3A_313, %parallel_loop3A_314] {strides = array<i32>} : memref<2x64x128xf32, #tpu.memory_space<vmem>>, vector<1x1x16xf32>,
        %parallel_loop3A_316 = vector.shape_cast %parallel_loop3A_315 : vector<1x1x16xf32> to vector<16xf32>
        %parallel_loop3A_317 = arith.mulf %parallel_loop3A_311, %parallel_loop3A_316 : vector<16xf32>
        %parallel_loop3A_318 = arith.addf %parallel_loop3A_306, %parallel_loop3A_317 : vector<16xf32>
        %parallel_loop3A_319 = arith.index_cast %rem3A_56 : i32 to index
        %parallel_loop3A_320 = arith.index_cast %parallel_loop3A_283 : i32 to index
        %parallel_loop3A_321 = arith.constant 48 : index
        %parallel_loop3A_322 = tpu.vector_load %arg13[%parallel_loop3A_319, %parallel_loop3A_320, %parallel_loop3A_321] {strides = array<i32>} : memref<2x64x128xf32, #tpu.memory_space<vmem>>, vector<1x1x16xf32>,
        %parallel_loop3A_323 = vector.shape_cast %parallel_loop3A_322 : vector<1x1x16xf32> to vector<16xf32>
        %parallel_loop3A_324 = arith.index_cast %rem3A_56 : i32 to index
        %parallel_loop3A_325 = arith.index_cast %parallel_loop3A_283 : i32 to index
        %parallel_loop3A_326 = arith.constant 48 : index
        %parallel_loop3A_327 = tpu.vector_load %arg14[%parallel_loop3A_324, %parallel_loop3A_325, %parallel_loop3A_326] {strides = array<i32>} : memref<2x64x128xf32, #tpu.memory_space<vmem>>, vector<1x1x16xf32>,
        %parallel_loop3A_328 = vector.shape_cast %parallel_loop3A_327 : vector<1x1x16xf32> to vector<16xf32>
        %parallel_loop3A_329 = arith.mulf %parallel_loop3A_323, %parallel_loop3A_328 : vector<16xf32>
        %parallel_loop3A_330 = arith.addf %parallel_loop3A_318, %parallel_loop3A_329 : vector<16xf32>
        %parallel_loop3A_331 = arith.index_cast %rem3A_56 : i32 to index
        %parallel_loop3A_332 = arith.index_cast %parallel_loop3A_283 : i32 to index
        %parallel_loop3A_333 = arith.constant 64 : index
        %parallel_loop3A_334 = tpu.vector_load %arg13[%parallel_loop3A_331, %parallel_loop3A_332, %parallel_loop3A_333] {strides = array<i32>} : memref<2x64x128xf32, #tpu.memory_space<vmem>>, vector<1x1x16xf32>,
        %parallel_loop3A_335 = vector.shape_cast %parallel_loop3A_334 : vector<1x1x16xf32> to vector<16xf32>
        %parallel_loop3A_336 = arith.index_cast %rem3A_56 : i32 to index
        %parallel_loop3A_337 = arith.index_cast %parallel_loop3A_283 : i32 to index
        %parallel_loop3A_338 = arith.constant 64 : index
        %parallel_loop3A_339 = tpu.vector_load %arg14[%parallel_loop3A_336, %parallel_loop3A_337, %parallel_loop3A_338] {strides = array<i32>} : memref<2x64x128xf32, #tpu.memory_space<vmem>>, vector<1x1x16xf32>,
        %parallel_loop3A_340 = vector.shape_cast %parallel_loop3A_339 : vector<1x1x16xf32> to vector<16xf32>
        %parallel_loop3A_341 = arith.mulf %parallel_loop3A_335, %parallel_loop3A_340 : vector<16xf32>
        %parallel_loop3A_342 = arith.addf %parallel_loop3A_330, %parallel_loop3A_341 : vector<16xf32>
        %parallel_loop3A_343 = arith.index_cast %rem3A_56 : i32 to index
        %parallel_loop3A_344 = arith.index_cast %parallel_loop3A_283 : i32 to index
        %parallel_loop3A_345 = arith.constant 80 : index
        %parallel_loop3A_346 = tpu.vector_load %arg13[%parallel_loop3A_343, %parallel_loop3A_344, %parallel_loop3A_345] {strides = array<i32>} : memref<2x64x128xf32, #tpu.memory_space<vmem>>, vector<1x1x16xf32>,
        %parallel_loop3A_347 = vector.shape_cast %parallel_loop3A_346 : vector<1x1x16xf32> to vector<16xf32>
        %parallel_loop3A_348 = arith.index_cast %rem3A_56 : i32 to index
        %parallel_loop3A_349 = arith.index_cast %parallel_loop3A_283 : i32 to index
        %parallel_loop3A_350 = arith.constant 80 : index
        %parallel_loop3A_351 = tpu.vector_load %arg14[%parallel_loop3A_348, %parallel_loop3A_349, %parallel_loop3A_350] {strides = array<i32>} : memref<2x64x128xf32, #tpu.memory_space<vmem>>, vector<1x1x16xf32>,
        %parallel_loop3A_352 = vector.shape_cast %parallel_loop3A_351 : vector<1x1x16xf32> to vector<16xf32>
        %parallel_loop3A_353 = arith.mulf %parallel_loop3A_347, %parallel_loop3A_352 : vector<16xf32>
        %parallel_loop3A_354 = arith.addf %parallel_loop3A_342, %parallel_loop3A_353 : vector<16xf32>
        %parallel_loop3A_355 = arith.index_cast %rem3A_56 : i32 to index
        %parallel_loop3A_356 = arith.index_cast %parallel_loop3A_283 : i32 to index
        %parallel_loop3A_357 = arith.constant 96 : index
        %parallel_loop3A_358 = tpu.vector_load %arg13[%parallel_loop3A_355, %parallel_loop3A_356, %parallel_loop3A_357] {strides = array<i32>} : memref<2x64x128xf32, #tpu.memory_space<vmem>>, vector<1x1x16xf32>,
        %parallel_loop3A_359 = vector.shape_cast %parallel_loop3A_358 : vector<1x1x16xf32> to vector<16xf32>
        %parallel_loop3A_360 = arith.index_cast %rem3A_56 : i32 to index
        %parallel_loop3A_361 = arith.index_cast %parallel_loop3A_283 : i32 to index
        %parallel_loop3A_362 = arith.constant 96 : index
        %parallel_loop3A_363 = tpu.vector_load %arg14[%parallel_loop3A_360, %parallel_loop3A_361, %parallel_loop3A_362] {strides = array<i32>} : memref<2x64x128xf32, #tpu.memory_space<vmem>>, vector<1x1x16xf32>,
        %parallel_loop3A_364 = vector.shape_cast %parallel_loop3A_363 : vector<1x1x16xf32> to vector<16xf32>
        %parallel_loop3A_365 = arith.mulf %parallel_loop3A_359, %parallel_loop3A_364 : vector<16xf32>
        %parallel_loop3A_366 = arith.addf %parallel_loop3A_354, %parallel_loop3A_365 : vector<16xf32>
        %parallel_loop3A_367 = arith.index_cast %rem3A_56 : i32 to index
        %parallel_loop3A_368 = arith.index_cast %parallel_loop3A_283 : i32 to index
        %parallel_loop3A_369 = arith.constant 112 : index
        %parallel_loop3A_370 = tpu.vector_load %arg13[%parallel_loop3A_367, %parallel_loop3A_368, %parallel_loop3A_369] {strides = array<i32>} : memref<2x64x128xf32, #tpu.memory_space<vmem>>, vector<1x1x16xf32>,
        %parallel_loop3A_371 = vector.shape_cast %parallel_loop3A_370 : vector<1x1x16xf32> to vector<16xf32>
        %parallel_loop3A_372 = arith.index_cast %rem3A_56 : i32 to index
        %parallel_loop3A_373 = arith.index_cast %parallel_loop3A_283 : i32 to index
        %parallel_loop3A_374 = arith.constant 112 : index
        %parallel_loop3A_375 = tpu.vector_load %arg14[%parallel_loop3A_372, %parallel_loop3A_373, %parallel_loop3A_374] {strides = array<i32>} : memref<2x64x128xf32, #tpu.memory_space<vmem>>, vector<1x1x16xf32>,
        %parallel_loop3A_376 = vector.shape_cast %parallel_loop3A_375 : vector<1x1x16xf32> to vector<16xf32>
        %parallel_loop3A_377 = arith.mulf %parallel_loop3A_371, %parallel_loop3A_376 : vector<16xf32>
        %parallel_loop3A_378 = arith.addf %parallel_loop3A_366, %parallel_loop3A_377 : vector<16xf32>
        %parallel_loop3A_379 = arith.constant 16 : i32
        %parallel_loop3A_380 = arith.muli %parallel_loop3A_80, %parallel_loop3A_379 : i32
        %parallel_loop3A_381 = arith.constant 3 : i32
        %parallel_loop3A_382 = arith.addi %parallel_loop3A_380, %parallel_loop3A_381 : i32
        %parallel_loop3A_383 = arith.index_cast %rem3A_56 : i32 to index
        %parallel_loop3A_384 = arith.index_cast %parallel_loop3A_382 : i32 to index
        %parallel_loop3A_385 = arith.constant 0 : index
        %parallel_loop3A_386 = tpu.vector_load %arg13[%parallel_loop3A_383, %parallel_loop3A_384, %parallel_loop3A_385] {strides = array<i32>} : memref<2x64x128xf32, #tpu.memory_space<vmem>>, vector<1x1x16xf32>,
        %parallel_loop3A_387 = vector.shape_cast %parallel_loop3A_386 : vector<1x1x16xf32> to vector<16xf32>
        %parallel_loop3A_388 = arith.index_cast %rem3A_56 : i32 to index
        %parallel_loop3A_389 = arith.index_cast %parallel_loop3A_382 : i32 to index
        %parallel_loop3A_390 = arith.constant 0 : index
        %parallel_loop3A_391 = tpu.vector_load %arg14[%parallel_loop3A_388, %parallel_loop3A_389, %parallel_loop3A_390] {strides = array<i32>} : memref<2x64x128xf32, #tpu.memory_space<vmem>>, vector<1x1x16xf32>,
        %parallel_loop3A_392 = vector.shape_cast %parallel_loop3A_391 : vector<1x1x16xf32> to vector<16xf32>
        %parallel_loop3A_393 = arith.mulf %parallel_loop3A_387, %parallel_loop3A_392 : vector<16xf32>
        %parallel_loop3A_394 = arith.index_cast %rem3A_56 : i32 to index
        %parallel_loop3A_395 = arith.index_cast %parallel_loop3A_382 : i32 to index
        %parallel_loop3A_396 = arith.constant 16 : index
        %parallel_loop3A_397 = tpu.vector_load %arg13[%parallel_loop3A_394, %parallel_loop3A_395, %parallel_loop3A_396] {strides = array<i32>} : memref<2x64x128xf32, #tpu.memory_space<vmem>>, vector<1x1x16xf32>,
        %parallel_loop3A_398 = vector.shape_cast %parallel_loop3A_397 : vector<1x1x16xf32> to vector<16xf32>
        %parallel_loop3A_399 = arith.index_cast %rem3A_56 : i32 to index
        %parallel_loop3A_400 = arith.index_cast %parallel_loop3A_382 : i32 to index
        %parallel_loop3A_401 = arith.constant 16 : index
        %parallel_loop3A_402 = tpu.vector_load %arg14[%parallel_loop3A_399, %parallel_loop3A_400, %parallel_loop3A_401] {strides = array<i32>} : memref<2x64x128xf32, #tpu.memory_space<vmem>>, vector<1x1x16xf32>,
        %parallel_loop3A_403 = vector.shape_cast %parallel_loop3A_402 : vector<1x1x16xf32> to vector<16xf32>
        %parallel_loop3A_404 = arith.mulf %parallel_loop3A_398, %parallel_loop3A_403 : vector<16xf32>
        %parallel_loop3A_405 = arith.addf %parallel_loop3A_393, %parallel_loop3A_404 : vector<16xf32>
        %parallel_loop3A_406 = arith.index_cast %rem3A_56 : i32 to index
        %parallel_loop3A_407 = arith.index_cast %parallel_loop3A_382 : i32 to index
        %parallel_loop3A_408 = arith.constant 32 : index
        %parallel_loop3A_409 = tpu.vector_load %arg13[%parallel_loop3A_406, %parallel_loop3A_407, %parallel_loop3A_408] {strides = array<i32>} : memref<2x64x128xf32, #tpu.memory_space<vmem>>, vector<1x1x16xf32>,
        %parallel_loop3A_410 = vector.shape_cast %parallel_loop3A_409 : vector<1x1x16xf32> to vector<16xf32>
        %parallel_loop3A_411 = arith.index_cast %rem3A_56 : i32 to index
        %parallel_loop3A_412 = arith.index_cast %parallel_loop3A_382 : i32 to index
        %parallel_loop3A_413 = arith.constant 32 : index
        %parallel_loop3A_414 = tpu.vector_load %arg14[%parallel_loop3A_411, %parallel_loop3A_412, %parallel_loop3A_413] {strides = array<i32>} : memref<2x64x128xf32, #tpu.memory_space<vmem>>, vector<1x1x16xf32>,
        %parallel_loop3A_415 = vector.shape_cast %parallel_loop3A_414 : vector<1x1x16xf32> to vector<16xf32>
        %parallel_loop3A_416 = arith.mulf %parallel_loop3A_410, %parallel_loop3A_415 : vector<16xf32>
        %parallel_loop3A_417 = arith.addf %parallel_loop3A_405, %parallel_loop3A_416 : vector<16xf32>
        %parallel_loop3A_418 = arith.index_cast %rem3A_56 : i32 to index
        %parallel_loop3A_419 = arith.index_cast %parallel_loop3A_382 : i32 to index
        %parallel_loop3A_420 = arith.constant 48 : index
        %parallel_loop3A_421 = tpu.vector_load %arg13[%parallel_loop3A_418, %parallel_loop3A_419, %parallel_loop3A_420] {strides = array<i32>} : memref<2x64x128xf32, #tpu.memory_space<vmem>>, vector<1x1x16xf32>,
        %parallel_loop3A_422 = vector.shape_cast %parallel_loop3A_421 : vector<1x1x16xf32> to vector<16xf32>
        %parallel_loop3A_423 = arith.index_cast %rem3A_56 : i32 to index
        %parallel_loop3A_424 = arith.index_cast %parallel_loop3A_382 : i32 to index
        %parallel_loop3A_425 = arith.constant 48 : index
        %parallel_loop3A_426 = tpu.vector_load %arg14[%parallel_loop3A_423, %parallel_loop3A_424, %parallel_loop3A_425] {strides = array<i32>} : memref<2x64x128xf32, #tpu.memory_space<vmem>>, vector<1x1x16xf32>,
        %parallel_loop3A_427 = vector.shape_cast %parallel_loop3A_426 : vector<1x1x16xf32> to vector<16xf32>
        %parallel_loop3A_428 = arith.mulf %parallel_loop3A_422, %parallel_loop3A_427 : vector<16xf32>
        %parallel_loop3A_429 = arith.addf %parallel_loop3A_417, %parallel_loop3A_428 : vector<16xf32>
        %parallel_loop3A_430 = arith.index_cast %rem3A_56 : i32 to index
        %parallel_loop3A_431 = arith.index_cast %parallel_loop3A_382 : i32 to index
        %parallel_loop3A_432 = arith.constant 64 : index
        %parallel_loop3A_433 = tpu.vector_load %arg13[%parallel_loop3A_430, %parallel_loop3A_431, %parallel_loop3A_432] {strides = array<i32>} : memref<2x64x128xf32, #tpu.memory_space<vmem>>, vector<1x1x16xf32>,
        %parallel_loop3A_434 = vector.shape_cast %parallel_loop3A_433 : vector<1x1x16xf32> to vector<16xf32>
        %parallel_loop3A_435 = arith.index_cast %rem3A_56 : i32 to index
        %parallel_loop3A_436 = arith.index_cast %parallel_loop3A_382 : i32 to index
        %parallel_loop3A_437 = arith.constant 64 : index
        %parallel_loop3A_438 = tpu.vector_load %arg14[%parallel_loop3A_435, %parallel_loop3A_436, %parallel_loop3A_437] {strides = array<i32>} : memref<2x64x128xf32, #tpu.memory_space<vmem>>, vector<1x1x16xf32>,
        %parallel_loop3A_439 = vector.shape_cast %parallel_loop3A_438 : vector<1x1x16xf32> to vector<16xf32>
        %parallel_loop3A_440 = arith.mulf %parallel_loop3A_434, %parallel_loop3A_439 : vector<16xf32>
        %parallel_loop3A_441 = arith.addf %parallel_loop3A_429, %parallel_loop3A_440 : vector<16xf32>
        %parallel_loop3A_442 = arith.index_cast %rem3A_56 : i32 to index
        %parallel_loop3A_443 = arith.index_cast %parallel_loop3A_382 : i32 to index
        %parallel_loop3A_444 = arith.constant 80 : index
        %parallel_loop3A_445 = tpu.vector_load %arg13[%parallel_loop3A_442, %parallel_loop3A_443, %parallel_loop3A_444] {strides = array<i32>} : memref<2x64x128xf32, #tpu.memory_space<vmem>>, vector<1x1x16xf32>,
        %parallel_loop3A_446 = vector.shape_cast %parallel_loop3A_445 : vector<1x1x16xf32> to vector<16xf32>
        %parallel_loop3A_447 = arith.index_cast %rem3A_56 : i32 to index
        %parallel_loop3A_448 = arith.index_cast %parallel_loop3A_382 : i32 to index
        %parallel_loop3A_449 = arith.constant 80 : index
        %parallel_loop3A_450 = tpu.vector_load %arg14[%parallel_loop3A_447, %parallel_loop3A_448, %parallel_loop3A_449] {strides = array<i32>} : memref<2x64x128xf32, #tpu.memory_space<vmem>>, vector<1x1x16xf32>,
        %parallel_loop3A_451 = vector.shape_cast %parallel_loop3A_450 : vector<1x1x16xf32> to vector<16xf32>
        %parallel_loop3A_452 = arith.mulf %parallel_loop3A_446, %parallel_loop3A_451 : vector<16xf32>
        %parallel_loop3A_453 = arith.addf %parallel_loop3A_441, %parallel_loop3A_452 : vector<16xf32>
        %parallel_loop3A_454 = arith.index_cast %rem3A_56 : i32 to index
        %parallel_loop3A_455 = arith.index_cast %parallel_loop3A_382 : i32 to index
        %parallel_loop3A_456 = arith.constant 96 : index
        %parallel_loop3A_457 = tpu.vector_load %arg13[%parallel_loop3A_454, %parallel_loop3A_455, %parallel_loop3A_456] {strides = array<i32>} : memref<2x64x128xf32, #tpu.memory_space<vmem>>, vector<1x1x16xf32>,
        %parallel_loop3A_458 = vector.shape_cast %parallel_loop3A_457 : vector<1x1x16xf32> to vector<16xf32>
        %parallel_loop3A_459 = arith.index_cast %rem3A_56 : i32 to index
        %parallel_loop3A_460 = arith.index_cast %parallel_loop3A_382 : i32 to index
        %parallel_loop3A_461 = arith.constant 96 : index
        %parallel_loop3A_462 = tpu.vector_load %arg14[%parallel_loop3A_459, %parallel_loop3A_460, %parallel_loop3A_461] {strides = array<i32>} : memref<2x64x128xf32, #tpu.memory_space<vmem>>, vector<1x1x16xf32>,
        %parallel_loop3A_463 = vector.shape_cast %parallel_loop3A_462 : vector<1x1x16xf32> to vector<16xf32>
        %parallel_loop3A_464 = arith.mulf %parallel_loop3A_458, %parallel_loop3A_463 : vector<16xf32>
        %parallel_loop3A_465 = arith.addf %parallel_loop3A_453, %parallel_loop3A_464 : vector<16xf32>
        %parallel_loop3A_466 = arith.index_cast %rem3A_56 : i32 to index
        %parallel_loop3A_467 = arith.index_cast %parallel_loop3A_382 : i32 to index
        %parallel_loop3A_468 = arith.constant 112 : index
        %parallel_loop3A_469 = tpu.vector_load %arg13[%parallel_loop3A_466, %parallel_loop3A_467, %parallel_loop3A_468] {strides = array<i32>} : memref<2x64x128xf32, #tpu.memory_space<vmem>>, vector<1x1x16xf32>,
        %parallel_loop3A_470 = vector.shape_cast %parallel_loop3A_469 : vector<1x1x16xf32> to vector<16xf32>
        %parallel_loop3A_471 = arith.index_cast %rem3A_56 : i32 to index
        %parallel_loop3A_472 = arith.index_cast %parallel_loop3A_382 : i32 to index
        %parallel_loop3A_473 = arith.constant 112 : index
        %parallel_loop3A_474 = tpu.vector_load %arg14[%parallel_loop3A_471, %parallel_loop3A_472, %parallel_loop3A_473] {strides = array<i32>} : memref<2x64x128xf32, #tpu.memory_space<vmem>>, vector<1x1x16xf32>,
        %parallel_loop3A_475 = vector.shape_cast %parallel_loop3A_474 : vector<1x1x16xf32> to vector<16xf32>
        %parallel_loop3A_476 = arith.mulf %parallel_loop3A_470, %parallel_loop3A_475 : vector<16xf32>
        %parallel_loop3A_477 = arith.addf %parallel_loop3A_465, %parallel_loop3A_476 : vector<16xf32>
        %parallel_loop3A_478 = arith.constant 16 : i32
        %parallel_loop3A_479 = arith.muli %parallel_loop3A_80, %parallel_loop3A_478 : i32
        %parallel_loop3A_480 = arith.constant 4 : i32
        %parallel_loop3A_481 = arith.addi %parallel_loop3A_479, %parallel_loop3A_480 : i32
        %parallel_loop3A_482 = arith.index_cast %rem3A_56 : i32 to index
        %parallel_loop3A_483 = arith.index_cast %parallel_loop3A_481 : i32 to index
        %parallel_loop3A_484 = arith.constant 0 : index
        %parallel_loop3A_485 = tpu.vector_load %arg13[%parallel_loop3A_482, %parallel_loop3A_483, %parallel_loop3A_484] {strides = array<i32>} : memref<2x64x128xf32, #tpu.memory_space<vmem>>, vector<1x1x16xf32>,
        %parallel_loop3A_486 = vector.shape_cast %parallel_loop3A_485 : vector<1x1x16xf32> to vector<16xf32>
        %parallel_loop3A_487 = arith.index_cast %rem3A_56 : i32 to index
        %parallel_loop3A_488 = arith.index_cast %parallel_loop3A_481 : i32 to index
        %parallel_loop3A_489 = arith.constant 0 : index
        %parallel_loop3A_490 = tpu.vector_load %arg14[%parallel_loop3A_487, %parallel_loop3A_488, %parallel_loop3A_489] {strides = array<i32>} : memref<2x64x128xf32, #tpu.memory_space<vmem>>, vector<1x1x16xf32>,
        %parallel_loop3A_491 = vector.shape_cast %parallel_loop3A_490 : vector<1x1x16xf32> to vector<16xf32>
        %parallel_loop3A_492 = arith.mulf %parallel_loop3A_486, %parallel_loop3A_491 : vector<16xf32>
        %parallel_loop3A_493 = arith.index_cast %rem3A_56 : i32 to index
        %parallel_loop3A_494 = arith.index_cast %parallel_loop3A_481 : i32 to index
        %parallel_loop3A_495 = arith.constant 16 : index
        %parallel_loop3A_496 = tpu.vector_load %arg13[%parallel_loop3A_493, %parallel_loop3A_494, %parallel_loop3A_495] {strides = array<i32>} : memref<2x64x128xf32, #tpu.memory_space<vmem>>, vector<1x1x16xf32>,
        %parallel_loop3A_497 = vector.shape_cast %parallel_loop3A_496 : vector<1x1x16xf32> to vector<16xf32>
        %parallel_loop3A_498 = arith.index_cast %rem3A_56 : i32 to index
        %parallel_loop3A_499 = arith.index_cast %parallel_loop3A_481 : i32 to index
        %parallel_loop3A_500 = arith.constant 16 : index
        %parallel_loop3A_501 = tpu.vector_load %arg14[%parallel_loop3A_498, %parallel_loop3A_499, %parallel_loop3A_500] {strides = array<i32>} : memref<2x64x128xf32, #tpu.memory_space<vmem>>, vector<1x1x16xf32>,
        %parallel_loop3A_502 = vector.shape_cast %parallel_loop3A_501 : vector<1x1x16xf32> to vector<16xf32>
        %parallel_loop3A_503 = arith.mulf %parallel_loop3A_497, %parallel_loop3A_502 : vector<16xf32>
        %parallel_loop3A_504 = arith.addf %parallel_loop3A_492, %parallel_loop3A_503 : vector<16xf32>
        %parallel_loop3A_505 = arith.index_cast %rem3A_56 : i32 to index
        %parallel_loop3A_506 = arith.index_cast %parallel_loop3A_481 : i32 to index
        %parallel_loop3A_507 = arith.constant 32 : index
        %parallel_loop3A_508 = tpu.vector_load %arg13[%parallel_loop3A_505, %parallel_loop3A_506, %parallel_loop3A_507] {strides = array<i32>} : memref<2x64x128xf32, #tpu.memory_space<vmem>>, vector<1x1x16xf32>,
        %parallel_loop3A_509 = vector.shape_cast %parallel_loop3A_508 : vector<1x1x16xf32> to vector<16xf32>
        %parallel_loop3A_510 = arith.index_cast %rem3A_56 : i32 to index
        %parallel_loop3A_511 = arith.index_cast %parallel_loop3A_481 : i32 to index
        %parallel_loop3A_512 = arith.constant 32 : index
        %parallel_loop3A_513 = tpu.vector_load %arg14[%parallel_loop3A_510, %parallel_loop3A_511, %parallel_loop3A_512] {strides = array<i32>} : memref<2x64x128xf32, #tpu.memory_space<vmem>>, vector<1x1x16xf32>,
        %parallel_loop3A_514 = vector.shape_cast %parallel_loop3A_513 : vector<1x1x16xf32> to vector<16xf32>
        %parallel_loop3A_515 = arith.mulf %parallel_loop3A_509, %parallel_loop3A_514 : vector<16xf32>
        %parallel_loop3A_516 = arith.addf %parallel_loop3A_504, %parallel_loop3A_515 : vector<16xf32>
        %parallel_loop3A_517 = arith.index_cast %rem3A_56 : i32 to index
        %parallel_loop3A_518 = arith.index_cast %parallel_loop3A_481 : i32 to index
        %parallel_loop3A_519 = arith.constant 48 : index
        %parallel_loop3A_520 = tpu.vector_load %arg13[%parallel_loop3A_517, %parallel_loop3A_518, %parallel_loop3A_519] {strides = array<i32>} : memref<2x64x128xf32, #tpu.memory_space<vmem>>, vector<1x1x16xf32>,
        %parallel_loop3A_521 = vector.shape_cast %parallel_loop3A_520 : vector<1x1x16xf32> to vector<16xf32>
        %parallel_loop3A_522 = arith.index_cast %rem3A_56 : i32 to index
        %parallel_loop3A_523 = arith.index_cast %parallel_loop3A_481 : i32 to index
        %parallel_loop3A_524 = arith.constant 48 : index
        %parallel_loop3A_525 = tpu.vector_load %arg14[%parallel_loop3A_522, %parallel_loop3A_523, %parallel_loop3A_524] {strides = array<i32>} : memref<2x64x128xf32, #tpu.memory_space<vmem>>, vector<1x1x16xf32>,
        %parallel_loop3A_526 = vector.shape_cast %parallel_loop3A_525 : vector<1x1x16xf32> to vector<16xf32>
        %parallel_loop3A_527 = arith.mulf %parallel_loop3A_521, %parallel_loop3A_526 : vector<16xf32>
        %parallel_loop3A_528 = arith.addf %parallel_loop3A_516, %parallel_loop3A_527 : vector<16xf32>
        %parallel_loop3A_529 = arith.index_cast %rem3A_56 : i32 to index
        %parallel_loop3A_530 = arith.index_cast %parallel_loop3A_481 : i32 to index
        %parallel_loop3A_531 = arith.constant 64 : index
        %parallel_loop3A_532 = tpu.vector_load %arg13[%parallel_loop3A_529, %parallel_loop3A_530, %parallel_loop3A_531] {strides = array<i32>} : memref<2x64x128xf32, #tpu.memory_space<vmem>>, vector<1x1x16xf32>,
        %parallel_loop3A_533 = vector.shape_cast %parallel_loop3A_532 : vector<1x1x16xf32> to vector<16xf32>
        %parallel_loop3A_534 = arith.index_cast %rem3A_56 : i32 to index
        %parallel_loop3A_535 = arith.index_cast %parallel_loop3A_481 : i32 to index
        %parallel_loop3A_536 = arith.constant 64 : index
        %parallel_loop3A_537 = tpu.vector_load %arg14[%parallel_loop3A_534, %parallel_loop3A_535, %parallel_loop3A_536] {strides = array<i32>} : memref<2x64x128xf32, #tpu.memory_space<vmem>>, vector<1x1x16xf32>,
        %parallel_loop3A_538 = vector.shape_cast %parallel_loop3A_537 : vector<1x1x16xf32> to vector<16xf32>
        %parallel_loop3A_539 = arith.mulf %parallel_loop3A_533, %parallel_loop3A_538 : vector<16xf32>
        %parallel_loop3A_540 = arith.addf %parallel_loop3A_528, %parallel_loop3A_539 : vector<16xf32>
        %parallel_loop3A_541 = arith.index_cast %rem3A_56 : i32 to index
        %parallel_loop3A_542 = arith.index_cast %parallel_loop3A_481 : i32 to index
        %parallel_loop3A_543 = arith.constant 80 : index
        %parallel_loop3A_544 = tpu.vector_load %arg13[%parallel_loop3A_541, %parallel_loop3A_542, %parallel_loop3A_543] {strides = array<i32>} : memref<2x64x128xf32, #tpu.memory_space<vmem>>, vector<1x1x16xf32>,
        %parallel_loop3A_545 = vector.shape_cast %parallel_loop3A_544 : vector<1x1x16xf32> to vector<16xf32>
        %parallel_loop3A_546 = arith.index_cast %rem3A_56 : i32 to index
        %parallel_loop3A_547 = arith.index_cast %parallel_loop3A_481 : i32 to index
        %parallel_loop3A_548 = arith.constant 80 : index
        %parallel_loop3A_549 = tpu.vector_load %arg14[%parallel_loop3A_546, %parallel_loop3A_547, %parallel_loop3A_548] {strides = array<i32>} : memref<2x64x128xf32, #tpu.memory_space<vmem>>, vector<1x1x16xf32>,
        %parallel_loop3A_550 = vector.shape_cast %parallel_loop3A_549 : vector<1x1x16xf32> to vector<16xf32>
        %parallel_loop3A_551 = arith.mulf %parallel_loop3A_545, %parallel_loop3A_550 : vector<16xf32>
        %parallel_loop3A_552 = arith.addf %parallel_loop3A_540, %parallel_loop3A_551 : vector<16xf32>
        %parallel_loop3A_553 = arith.index_cast %rem3A_56 : i32 to index
        %parallel_loop3A_554 = arith.index_cast %parallel_loop3A_481 : i32 to index
        %parallel_loop3A_555 = arith.constant 96 : index
        %parallel_loop3A_556 = tpu.vector_load %arg13[%parallel_loop3A_553, %parallel_loop3A_554, %parallel_loop3A_555] {strides = array<i32>} : memref<2x64x128xf32, #tpu.memory_space<vmem>>, vector<1x1x16xf32>,
        %parallel_loop3A_557 = vector.shape_cast %parallel_loop3A_556 : vector<1x1x16xf32> to vector<16xf32>
        %parallel_loop3A_558 = arith.index_cast %rem3A_56 : i32 to index
        %parallel_loop3A_559 = arith.index_cast %parallel_loop3A_481 : i32 to index
        %parallel_loop3A_560 = arith.constant 96 : index
        %parallel_loop3A_561 = tpu.vector_load %arg14[%parallel_loop3A_558, %parallel_loop3A_559, %parallel_loop3A_560] {strides = array<i32>} : memref<2x64x128xf32, #tpu.memory_space<vmem>>, vector<1x1x16xf32>,
        %parallel_loop3A_562 = vector.shape_cast %parallel_loop3A_561 : vector<1x1x16xf32> to vector<16xf32>
        %parallel_loop3A_563 = arith.mulf %parallel_loop3A_557, %parallel_loop3A_562 : vector<16xf32>
        %parallel_loop3A_564 = arith.addf %parallel_loop3A_552, %parallel_loop3A_563 : vector<16xf32>
        %parallel_loop3A_565 = arith.index_cast %rem3A_56 : i32 to index
        %parallel_loop3A_566 = arith.index_cast %parallel_loop3A_481 : i32 to index
        %parallel_loop3A_567 = arith.constant 112 : index
        %parallel_loop3A_568 = tpu.vector_load %arg13[%parallel_loop3A_565, %parallel_loop3A_566, %parallel_loop3A_567] {strides = array<i32>} : memref<2x64x128xf32, #tpu.memory_space<vmem>>, vector<1x1x16xf32>,
        %parallel_loop3A_569 = vector.shape_cast %parallel_loop3A_568 : vector<1x1x16xf32> to vector<16xf32>
        %parallel_loop3A_570 = arith.index_cast %rem3A_56 : i32 to index
        %parallel_loop3A_571 = arith.index_cast %parallel_loop3A_481 : i32 to index
        %parallel_loop3A_572 = arith.constant 112 : index
        %parallel_loop3A_573 = tpu.vector_load %arg14[%parallel_loop3A_570, %parallel_loop3A_571, %parallel_loop3A_572] {strides = array<i32>} : memref<2x64x128xf32, #tpu.memory_space<vmem>>, vector<1x1x16xf32>,
        %parallel_loop3A_574 = vector.shape_cast %parallel_loop3A_573 : vector<1x1x16xf32> to vector<16xf32>
        %parallel_loop3A_575 = arith.mulf %parallel_loop3A_569, %parallel_loop3A_574 : vector<16xf32>
        %parallel_loop3A_576 = arith.addf %parallel_loop3A_564, %parallel_loop3A_575 : vector<16xf32>
        %parallel_loop3A_577 = arith.constant 16 : i32
        %parallel_loop3A_578 = arith.muli %parallel_loop3A_80, %parallel_loop3A_577 : i32
        %parallel_loop3A_579 = arith.constant 5 : i32
        %parallel_loop3A_580 = arith.addi %parallel_loop3A_578, %parallel_loop3A_579 : i32
        %parallel_loop3A_581 = arith.index_cast %rem3A_56 : i32 to index
        %parallel_loop3A_582 = arith.index_cast %parallel_loop3A_580 : i32 to index
        %parallel_loop3A_583 = arith.constant 0 : index
        %parallel_loop3A_584 = tpu.vector_load %arg13[%parallel_loop3A_581, %parallel_loop3A_582, %parallel_loop3A_583] {strides = array<i32>} : memref<2x64x128xf32, #tpu.memory_space<vmem>>, vector<1x1x16xf32>,
        %parallel_loop3A_585 = vector.shape_cast %parallel_loop3A_584 : vector<1x1x16xf32> to vector<16xf32>
        %parallel_loop3A_586 = arith.index_cast %rem3A_56 : i32 to index
        %parallel_loop3A_587 = arith.index_cast %parallel_loop3A_580 : i32 to index
        %parallel_loop3A_588 = arith.constant 0 : index
        %parallel_loop3A_589 = tpu.vector_load %arg14[%parallel_loop3A_586, %parallel_loop3A_587, %parallel_loop3A_588] {strides = array<i32>} : memref<2x64x128xf32, #tpu.memory_space<vmem>>, vector<1x1x16xf32>,
        %parallel_loop3A_590 = vector.shape_cast %parallel_loop3A_589 : vector<1x1x16xf32> to vector<16xf32>
        %parallel_loop3A_591 = arith.mulf %parallel_loop3A_585, %parallel_loop3A_590 : vector<16xf32>
        %parallel_loop3A_592 = arith.index_cast %rem3A_56 : i32 to index
        %parallel_loop3A_593 = arith.index_cast %parallel_loop3A_580 : i32 to index
        %parallel_loop3A_594 = arith.constant 16 : index
        %parallel_loop3A_595 = tpu.vector_load %arg13[%parallel_loop3A_592, %parallel_loop3A_593, %parallel_loop3A_594] {strides = array<i32>} : memref<2x64x128xf32, #tpu.memory_space<vmem>>, vector<1x1x16xf32>,
        %parallel_loop3A_596 = vector.shape_cast %parallel_loop3A_595 : vector<1x1x16xf32> to vector<16xf32>
        %parallel_loop3A_597 = arith.index_cast %rem3A_56 : i32 to index
        %parallel_loop3A_598 = arith.index_cast %parallel_loop3A_580 : i32 to index
        %parallel_loop3A_599 = arith.constant 16 : index
        %parallel_loop3A_600 = tpu.vector_load %arg14[%parallel_loop3A_597, %parallel_loop3A_598, %parallel_loop3A_599] {strides = array<i32>} : memref<2x64x128xf32, #tpu.memory_space<vmem>>, vector<1x1x16xf32>,
        %parallel_loop3A_601 = vector.shape_cast %parallel_loop3A_600 : vector<1x1x16xf32> to vector<16xf32>
        %parallel_loop3A_602 = arith.mulf %parallel_loop3A_596, %parallel_loop3A_601 : vector<16xf32>
        %parallel_loop3A_603 = arith.addf %parallel_loop3A_591, %parallel_loop3A_602 : vector<16xf32>
        %parallel_loop3A_604 = arith.index_cast %rem3A_56 : i32 to index
        %parallel_loop3A_605 = arith.index_cast %parallel_loop3A_580 : i32 to index
        %parallel_loop3A_606 = arith.constant 32 : index
        %parallel_loop3A_607 = tpu.vector_load %arg13[%parallel_loop3A_604, %parallel_loop3A_605, %parallel_loop3A_606] {strides = array<i32>} : memref<2x64x128xf32, #tpu.memory_space<vmem>>, vector<1x1x16xf32>,
        %parallel_loop3A_608 = vector.shape_cast %parallel_loop3A_607 : vector<1x1x16xf32> to vector<16xf32>
        %parallel_loop3A_609 = arith.index_cast %rem3A_56 : i32 to index
        %parallel_loop3A_610 = arith.index_cast %parallel_loop3A_580 : i32 to index
        %parallel_loop3A_611 = arith.constant 32 : index
        %parallel_loop3A_612 = tpu.vector_load %arg14[%parallel_loop3A_609, %parallel_loop3A_610, %parallel_loop3A_611] {strides = array<i32>} : memref<2x64x128xf32, #tpu.memory_space<vmem>>, vector<1x1x16xf32>,
        %parallel_loop3A_613 = vector.shape_cast %parallel_loop3A_612 : vector<1x1x16xf32> to vector<16xf32>
        %parallel_loop3A_614 = arith.mulf %parallel_loop3A_608, %parallel_loop3A_613 : vector<16xf32>
        %parallel_loop3A_615 = arith.addf %parallel_loop3A_603, %parallel_loop3A_614 : vector<16xf32>
        %parallel_loop3A_616 = arith.index_cast %rem3A_56 : i32 to index
        %parallel_loop3A_617 = arith.index_cast %parallel_loop3A_580 : i32 to index
        %parallel_loop3A_618 = arith.constant 48 : index
        %parallel_loop3A_619 = tpu.vector_load %arg13[%parallel_loop3A_616, %parallel_loop3A_617, %parallel_loop3A_618] {strides = array<i32>} : memref<2x64x128xf32, #tpu.memory_space<vmem>>, vector<1x1x16xf32>,
        %parallel_loop3A_620 = vector.shape_cast %parallel_loop3A_619 : vector<1x1x16xf32> to vector<16xf32>
        %parallel_loop3A_621 = arith.index_cast %rem3A_56 : i32 to index
        %parallel_loop3A_622 = arith.index_cast %parallel_loop3A_580 : i32 to index
        %parallel_loop3A_623 = arith.constant 48 : index
        %parallel_loop3A_624 = tpu.vector_load %arg14[%parallel_loop3A_621, %parallel_loop3A_622, %parallel_loop3A_623] {strides = array<i32>} : memref<2x64x128xf32, #tpu.memory_space<vmem>>, vector<1x1x16xf32>,
        %parallel_loop3A_625 = vector.shape_cast %parallel_loop3A_624 : vector<1x1x16xf32> to vector<16xf32>
        %parallel_loop3A_626 = arith.mulf %parallel_loop3A_620, %parallel_loop3A_625 : vector<16xf32>
        %parallel_loop3A_627 = arith.addf %parallel_loop3A_615, %parallel_loop3A_626 : vector<16xf32>
        %parallel_loop3A_628 = arith.index_cast %rem3A_56 : i32 to index
        %parallel_loop3A_629 = arith.index_cast %parallel_loop3A_580 : i32 to index
        %parallel_loop3A_630 = arith.constant 64 : index
        %parallel_loop3A_631 = tpu.vector_load %arg13[%parallel_loop3A_628, %parallel_loop3A_629, %parallel_loop3A_630] {strides = array<i32>} : memref<2x64x128xf32, #tpu.memory_space<vmem>>, vector<1x1x16xf32>,
        %parallel_loop3A_632 = vector.shape_cast %parallel_loop3A_631 : vector<1x1x16xf32> to vector<16xf32>
        %parallel_loop3A_633 = arith.index_cast %rem3A_56 : i32 to index
        %parallel_loop3A_634 = arith.index_cast %parallel_loop3A_580 : i32 to index
        %parallel_loop3A_635 = arith.constant 64 : index
        %parallel_loop3A_636 = tpu.vector_load %arg14[%parallel_loop3A_633, %parallel_loop3A_634, %parallel_loop3A_635] {strides = array<i32>} : memref<2x64x128xf32, #tpu.memory_space<vmem>>, vector<1x1x16xf32>,
        %parallel_loop3A_637 = vector.shape_cast %parallel_loop3A_636 : vector<1x1x16xf32> to vector<16xf32>
        %parallel_loop3A_638 = arith.mulf %parallel_loop3A_632, %parallel_loop3A_637 : vector<16xf32>
        %parallel_loop3A_639 = arith.addf %parallel_loop3A_627, %parallel_loop3A_638 : vector<16xf32>
        %parallel_loop3A_640 = arith.index_cast %rem3A_56 : i32 to index
        %parallel_loop3A_641 = arith.index_cast %parallel_loop3A_580 : i32 to index
        %parallel_loop3A_642 = arith.constant 80 : index
        %parallel_loop3A_643 = tpu.vector_load %arg13[%parallel_loop3A_640, %parallel_loop3A_641, %parallel_loop3A_642] {strides = array<i32>} : memref<2x64x128xf32, #tpu.memory_space<vmem>>, vector<1x1x16xf32>,
        %parallel_loop3A_644 = vector.shape_cast %parallel_loop3A_643 : vector<1x1x16xf32> to vector<16xf32>
        %parallel_loop3A_645 = arith.index_cast %rem3A_56 : i32 to index
        %parallel_loop3A_646 = arith.index_cast %parallel_loop3A_580 : i32 to index
        %parallel_loop3A_647 = arith.constant 80 : index
        %parallel_loop3A_648 = tpu.vector_load %arg14[%parallel_loop3A_645, %parallel_loop3A_646, %parallel_loop3A_647] {strides = array<i32>} : memref<2x64x128xf32, #tpu.memory_space<vmem>>, vector<1x1x16xf32>,
        %parallel_loop3A_649 = vector.shape_cast %parallel_loop3A_648 : vector<1x1x16xf32> to vector<16xf32>
        %parallel_loop3A_650 = arith.mulf %parallel_loop3A_644, %parallel_loop3A_649 : vector<16xf32>
        %parallel_loop3A_651 = arith.addf %parallel_loop3A_639, %parallel_loop3A_650 : vector<16xf32>
        %parallel_loop3A_652 = arith.index_cast %rem3A_56 : i32 to index
        %parallel_loop3A_653 = arith.index_cast %parallel_loop3A_580 : i32 to index
        %parallel_loop3A_654 = arith.constant 96 : index
        %parallel_loop3A_655 = tpu.vector_load %arg13[%parallel_loop3A_652, %parallel_loop3A_653, %parallel_loop3A_654] {strides = array<i32>} : memref<2x64x128xf32, #tpu.memory_space<vmem>>, vector<1x1x16xf32>,
        %parallel_loop3A_656 = vector.shape_cast %parallel_loop3A_655 : vector<1x1x16xf32> to vector<16xf32>
        %parallel_loop3A_657 = arith.index_cast %rem3A_56 : i32 to index
        %parallel_loop3A_658 = arith.index_cast %parallel_loop3A_580 : i32 to index
        %parallel_loop3A_659 = arith.constant 96 : index
        %parallel_loop3A_660 = tpu.vector_load %arg14[%parallel_loop3A_657, %parallel_loop3A_658, %parallel_loop3A_659] {strides = array<i32>} : memref<2x64x128xf32, #tpu.memory_space<vmem>>, vector<1x1x16xf32>,
        %parallel_loop3A_661 = vector.shape_cast %parallel_loop3A_660 : vector<1x1x16xf32> to vector<16xf32>
        %parallel_loop3A_662 = arith.mulf %parallel_loop3A_656, %parallel_loop3A_661 : vector<16xf32>
        %parallel_loop3A_663 = arith.addf %parallel_loop3A_651, %parallel_loop3A_662 : vector<16xf32>
        %parallel_loop3A_664 = arith.index_cast %rem3A_56 : i32 to index
        %parallel_loop3A_665 = arith.index_cast %parallel_loop3A_580 : i32 to index
        %parallel_loop3A_666 = arith.constant 112 : index
        %parallel_loop3A_667 = tpu.vector_load %arg13[%parallel_loop3A_664, %parallel_loop3A_665, %parallel_loop3A_666] {strides = array<i32>} : memref<2x64x128xf32, #tpu.memory_space<vmem>>, vector<1x1x16xf32>,
        %parallel_loop3A_668 = vector.shape_cast %parallel_loop3A_667 : vector<1x1x16xf32> to vector<16xf32>
        %parallel_loop3A_669 = arith.index_cast %rem3A_56 : i32 to index
        %parallel_loop3A_670 = arith.index_cast %parallel_loop3A_580 : i32 to index
        %parallel_loop3A_671 = arith.constant 112 : index
        %parallel_loop3A_672 = tpu.vector_load %arg14[%parallel_loop3A_669, %parallel_loop3A_670, %parallel_loop3A_671] {strides = array<i32>} : memref<2x64x128xf32, #tpu.memory_space<vmem>>, vector<1x1x16xf32>,
        %parallel_loop3A_673 = vector.shape_cast %parallel_loop3A_672 : vector<1x1x16xf32> to vector<16xf32>
        %parallel_loop3A_674 = arith.mulf %parallel_loop3A_668, %parallel_loop3A_673 : vector<16xf32>
        %parallel_loop3A_675 = arith.addf %parallel_loop3A_663, %parallel_loop3A_674 : vector<16xf32>
        %parallel_loop3A_676 = arith.constant 16 : i32
        %parallel_loop3A_677 = arith.muli %parallel_loop3A_80, %parallel_loop3A_676 : i32
        %parallel_loop3A_678 = arith.constant 6 : i32
        %parallel_loop3A_679 = arith.addi %parallel_loop3A_677, %parallel_loop3A_678 : i32
        %parallel_loop3A_680 = arith.index_cast %rem3A_56 : i32 to index
        %parallel_loop3A_681 = arith.index_cast %parallel_loop3A_679 : i32 to index
        %parallel_loop3A_682 = arith.constant 0 : index
        %parallel_loop3A_683 = tpu.vector_load %arg13[%parallel_loop3A_680, %parallel_loop3A_681, %parallel_loop3A_682] {strides = array<i32>} : memref<2x64x128xf32, #tpu.memory_space<vmem>>, vector<1x1x16xf32>,
        %parallel_loop3A_684 = vector.shape_cast %parallel_loop3A_683 : vector<1x1x16xf32> to vector<16xf32>
        %parallel_loop3A_685 = arith.index_cast %rem3A_56 : i32 to index
        %parallel_loop3A_686 = arith.index_cast %parallel_loop3A_679 : i32 to index
        %parallel_loop3A_687 = arith.constant 0 : index
        %parallel_loop3A_688 = tpu.vector_load %arg14[%parallel_loop3A_685, %parallel_loop3A_686, %parallel_loop3A_687] {strides = array<i32>} : memref<2x64x128xf32, #tpu.memory_space<vmem>>, vector<1x1x16xf32>,
        %parallel_loop3A_689 = vector.shape_cast %parallel_loop3A_688 : vector<1x1x16xf32> to vector<16xf32>
        %parallel_loop3A_690 = arith.mulf %parallel_loop3A_684, %parallel_loop3A_689 : vector<16xf32>
        %parallel_loop3A_691 = arith.index_cast %rem3A_56 : i32 to index
        %parallel_loop3A_692 = arith.index_cast %parallel_loop3A_679 : i32 to index
        %parallel_loop3A_693 = arith.constant 16 : index
        %parallel_loop3A_694 = tpu.vector_load %arg13[%parallel_loop3A_691, %parallel_loop3A_692, %parallel_loop3A_693] {strides = array<i32>} : memref<2x64x128xf32, #tpu.memory_space<vmem>>, vector<1x1x16xf32>,
        %parallel_loop3A_695 = vector.shape_cast %parallel_loop3A_694 : vector<1x1x16xf32> to vector<16xf32>
        %parallel_loop3A_696 = arith.index_cast %rem3A_56 : i32 to index
        %parallel_loop3A_697 = arith.index_cast %parallel_loop3A_679 : i32 to index
        %parallel_loop3A_698 = arith.constant 16 : index
        %parallel_loop3A_699 = tpu.vector_load %arg14[%parallel_loop3A_696, %parallel_loop3A_697, %parallel_loop3A_698] {strides = array<i32>} : memref<2x64x128xf32, #tpu.memory_space<vmem>>, vector<1x1x16xf32>,
        %parallel_loop3A_700 = vector.shape_cast %parallel_loop3A_699 : vector<1x1x16xf32> to vector<16xf32>
        %parallel_loop3A_701 = arith.mulf %parallel_loop3A_695, %parallel_loop3A_700 : vector<16xf32>
        %parallel_loop3A_702 = arith.addf %parallel_loop3A_690, %parallel_loop3A_701 : vector<16xf32>
        %parallel_loop3A_703 = arith.index_cast %rem3A_56 : i32 to index
        %parallel_loop3A_704 = arith.index_cast %parallel_loop3A_679 : i32 to index
        %parallel_loop3A_705 = arith.constant 32 : index
        %parallel_loop3A_706 = tpu.vector_load %arg13[%parallel_loop3A_703, %parallel_loop3A_704, %parallel_loop3A_705] {strides = array<i32>} : memref<2x64x128xf32, #tpu.memory_space<vmem>>, vector<1x1x16xf32>,
        %parallel_loop3A_707 = vector.shape_cast %parallel_loop3A_706 : vector<1x1x16xf32> to vector<16xf32>
        %parallel_loop3A_708 = arith.index_cast %rem3A_56 : i32 to index
        %parallel_loop3A_709 = arith.index_cast %parallel_loop3A_679 : i32 to index
        %parallel_loop3A_710 = arith.constant 32 : index
        %parallel_loop3A_711 = tpu.vector_load %arg14[%parallel_loop3A_708, %parallel_loop3A_709, %parallel_loop3A_710] {strides = array<i32>} : memref<2x64x128xf32, #tpu.memory_space<vmem>>, vector<1x1x16xf32>,
        %parallel_loop3A_712 = vector.shape_cast %parallel_loop3A_711 : vector<1x1x16xf32> to vector<16xf32>
        %parallel_loop3A_713 = arith.mulf %parallel_loop3A_707, %parallel_loop3A_712 : vector<16xf32>
        %parallel_loop3A_714 = arith.addf %parallel_loop3A_702, %parallel_loop3A_713 : vector<16xf32>
        %parallel_loop3A_715 = arith.index_cast %rem3A_56 : i32 to index
        %parallel_loop3A_716 = arith.index_cast %parallel_loop3A_679 : i32 to index
        %parallel_loop3A_717 = arith.constant 48 : index
        %parallel_loop3A_718 = tpu.vector_load %arg13[%parallel_loop3A_715, %parallel_loop3A_716, %parallel_loop3A_717] {strides = array<i32>} : memref<2x64x128xf32, #tpu.memory_space<vmem>>, vector<1x1x16xf32>,
        %parallel_loop3A_719 = vector.shape_cast %parallel_loop3A_718 : vector<1x1x16xf32> to vector<16xf32>
        %parallel_loop3A_720 = arith.index_cast %rem3A_56 : i32 to index
        %parallel_loop3A_721 = arith.index_cast %parallel_loop3A_679 : i32 to index
        %parallel_loop3A_722 = arith.constant 48 : index
        %parallel_loop3A_723 = tpu.vector_load %arg14[%parallel_loop3A_720, %parallel_loop3A_721, %parallel_loop3A_722] {strides = array<i32>} : memref<2x64x128xf32, #tpu.memory_space<vmem>>, vector<1x1x16xf32>,
        %parallel_loop3A_724 = vector.shape_cast %parallel_loop3A_723 : vector<1x1x16xf32> to vector<16xf32>
        %parallel_loop3A_725 = arith.mulf %parallel_loop3A_719, %parallel_loop3A_724 : vector<16xf32>
        %parallel_loop3A_726 = arith.addf %parallel_loop3A_714, %parallel_loop3A_725 : vector<16xf32>
        %parallel_loop3A_727 = arith.index_cast %rem3A_56 : i32 to index
        %parallel_loop3A_728 = arith.index_cast %parallel_loop3A_679 : i32 to index
        %parallel_loop3A_729 = arith.constant 64 : index
        %parallel_loop3A_730 = tpu.vector_load %arg13[%parallel_loop3A_727, %parallel_loop3A_728, %parallel_loop3A_729] {strides = array<i32>} : memref<2x64x128xf32, #tpu.memory_space<vmem>>, vector<1x1x16xf32>,
        %parallel_loop3A_731 = vector.shape_cast %parallel_loop3A_730 : vector<1x1x16xf32> to vector<16xf32>
        %parallel_loop3A_732 = arith.index_cast %rem3A_56 : i32 to index
        %parallel_loop3A_733 = arith.index_cast %parallel_loop3A_679 : i32 to index
        %parallel_loop3A_734 = arith.constant 64 : index
        %parallel_loop3A_735 = tpu.vector_load %arg14[%parallel_loop3A_732, %parallel_loop3A_733, %parallel_loop3A_734] {strides = array<i32>} : memref<2x64x128xf32, #tpu.memory_space<vmem>>, vector<1x1x16xf32>,
        %parallel_loop3A_736 = vector.shape_cast %parallel_loop3A_735 : vector<1x1x16xf32> to vector<16xf32>
        %parallel_loop3A_737 = arith.mulf %parallel_loop3A_731, %parallel_loop3A_736 : vector<16xf32>
        %parallel_loop3A_738 = arith.addf %parallel_loop3A_726, %parallel_loop3A_737 : vector<16xf32>
        %parallel_loop3A_739 = arith.index_cast %rem3A_56 : i32 to index
        %parallel_loop3A_740 = arith.index_cast %parallel_loop3A_679 : i32 to index
        %parallel_loop3A_741 = arith.constant 80 : index
        %parallel_loop3A_742 = tpu.vector_load %arg13[%parallel_loop3A_739, %parallel_loop3A_740, %parallel_loop3A_741] {strides = array<i32>} : memref<2x64x128xf32, #tpu.memory_space<vmem>>, vector<1x1x16xf32>,
        %parallel_loop3A_743 = vector.shape_cast %parallel_loop3A_742 : vector<1x1x16xf32> to vector<16xf32>
        %parallel_loop3A_744 = arith.index_cast %rem3A_56 : i32 to index
        %parallel_loop3A_745 = arith.index_cast %parallel_loop3A_679 : i32 to index
        %parallel_loop3A_746 = arith.constant 80 : index
        %parallel_loop3A_747 = tpu.vector_load %arg14[%parallel_loop3A_744, %parallel_loop3A_745, %parallel_loop3A_746] {strides = array<i32>} : memref<2x64x128xf32, #tpu.memory_space<vmem>>, vector<1x1x16xf32>,
        %parallel_loop3A_748 = vector.shape_cast %parallel_loop3A_747 : vector<1x1x16xf32> to vector<16xf32>
        %parallel_loop3A_749 = arith.mulf %parallel_loop3A_743, %parallel_loop3A_748 : vector<16xf32>
        %parallel_loop3A_750 = arith.addf %parallel_loop3A_738, %parallel_loop3A_749 : vector<16xf32>
        %parallel_loop3A_751 = arith.index_cast %rem3A_56 : i32 to index
        %parallel_loop3A_752 = arith.index_cast %parallel_loop3A_679 : i32 to index
        %parallel_loop3A_753 = arith.constant 96 : index
        %parallel_loop3A_754 = tpu.vector_load %arg13[%parallel_loop3A_751, %parallel_loop3A_752, %parallel_loop3A_753] {strides = array<i32>} : memref<2x64x128xf32, #tpu.memory_space<vmem>>, vector<1x1x16xf32>,
        %parallel_loop3A_755 = vector.shape_cast %parallel_loop3A_754 : vector<1x1x16xf32> to vector<16xf32>
        %parallel_loop3A_756 = arith.index_cast %rem3A_56 : i32 to index
        %parallel_loop3A_757 = arith.index_cast %parallel_loop3A_679 : i32 to index
        %parallel_loop3A_758 = arith.constant 96 : index
        %parallel_loop3A_759 = tpu.vector_load %arg14[%parallel_loop3A_756, %parallel_loop3A_757, %parallel_loop3A_758] {strides = array<i32>} : memref<2x64x128xf32, #tpu.memory_space<vmem>>, vector<1x1x16xf32>,
        %parallel_loop3A_760 = vector.shape_cast %parallel_loop3A_759 : vector<1x1x16xf32> to vector<16xf32>
        %parallel_loop3A_761 = arith.mulf %parallel_loop3A_755, %parallel_loop3A_760 : vector<16xf32>
        %parallel_loop3A_762 = arith.addf %parallel_loop3A_750, %parallel_loop3A_761 : vector<16xf32>
        %parallel_loop3A_763 = arith.index_cast %rem3A_56 : i32 to index
        %parallel_loop3A_764 = arith.index_cast %parallel_loop3A_679 : i32 to index
        %parallel_loop3A_765 = arith.constant 112 : index
        %parallel_loop3A_766 = tpu.vector_load %arg13[%parallel_loop3A_763, %parallel_loop3A_764, %parallel_loop3A_765] {strides = array<i32>} : memref<2x64x128xf32, #tpu.memory_space<vmem>>, vector<1x1x16xf32>,
        %parallel_loop3A_767 = vector.shape_cast %parallel_loop3A_766 : vector<1x1x16xf32> to vector<16xf32>
        %parallel_loop3A_768 = arith.index_cast %rem3A_56 : i32 to index
        %parallel_loop3A_769 = arith.index_cast %parallel_loop3A_679 : i32 to index
        %parallel_loop3A_770 = arith.constant 112 : index
        %parallel_loop3A_771 = tpu.vector_load %arg14[%parallel_loop3A_768, %parallel_loop3A_769, %parallel_loop3A_770] {strides = array<i32>} : memref<2x64x128xf32, #tpu.memory_space<vmem>>, vector<1x1x16xf32>,
        %parallel_loop3A_772 = vector.shape_cast %parallel_loop3A_771 : vector<1x1x16xf32> to vector<16xf32>
        %parallel_loop3A_773 = arith.mulf %parallel_loop3A_767, %parallel_loop3A_772 : vector<16xf32>
        %parallel_loop3A_774 = arith.addf %parallel_loop3A_762, %parallel_loop3A_773 : vector<16xf32>
        %parallel_loop3A_775 = arith.constant 16 : i32
        %parallel_loop3A_776 = arith.muli %parallel_loop3A_80, %parallel_loop3A_775 : i32
        %parallel_loop3A_777 = arith.constant 7 : i32
        %parallel_loop3A_778 = arith.addi %parallel_loop3A_776, %parallel_loop3A_777 : i32
        %parallel_loop3A_779 = arith.index_cast %rem3A_56 : i32 to index
        %parallel_loop3A_780 = arith.index_cast %parallel_loop3A_778 : i32 to index
        %parallel_loop3A_781 = arith.constant 0 : index
        %parallel_loop3A_782 = tpu.vector_load %arg13[%parallel_loop3A_779, %parallel_loop3A_780, %parallel_loop3A_781] {strides = array<i32>} : memref<2x64x128xf32, #tpu.memory_space<vmem>>, vector<1x1x16xf32>,
        %parallel_loop3A_783 = vector.shape_cast %parallel_loop3A_782 : vector<1x1x16xf32> to vector<16xf32>
        %parallel_loop3A_784 = arith.index_cast %rem3A_56 : i32 to index
        %parallel_loop3A_785 = arith.index_cast %parallel_loop3A_778 : i32 to index
        %parallel_loop3A_786 = arith.constant 0 : index
        %parallel_loop3A_787 = tpu.vector_load %arg14[%parallel_loop3A_784, %parallel_loop3A_785, %parallel_loop3A_786] {strides = array<i32>} : memref<2x64x128xf32, #tpu.memory_space<vmem>>, vector<1x1x16xf32>,
        %parallel_loop3A_788 = vector.shape_cast %parallel_loop3A_787 : vector<1x1x16xf32> to vector<16xf32>
        %parallel_loop3A_789 = arith.mulf %parallel_loop3A_783, %parallel_loop3A_788 : vector<16xf32>
        %parallel_loop3A_790 = arith.index_cast %rem3A_56 : i32 to index
        %parallel_loop3A_791 = arith.index_cast %parallel_loop3A_778 : i32 to index
        %parallel_loop3A_792 = arith.constant 16 : index
        %parallel_loop3A_793 = tpu.vector_load %arg13[%parallel_loop3A_790, %parallel_loop3A_791, %parallel_loop3A_792] {strides = array<i32>} : memref<2x64x128xf32, #tpu.memory_space<vmem>>, vector<1x1x16xf32>,
        %parallel_loop3A_794 = vector.shape_cast %parallel_loop3A_793 : vector<1x1x16xf32> to vector<16xf32>
        %parallel_loop3A_795 = arith.index_cast %rem3A_56 : i32 to index
        %parallel_loop3A_796 = arith.index_cast %parallel_loop3A_778 : i32 to index
        %parallel_loop3A_797 = arith.constant 16 : index
        %parallel_loop3A_798 = tpu.vector_load %arg14[%parallel_loop3A_795, %parallel_loop3A_796, %parallel_loop3A_797] {strides = array<i32>} : memref<2x64x128xf32, #tpu.memory_space<vmem>>, vector<1x1x16xf32>,
        %parallel_loop3A_799 = vector.shape_cast %parallel_loop3A_798 : vector<1x1x16xf32> to vector<16xf32>
        %parallel_loop3A_800 = arith.mulf %parallel_loop3A_794, %parallel_loop3A_799 : vector<16xf32>
        %parallel_loop3A_801 = arith.addf %parallel_loop3A_789, %parallel_loop3A_800 : vector<16xf32>
        %parallel_loop3A_802 = arith.index_cast %rem3A_56 : i32 to index
        %parallel_loop3A_803 = arith.index_cast %parallel_loop3A_778 : i32 to index
        %parallel_loop3A_804 = arith.constant 32 : index
        %parallel_loop3A_805 = tpu.vector_load %arg13[%parallel_loop3A_802, %parallel_loop3A_803, %parallel_loop3A_804] {strides = array<i32>} : memref<2x64x128xf32, #tpu.memory_space<vmem>>, vector<1x1x16xf32>,
        %parallel_loop3A_806 = vector.shape_cast %parallel_loop3A_805 : vector<1x1x16xf32> to vector<16xf32>
        %parallel_loop3A_807 = arith.index_cast %rem3A_56 : i32 to index
        %parallel_loop3A_808 = arith.index_cast %parallel_loop3A_778 : i32 to index
        %parallel_loop3A_809 = arith.constant 32 : index
        %parallel_loop3A_810 = tpu.vector_load %arg14[%parallel_loop3A_807, %parallel_loop3A_808, %parallel_loop3A_809] {strides = array<i32>} : memref<2x64x128xf32, #tpu.memory_space<vmem>>, vector<1x1x16xf32>,
        %parallel_loop3A_811 = vector.shape_cast %parallel_loop3A_810 : vector<1x1x16xf32> to vector<16xf32>
        %parallel_loop3A_812 = arith.mulf %parallel_loop3A_806, %parallel_loop3A_811 : vector<16xf32>
        %parallel_loop3A_813 = arith.addf %parallel_loop3A_801, %parallel_loop3A_812 : vector<16xf32>
        %parallel_loop3A_814 = arith.index_cast %rem3A_56 : i32 to index
        %parallel_loop3A_815 = arith.index_cast %parallel_loop3A_778 : i32 to index
        %parallel_loop3A_816 = arith.constant 48 : index
        %parallel_loop3A_817 = tpu.vector_load %arg13[%parallel_loop3A_814, %parallel_loop3A_815, %parallel_loop3A_816] {strides = array<i32>} : memref<2x64x128xf32, #tpu.memory_space<vmem>>, vector<1x1x16xf32>,
        %parallel_loop3A_818 = vector.shape_cast %parallel_loop3A_817 : vector<1x1x16xf32> to vector<16xf32>
        %parallel_loop3A_819 = arith.index_cast %rem3A_56 : i32 to index
        %parallel_loop3A_820 = arith.index_cast %parallel_loop3A_778 : i32 to index
        %parallel_loop3A_821 = arith.constant 48 : index
        %parallel_loop3A_822 = tpu.vector_load %arg14[%parallel_loop3A_819, %parallel_loop3A_820, %parallel_loop3A_821] {strides = array<i32>} : memref<2x64x128xf32, #tpu.memory_space<vmem>>, vector<1x1x16xf32>,
        %parallel_loop3A_823 = vector.shape_cast %parallel_loop3A_822 : vector<1x1x16xf32> to vector<16xf32>
        %parallel_loop3A_824 = arith.mulf %parallel_loop3A_818, %parallel_loop3A_823 : vector<16xf32>
        %parallel_loop3A_825 = arith.addf %parallel_loop3A_813, %parallel_loop3A_824 : vector<16xf32>
        %parallel_loop3A_826 = arith.index_cast %rem3A_56 : i32 to index
        %parallel_loop3A_827 = arith.index_cast %parallel_loop3A_778 : i32 to index
        %parallel_loop3A_828 = arith.constant 64 : index
        %parallel_loop3A_829 = tpu.vector_load %arg13[%parallel_loop3A_826, %parallel_loop3A_827, %parallel_loop3A_828] {strides = array<i32>} : memref<2x64x128xf32, #tpu.memory_space<vmem>>, vector<1x1x16xf32>,
        %parallel_loop3A_830 = vector.shape_cast %parallel_loop3A_829 : vector<1x1x16xf32> to vector<16xf32>
        %parallel_loop3A_831 = arith.index_cast %rem3A_56 : i32 to index
        %parallel_loop3A_832 = arith.index_cast %parallel_loop3A_778 : i32 to index
        %parallel_loop3A_833 = arith.constant 64 : index
        %parallel_loop3A_834 = tpu.vector_load %arg14[%parallel_loop3A_831, %parallel_loop3A_832, %parallel_loop3A_833] {strides = array<i32>} : memref<2x64x128xf32, #tpu.memory_space<vmem>>, vector<1x1x16xf32>,
        %parallel_loop3A_835 = vector.shape_cast %parallel_loop3A_834 : vector<1x1x16xf32> to vector<16xf32>
        %parallel_loop3A_836 = arith.mulf %parallel_loop3A_830, %parallel_loop3A_835 : vector<16xf32>
        %parallel_loop3A_837 = arith.addf %parallel_loop3A_825, %parallel_loop3A_836 : vector<16xf32>
        %parallel_loop3A_838 = arith.index_cast %rem3A_56 : i32 to index
        %parallel_loop3A_839 = arith.index_cast %parallel_loop3A_778 : i32 to index
        %parallel_loop3A_840 = arith.constant 80 : index
        %parallel_loop3A_841 = tpu.vector_load %arg13[%parallel_loop3A_838, %parallel_loop3A_839, %parallel_loop3A_840] {strides = array<i32>} : memref<2x64x128xf32, #tpu.memory_space<vmem>>, vector<1x1x16xf32>,
        %parallel_loop3A_842 = vector.shape_cast %parallel_loop3A_841 : vector<1x1x16xf32> to vector<16xf32>
        %parallel_loop3A_843 = arith.index_cast %rem3A_56 : i32 to index
        %parallel_loop3A_844 = arith.index_cast %parallel_loop3A_778 : i32 to index
        %parallel_loop3A_845 = arith.constant 80 : index
        %parallel_loop3A_846 = tpu.vector_load %arg14[%parallel_loop3A_843, %parallel_loop3A_844, %parallel_loop3A_845] {strides = array<i32>} : memref<2x64x128xf32, #tpu.memory_space<vmem>>, vector<1x1x16xf32>,
        %parallel_loop3A_847 = vector.shape_cast %parallel_loop3A_846 : vector<1x1x16xf32> to vector<16xf32>
        %parallel_loop3A_848 = arith.mulf %parallel_loop3A_842, %parallel_loop3A_847 : vector<16xf32>
        %parallel_loop3A_849 = arith.addf %parallel_loop3A_837, %parallel_loop3A_848 : vector<16xf32>
        %parallel_loop3A_850 = arith.index_cast %rem3A_56 : i32 to index
        %parallel_loop3A_851 = arith.index_cast %parallel_loop3A_778 : i32 to index
        %parallel_loop3A_852 = arith.constant 96 : index
        %parallel_loop3A_853 = tpu.vector_load %arg13[%parallel_loop3A_850, %parallel_loop3A_851, %parallel_loop3A_852] {strides = array<i32>} : memref<2x64x128xf32, #tpu.memory_space<vmem>>, vector<1x1x16xf32>,
        %parallel_loop3A_854 = vector.shape_cast %parallel_loop3A_853 : vector<1x1x16xf32> to vector<16xf32>
        %parallel_loop3A_855 = arith.index_cast %rem3A_56 : i32 to index
        %parallel_loop3A_856 = arith.index_cast %parallel_loop3A_778 : i32 to index
        %parallel_loop3A_857 = arith.constant 96 : index
        %parallel_loop3A_858 = tpu.vector_load %arg14[%parallel_loop3A_855, %parallel_loop3A_856, %parallel_loop3A_857] {strides = array<i32>} : memref<2x64x128xf32, #tpu.memory_space<vmem>>, vector<1x1x16xf32>,
        %parallel_loop3A_859 = vector.shape_cast %parallel_loop3A_858 : vector<1x1x16xf32> to vector<16xf32>
        %parallel_loop3A_860 = arith.mulf %parallel_loop3A_854, %parallel_loop3A_859 : vector<16xf32>
        %parallel_loop3A_861 = arith.addf %parallel_loop3A_849, %parallel_loop3A_860 : vector<16xf32>
        %parallel_loop3A_862 = arith.index_cast %rem3A_56 : i32 to index
        %parallel_loop3A_863 = arith.index_cast %parallel_loop3A_778 : i32 to index
        %parallel_loop3A_864 = arith.constant 112 : index
        %parallel_loop3A_865 = tpu.vector_load %arg13[%parallel_loop3A_862, %parallel_loop3A_863, %parallel_loop3A_864] {strides = array<i32>} : memref<2x64x128xf32, #tpu.memory_space<vmem>>, vector<1x1x16xf32>,
        %parallel_loop3A_866 = vector.shape_cast %parallel_loop3A_865 : vector<1x1x16xf32> to vector<16xf32>
        %parallel_loop3A_867 = arith.index_cast %rem3A_56 : i32 to index
        %parallel_loop3A_868 = arith.index_cast %parallel_loop3A_778 : i32 to index
        %parallel_loop3A_869 = arith.constant 112 : index
        %parallel_loop3A_870 = tpu.vector_load %arg14[%parallel_loop3A_867, %parallel_loop3A_868, %parallel_loop3A_869] {strides = array<i32>} : memref<2x64x128xf32, #tpu.memory_space<vmem>>, vector<1x1x16xf32>,
        %parallel_loop3A_871 = vector.shape_cast %parallel_loop3A_870 : vector<1x1x16xf32> to vector<16xf32>
        %parallel_loop3A_872 = arith.mulf %parallel_loop3A_866, %parallel_loop3A_871 : vector<16xf32>
        %parallel_loop3A_873 = arith.addf %parallel_loop3A_861, %parallel_loop3A_872 : vector<16xf32>
        %parallel_loop3A_874 = arith.constant 16 : i32
        %parallel_loop3A_875 = arith.muli %parallel_loop3A_80, %parallel_loop3A_874 : i32
        %parallel_loop3A_876 = arith.constant 8 : i32
        %parallel_loop3A_877 = arith.addi %parallel_loop3A_875, %parallel_loop3A_876 : i32
        %parallel_loop3A_878 = arith.index_cast %rem3A_56 : i32 to index
        %parallel_loop3A_879 = arith.index_cast %parallel_loop3A_877 : i32 to index
        %parallel_loop3A_880 = arith.constant 0 : index
        %parallel_loop3A_881 = tpu.vector_load %arg13[%parallel_loop3A_878, %parallel_loop3A_879, %parallel_loop3A_880] {strides = array<i32>} : memref<2x64x128xf32, #tpu.memory_space<vmem>>, vector<1x1x16xf32>,
        %parallel_loop3A_882 = vector.shape_cast %parallel_loop3A_881 : vector<1x1x16xf32> to vector<16xf32>
        %parallel_loop3A_883 = arith.index_cast %rem3A_56 : i32 to index
        %parallel_loop3A_884 = arith.index_cast %parallel_loop3A_877 : i32 to index
        %parallel_loop3A_885 = arith.constant 0 : index
        %parallel_loop3A_886 = tpu.vector_load %arg14[%parallel_loop3A_883, %parallel_loop3A_884, %parallel_loop3A_885] {strides = array<i32>} : memref<2x64x128xf32, #tpu.memory_space<vmem>>, vector<1x1x16xf32>,
        %parallel_loop3A_887 = vector.shape_cast %parallel_loop3A_886 : vector<1x1x16xf32> to vector<16xf32>
        %parallel_loop3A_888 = arith.mulf %parallel_loop3A_882, %parallel_loop3A_887 : vector<16xf32>
        %parallel_loop3A_889 = arith.index_cast %rem3A_56 : i32 to index
        %parallel_loop3A_890 = arith.index_cast %parallel_loop3A_877 : i32 to index
        %parallel_loop3A_891 = arith.constant 16 : index
        %parallel_loop3A_892 = tpu.vector_load %arg13[%parallel_loop3A_889, %parallel_loop3A_890, %parallel_loop3A_891] {strides = array<i32>} : memref<2x64x128xf32, #tpu.memory_space<vmem>>, vector<1x1x16xf32>,
        %parallel_loop3A_893 = vector.shape_cast %parallel_loop3A_892 : vector<1x1x16xf32> to vector<16xf32>
        %parallel_loop3A_894 = arith.index_cast %rem3A_56 : i32 to index
        %parallel_loop3A_895 = arith.index_cast %parallel_loop3A_877 : i32 to index
        %parallel_loop3A_896 = arith.constant 16 : index
        %parallel_loop3A_897 = tpu.vector_load %arg14[%parallel_loop3A_894, %parallel_loop3A_895, %parallel_loop3A_896] {strides = array<i32>} : memref<2x64x128xf32, #tpu.memory_space<vmem>>, vector<1x1x16xf32>,
        %parallel_loop3A_898 = vector.shape_cast %parallel_loop3A_897 : vector<1x1x16xf32> to vector<16xf32>
        %parallel_loop3A_899 = arith.mulf %parallel_loop3A_893, %parallel_loop3A_898 : vector<16xf32>
        %parallel_loop3A_900 = arith.addf %parallel_loop3A_888, %parallel_loop3A_899 : vector<16xf32>
        %parallel_loop3A_901 = arith.index_cast %rem3A_56 : i32 to index
        %parallel_loop3A_902 = arith.index_cast %parallel_loop3A_877 : i32 to index
        %parallel_loop3A_903 = arith.constant 32 : index
        %parallel_loop3A_904 = tpu.vector_load %arg13[%parallel_loop3A_901, %parallel_loop3A_902, %parallel_loop3A_903] {strides = array<i32>} : memref<2x64x128xf32, #tpu.memory_space<vmem>>, vector<1x1x16xf32>,
        %parallel_loop3A_905 = vector.shape_cast %parallel_loop3A_904 : vector<1x1x16xf32> to vector<16xf32>
        %parallel_loop3A_906 = arith.index_cast %rem3A_56 : i32 to index
        %parallel_loop3A_907 = arith.index_cast %parallel_loop3A_877 : i32 to index
        %parallel_loop3A_908 = arith.constant 32 : index
        %parallel_loop3A_909 = tpu.vector_load %arg14[%parallel_loop3A_906, %parallel_loop3A_907, %parallel_loop3A_908] {strides = array<i32>} : memref<2x64x128xf32, #tpu.memory_space<vmem>>, vector<1x1x16xf32>,
        %parallel_loop3A_910 = vector.shape_cast %parallel_loop3A_909 : vector<1x1x16xf32> to vector<16xf32>
        %parallel_loop3A_911 = arith.mulf %parallel_loop3A_905, %parallel_loop3A_910 : vector<16xf32>
        %parallel_loop3A_912 = arith.addf %parallel_loop3A_900, %parallel_loop3A_911 : vector<16xf32>
        %parallel_loop3A_913 = arith.index_cast %rem3A_56 : i32 to index
        %parallel_loop3A_914 = arith.index_cast %parallel_loop3A_877 : i32 to index
        %parallel_loop3A_915 = arith.constant 48 : index
        %parallel_loop3A_916 = tpu.vector_load %arg13[%parallel_loop3A_913, %parallel_loop3A_914, %parallel_loop3A_915] {strides = array<i32>} : memref<2x64x128xf32, #tpu.memory_space<vmem>>, vector<1x1x16xf32>,
        %parallel_loop3A_917 = vector.shape_cast %parallel_loop3A_916 : vector<1x1x16xf32> to vector<16xf32>
        %parallel_loop3A_918 = arith.index_cast %rem3A_56 : i32 to index
        %parallel_loop3A_919 = arith.index_cast %parallel_loop3A_877 : i32 to index
        %parallel_loop3A_920 = arith.constant 48 : index
        %parallel_loop3A_921 = tpu.vector_load %arg14[%parallel_loop3A_918, %parallel_loop3A_919, %parallel_loop3A_920] {strides = array<i32>} : memref<2x64x128xf32, #tpu.memory_space<vmem>>, vector<1x1x16xf32>,
        %parallel_loop3A_922 = vector.shape_cast %parallel_loop3A_921 : vector<1x1x16xf32> to vector<16xf32>
        %parallel_loop3A_923 = arith.mulf %parallel_loop3A_917, %parallel_loop3A_922 : vector<16xf32>
        %parallel_loop3A_924 = arith.addf %parallel_loop3A_912, %parallel_loop3A_923 : vector<16xf32>
        %parallel_loop3A_925 = arith.index_cast %rem3A_56 : i32 to index
        %parallel_loop3A_926 = arith.index_cast %parallel_loop3A_877 : i32 to index
        %parallel_loop3A_927 = arith.constant 64 : index
        %parallel_loop3A_928 = tpu.vector_load %arg13[%parallel_loop3A_925, %parallel_loop3A_926, %parallel_loop3A_927] {strides = array<i32>} : memref<2x64x128xf32, #tpu.memory_space<vmem>>, vector<1x1x16xf32>,
        %parallel_loop3A_929 = vector.shape_cast %parallel_loop3A_928 : vector<1x1x16xf32> to vector<16xf32>
        %parallel_loop3A_930 = arith.index_cast %rem3A_56 : i32 to index
        %parallel_loop3A_931 = arith.index_cast %parallel_loop3A_877 : i32 to index
        %parallel_loop3A_932 = arith.constant 64 : index
        %parallel_loop3A_933 = tpu.vector_load %arg14[%parallel_loop3A_930, %parallel_loop3A_931, %parallel_loop3A_932] {strides = array<i32>} : memref<2x64x128xf32, #tpu.memory_space<vmem>>, vector<1x1x16xf32>,
        %parallel_loop3A_934 = vector.shape_cast %parallel_loop3A_933 : vector<1x1x16xf32> to vector<16xf32>
        %parallel_loop3A_935 = arith.mulf %parallel_loop3A_929, %parallel_loop3A_934 : vector<16xf32>
        %parallel_loop3A_936 = arith.addf %parallel_loop3A_924, %parallel_loop3A_935 : vector<16xf32>
        %parallel_loop3A_937 = arith.index_cast %rem3A_56 : i32 to index
        %parallel_loop3A_938 = arith.index_cast %parallel_loop3A_877 : i32 to index
        %parallel_loop3A_939 = arith.constant 80 : index
        %parallel_loop3A_940 = tpu.vector_load %arg13[%parallel_loop3A_937, %parallel_loop3A_938, %parallel_loop3A_939] {strides = array<i32>} : memref<2x64x128xf32, #tpu.memory_space<vmem>>, vector<1x1x16xf32>,
        %parallel_loop3A_941 = vector.shape_cast %parallel_loop3A_940 : vector<1x1x16xf32> to vector<16xf32>
        %parallel_loop3A_942 = arith.index_cast %rem3A_56 : i32 to index
        %parallel_loop3A_943 = arith.index_cast %parallel_loop3A_877 : i32 to index
        %parallel_loop3A_944 = arith.constant 80 : index
        %parallel_loop3A_945 = tpu.vector_load %arg14[%parallel_loop3A_942, %parallel_loop3A_943, %parallel_loop3A_944] {strides = array<i32>} : memref<2x64x128xf32, #tpu.memory_space<vmem>>, vector<1x1x16xf32>,
        %parallel_loop3A_946 = vector.shape_cast %parallel_loop3A_945 : vector<1x1x16xf32> to vector<16xf32>
        %parallel_loop3A_947 = arith.mulf %parallel_loop3A_941, %parallel_loop3A_946 : vector<16xf32>
        %parallel_loop3A_948 = arith.addf %parallel_loop3A_936, %parallel_loop3A_947 : vector<16xf32>
        %parallel_loop3A_949 = arith.index_cast %rem3A_56 : i32 to index
        %parallel_loop3A_950 = arith.index_cast %parallel_loop3A_877 : i32 to index
        %parallel_loop3A_951 = arith.constant 96 : index
        %parallel_loop3A_952 = tpu.vector_load %arg13[%parallel_loop3A_949, %parallel_loop3A_950, %parallel_loop3A_951] {strides = array<i32>} : memref<2x64x128xf32, #tpu.memory_space<vmem>>, vector<1x1x16xf32>,
        %parallel_loop3A_953 = vector.shape_cast %parallel_loop3A_952 : vector<1x1x16xf32> to vector<16xf32>
        %parallel_loop3A_954 = arith.index_cast %rem3A_56 : i32 to index
        %parallel_loop3A_955 = arith.index_cast %parallel_loop3A_877 : i32 to index
        %parallel_loop3A_956 = arith.constant 96 : index
        %parallel_loop3A_957 = tpu.vector_load %arg14[%parallel_loop3A_954, %parallel_loop3A_955, %parallel_loop3A_956] {strides = array<i32>} : memref<2x64x128xf32, #tpu.memory_space<vmem>>, vector<1x1x16xf32>,
        %parallel_loop3A_958 = vector.shape_cast %parallel_loop3A_957 : vector<1x1x16xf32> to vector<16xf32>
        %parallel_loop3A_959 = arith.mulf %parallel_loop3A_953, %parallel_loop3A_958 : vector<16xf32>
        %parallel_loop3A_960 = arith.addf %parallel_loop3A_948, %parallel_loop3A_959 : vector<16xf32>
        %parallel_loop3A_961 = arith.index_cast %rem3A_56 : i32 to index
        %parallel_loop3A_962 = arith.index_cast %parallel_loop3A_877 : i32 to index
        %parallel_loop3A_963 = arith.constant 112 : index
        %parallel_loop3A_964 = tpu.vector_load %arg13[%parallel_loop3A_961, %parallel_loop3A_962, %parallel_loop3A_963] {strides = array<i32>} : memref<2x64x128xf32, #tpu.memory_space<vmem>>, vector<1x1x16xf32>,
        %parallel_loop3A_965 = vector.shape_cast %parallel_loop3A_964 : vector<1x1x16xf32> to vector<16xf32>
        %parallel_loop3A_966 = arith.index_cast %rem3A_56 : i32 to index
        %parallel_loop3A_967 = arith.index_cast %parallel_loop3A_877 : i32 to index
        %parallel_loop3A_968 = arith.constant 112 : index
        %parallel_loop3A_969 = tpu.vector_load %arg14[%parallel_loop3A_966, %parallel_loop3A_967, %parallel_loop3A_968] {strides = array<i32>} : memref<2x64x128xf32, #tpu.memory_space<vmem>>, vector<1x1x16xf32>,
        %parallel_loop3A_970 = vector.shape_cast %parallel_loop3A_969 : vector<1x1x16xf32> to vector<16xf32>
        %parallel_loop3A_971 = arith.mulf %parallel_loop3A_965, %parallel_loop3A_970 : vector<16xf32>
        %parallel_loop3A_972 = arith.addf %parallel_loop3A_960, %parallel_loop3A_971 : vector<16xf32>
        %parallel_loop3A_973 = arith.constant 16 : i32
        %parallel_loop3A_974 = arith.muli %parallel_loop3A_80, %parallel_loop3A_973 : i32
        %parallel_loop3A_975 = arith.constant 9 : i32
        %parallel_loop3A_976 = arith.addi %parallel_loop3A_974, %parallel_loop3A_975 : i32
        %parallel_loop3A_977 = arith.index_cast %rem3A_56 : i32 to index
        %parallel_loop3A_978 = arith.index_cast %parallel_loop3A_976 : i32 to index
        %parallel_loop3A_979 = arith.constant 0 : index
        %parallel_loop3A_980 = tpu.vector_load %arg13[%parallel_loop3A_977, %parallel_loop3A_978, %parallel_loop3A_979] {strides = array<i32>} : memref<2x64x128xf32, #tpu.memory_space<vmem>>, vector<1x1x16xf32>,
        %parallel_loop3A_981 = vector.shape_cast %parallel_loop3A_980 : vector<1x1x16xf32> to vector<16xf32>
        %parallel_loop3A_982 = arith.index_cast %rem3A_56 : i32 to index
        %parallel_loop3A_983 = arith.index_cast %parallel_loop3A_976 : i32 to index
        %parallel_loop3A_984 = arith.constant 0 : index
        %parallel_loop3A_985 = tpu.vector_load %arg14[%parallel_loop3A_982, %parallel_loop3A_983, %parallel_loop3A_984] {strides = array<i32>} : memref<2x64x128xf32, #tpu.memory_space<vmem>>, vector<1x1x16xf32>,
        %parallel_loop3A_986 = vector.shape_cast %parallel_loop3A_985 : vector<1x1x16xf32> to vector<16xf32>
        %parallel_loop3A_987 = arith.mulf %parallel_loop3A_981, %parallel_loop3A_986 : vector<16xf32>
        %parallel_loop3A_988 = arith.index_cast %rem3A_56 : i32 to index
        %parallel_loop3A_989 = arith.index_cast %parallel_loop3A_976 : i32 to index
        %parallel_loop3A_990 = arith.constant 16 : index
        %parallel_loop3A_991 = tpu.vector_load %arg13[%parallel_loop3A_988, %parallel_loop3A_989, %parallel_loop3A_990] {strides = array<i32>} : memref<2x64x128xf32, #tpu.memory_space<vmem>>, vector<1x1x16xf32>,
        %parallel_loop3A_992 = vector.shape_cast %parallel_loop3A_991 : vector<1x1x16xf32> to vector<16xf32>
        %parallel_loop3A_993 = arith.index_cast %rem3A_56 : i32 to index
        %parallel_loop3A_994 = arith.index_cast %parallel_loop3A_976 : i32 to index
        %parallel_loop3A_995 = arith.constant 16 : index
        %parallel_loop3A_996 = tpu.vector_load %arg14[%parallel_loop3A_993, %parallel_loop3A_994, %parallel_loop3A_995] {strides = array<i32>} : memref<2x64x128xf32, #tpu.memory_space<vmem>>, vector<1x1x16xf32>,
        %parallel_loop3A_997 = vector.shape_cast %parallel_loop3A_996 : vector<1x1x16xf32> to vector<16xf32>
        %parallel_loop3A_998 = arith.mulf %parallel_loop3A_992, %parallel_loop3A_997 : vector<16xf32>
        %parallel_loop3A_999 = arith.addf %parallel_loop3A_987, %parallel_loop3A_998 : vector<16xf32>
        %parallel_loop3A_1000 = arith.index_cast %rem3A_56 : i32 to index
        %parallel_loop3A_1001 = arith.index_cast %parallel_loop3A_976 : i32 to index
        %parallel_loop3A_1002 = arith.constant 32 : index
        %parallel_loop3A_1003 = tpu.vector_load %arg13[%parallel_loop3A_1000, %parallel_loop3A_1001, %parallel_loop3A_1002] {strides = array<i32>} : memref<2x64x128xf32, #tpu.memory_space<vmem>>, vector<1x1x16xf32>,
        %parallel_loop3A_1004 = vector.shape_cast %parallel_loop3A_1003 : vector<1x1x16xf32> to vector<16xf32>
        %parallel_loop3A_1005 = arith.index_cast %rem3A_56 : i32 to index
        %parallel_loop3A_1006 = arith.index_cast %parallel_loop3A_976 : i32 to index
        %parallel_loop3A_1007 = arith.constant 32 : index
        %parallel_loop3A_1008 = tpu.vector_load %arg14[%parallel_loop3A_1005, %parallel_loop3A_1006, %parallel_loop3A_1007] {strides = array<i32>} : memref<2x64x128xf32, #tpu.memory_space<vmem>>, vector<1x1x16xf32>,
        %parallel_loop3A_1009 = vector.shape_cast %parallel_loop3A_1008 : vector<1x1x16xf32> to vector<16xf32>
        %parallel_loop3A_1010 = arith.mulf %parallel_loop3A_1004, %parallel_loop3A_1009 : vector<16xf32>
        %parallel_loop3A_1011 = arith.addf %parallel_loop3A_999, %parallel_loop3A_1010 : vector<16xf32>
        %parallel_loop3A_1012 = arith.index_cast %rem3A_56 : i32 to index
        %parallel_loop3A_1013 = arith.index_cast %parallel_loop3A_976 : i32 to index
        %parallel_loop3A_1014 = arith.constant 48 : index
        %parallel_loop3A_1015 = tpu.vector_load %arg13[%parallel_loop3A_1012, %parallel_loop3A_1013, %parallel_loop3A_1014] {strides = array<i32>} : memref<2x64x128xf32, #tpu.memory_space<vmem>>, vector<1x1x16xf32>,
        %parallel_loop3A_1016 = vector.shape_cast %parallel_loop3A_1015 : vector<1x1x16xf32> to vector<16xf32>
        %parallel_loop3A_1017 = arith.index_cast %rem3A_56 : i32 to index
        %parallel_loop3A_1018 = arith.index_cast %parallel_loop3A_976 : i32 to index
        %parallel_loop3A_1019 = arith.constant 48 : index
        %parallel_loop3A_1020 = tpu.vector_load %arg14[%parallel_loop3A_1017, %parallel_loop3A_1018, %parallel_loop3A_1019] {strides = array<i32>} : memref<2x64x128xf32, #tpu.memory_space<vmem>>, vector<1x1x16xf32>,
        %parallel_loop3A_1021 = vector.shape_cast %parallel_loop3A_1020 : vector<1x1x16xf32> to vector<16xf32>
        %parallel_loop3A_1022 = arith.mulf %parallel_loop3A_1016, %parallel_loop3A_1021 : vector<16xf32>
        %parallel_loop3A_1023 = arith.addf %parallel_loop3A_1011, %parallel_loop3A_1022 : vector<16xf32>
        %parallel_loop3A_1024 = arith.index_cast %rem3A_56 : i32 to index
        %parallel_loop3A_1025 = arith.index_cast %parallel_loop3A_976 : i32 to index
        %parallel_loop3A_1026 = arith.constant 64 : index
        %parallel_loop3A_1027 = tpu.vector_load %arg13[%parallel_loop3A_1024, %parallel_loop3A_1025, %parallel_loop3A_1026] {strides = array<i32>} : memref<2x64x128xf32, #tpu.memory_space<vmem>>, vector<1x1x16xf32>,
        %parallel_loop3A_1028 = vector.shape_cast %parallel_loop3A_1027 : vector<1x1x16xf32> to vector<16xf32>
        %parallel_loop3A_1029 = arith.index_cast %rem3A_56 : i32 to index
        %parallel_loop3A_1030 = arith.index_cast %parallel_loop3A_976 : i32 to index
        %parallel_loop3A_1031 = arith.constant 64 : index
        %parallel_loop3A_1032 = tpu.vector_load %arg14[%parallel_loop3A_1029, %parallel_loop3A_1030, %parallel_loop3A_1031] {strides = array<i32>} : memref<2x64x128xf32, #tpu.memory_space<vmem>>, vector<1x1x16xf32>,
        %parallel_loop3A_1033 = vector.shape_cast %parallel_loop3A_1032 : vector<1x1x16xf32> to vector<16xf32>
        %parallel_loop3A_1034 = arith.mulf %parallel_loop3A_1028, %parallel_loop3A_1033 : vector<16xf32>
        %parallel_loop3A_1035 = arith.addf %parallel_loop3A_1023, %parallel_loop3A_1034 : vector<16xf32>
        %parallel_loop3A_1036 = arith.index_cast %rem3A_56 : i32 to index
        %parallel_loop3A_1037 = arith.index_cast %parallel_loop3A_976 : i32 to index
        %parallel_loop3A_1038 = arith.constant 80 : index
        %parallel_loop3A_1039 = tpu.vector_load %arg13[%parallel_loop3A_1036, %parallel_loop3A_1037, %parallel_loop3A_1038] {strides = array<i32>} : memref<2x64x128xf32, #tpu.memory_space<vmem>>, vector<1x1x16xf32>,
        %parallel_loop3A_1040 = vector.shape_cast %parallel_loop3A_1039 : vector<1x1x16xf32> to vector<16xf32>
        %parallel_loop3A_1041 = arith.index_cast %rem3A_56 : i32 to index
        %parallel_loop3A_1042 = arith.index_cast %parallel_loop3A_976 : i32 to index
        %parallel_loop3A_1043 = arith.constant 80 : index
        %parallel_loop3A_1044 = tpu.vector_load %arg14[%parallel_loop3A_1041, %parallel_loop3A_1042, %parallel_loop3A_1043] {strides = array<i32>} : memref<2x64x128xf32, #tpu.memory_space<vmem>>, vector<1x1x16xf32>,
        %parallel_loop3A_1045 = vector.shape_cast %parallel_loop3A_1044 : vector<1x1x16xf32> to vector<16xf32>
        %parallel_loop3A_1046 = arith.mulf %parallel_loop3A_1040, %parallel_loop3A_1045 : vector<16xf32>
        %parallel_loop3A_1047 = arith.addf %parallel_loop3A_1035, %parallel_loop3A_1046 : vector<16xf32>
        %parallel_loop3A_1048 = arith.index_cast %rem3A_56 : i32 to index
        %parallel_loop3A_1049 = arith.index_cast %parallel_loop3A_976 : i32 to index
        %parallel_loop3A_1050 = arith.constant 96 : index
        %parallel_loop3A_1051 = tpu.vector_load %arg13[%parallel_loop3A_1048, %parallel_loop3A_1049, %parallel_loop3A_1050] {strides = array<i32>} : memref<2x64x128xf32, #tpu.memory_space<vmem>>, vector<1x1x16xf32>,
        %parallel_loop3A_1052 = vector.shape_cast %parallel_loop3A_1051 : vector<1x1x16xf32> to vector<16xf32>
        %parallel_loop3A_1053 = arith.index_cast %rem3A_56 : i32 to index
        %parallel_loop3A_1054 = arith.index_cast %parallel_loop3A_976 : i32 to index
        %parallel_loop3A_1055 = arith.constant 96 : index
        %parallel_loop3A_1056 = tpu.vector_load %arg14[%parallel_loop3A_1053, %parallel_loop3A_1054, %parallel_loop3A_1055] {strides = array<i32>} : memref<2x64x128xf32, #tpu.memory_space<vmem>>, vector<1x1x16xf32>,
        %parallel_loop3A_1057 = vector.shape_cast %parallel_loop3A_1056 : vector<1x1x16xf32> to vector<16xf32>
        %parallel_loop3A_1058 = arith.mulf %parallel_loop3A_1052, %parallel_loop3A_1057 : vector<16xf32>
        %parallel_loop3A_1059 = arith.addf %parallel_loop3A_1047, %parallel_loop3A_1058 : vector<16xf32>
        %parallel_loop3A_1060 = arith.index_cast %rem3A_56 : i32 to index
        %parallel_loop3A_1061 = arith.index_cast %parallel_loop3A_976 : i32 to index
        %parallel_loop3A_1062 = arith.constant 112 : index
        %parallel_loop3A_1063 = tpu.vector_load %arg13[%parallel_loop3A_1060, %parallel_loop3A_1061, %parallel_loop3A_1062] {strides = array<i32>} : memref<2x64x128xf32, #tpu.memory_space<vmem>>, vector<1x1x16xf32>,
        %parallel_loop3A_1064 = vector.shape_cast %parallel_loop3A_1063 : vector<1x1x16xf32> to vector<16xf32>
        %parallel_loop3A_1065 = arith.index_cast %rem3A_56 : i32 to index
        %parallel_loop3A_1066 = arith.index_cast %parallel_loop3A_976 : i32 to index
        %parallel_loop3A_1067 = arith.constant 112 : index
        %parallel_loop3A_1068 = tpu.vector_load %arg14[%parallel_loop3A_1065, %parallel_loop3A_1066, %parallel_loop3A_1067] {strides = array<i32>} : memref<2x64x128xf32, #tpu.memory_space<vmem>>, vector<1x1x16xf32>,
        %parallel_loop3A_1069 = vector.shape_cast %parallel_loop3A_1068 : vector<1x1x16xf32> to vector<16xf32>
        %parallel_loop3A_1070 = arith.mulf %parallel_loop3A_1064, %parallel_loop3A_1069 : vector<16xf32>
        %parallel_loop3A_1071 = arith.addf %parallel_loop3A_1059, %parallel_loop3A_1070 : vector<16xf32>
        %parallel_loop3A_1072 = arith.constant 16 : i32
        %parallel_loop3A_1073 = arith.muli %parallel_loop3A_80, %parallel_loop3A_1072 : i32
        %parallel_loop3A_1074 = arith.constant 10 : i32
        %parallel_loop3A_1075 = arith.addi %parallel_loop3A_1073, %parallel_loop3A_1074 : i32
        %parallel_loop3A_1076 = arith.index_cast %rem3A_56 : i32 to index
        %parallel_loop3A_1077 = arith.index_cast %parallel_loop3A_1075 : i32 to index
        %parallel_loop3A_1078 = arith.constant 0 : index
        %parallel_loop3A_1079 = tpu.vector_load %arg13[%parallel_loop3A_1076, %parallel_loop3A_1077, %parallel_loop3A_1078] {strides = array<i32>} : memref<2x64x128xf32, #tpu.memory_space<vmem>>, vector<1x1x16xf32>,
        %parallel_loop3A_1080 = vector.shape_cast %parallel_loop3A_1079 : vector<1x1x16xf32> to vector<16xf32>
        %parallel_loop3A_1081 = arith.index_cast %rem3A_56 : i32 to index
        %parallel_loop3A_1082 = arith.index_cast %parallel_loop3A_1075 : i32 to index
        %parallel_loop3A_1083 = arith.constant 0 : index
        %parallel_loop3A_1084 = tpu.vector_load %arg14[%parallel_loop3A_1081, %parallel_loop3A_1082, %parallel_loop3A_1083] {strides = array<i32>} : memref<2x64x128xf32, #tpu.memory_space<vmem>>, vector<1x1x16xf32>,
        %parallel_loop3A_1085 = vector.shape_cast %parallel_loop3A_1084 : vector<1x1x16xf32> to vector<16xf32>
        %parallel_loop3A_1086 = arith.mulf %parallel_loop3A_1080, %parallel_loop3A_1085 : vector<16xf32>
        %parallel_loop3A_1087 = arith.index_cast %rem3A_56 : i32 to index
        %parallel_loop3A_1088 = arith.index_cast %parallel_loop3A_1075 : i32 to index
        %parallel_loop3A_1089 = arith.constant 16 : index
        %parallel_loop3A_1090 = tpu.vector_load %arg13[%parallel_loop3A_1087, %parallel_loop3A_1088, %parallel_loop3A_1089] {strides = array<i32>} : memref<2x64x128xf32, #tpu.memory_space<vmem>>, vector<1x1x16xf32>,
        %parallel_loop3A_1091 = vector.shape_cast %parallel_loop3A_1090 : vector<1x1x16xf32> to vector<16xf32>
        %parallel_loop3A_1092 = arith.index_cast %rem3A_56 : i32 to index
        %parallel_loop3A_1093 = arith.index_cast %parallel_loop3A_1075 : i32 to index
        %parallel_loop3A_1094 = arith.constant 16 : index
        %parallel_loop3A_1095 = tpu.vector_load %arg14[%parallel_loop3A_1092, %parallel_loop3A_1093, %parallel_loop3A_1094] {strides = array<i32>} : memref<2x64x128xf32, #tpu.memory_space<vmem>>, vector<1x1x16xf32>,
        %parallel_loop3A_1096 = vector.shape_cast %parallel_loop3A_1095 : vector<1x1x16xf32> to vector<16xf32>
        %parallel_loop3A_1097 = arith.mulf %parallel_loop3A_1091, %parallel_loop3A_1096 : vector<16xf32>
        %parallel_loop3A_1098 = arith.addf %parallel_loop3A_1086, %parallel_loop3A_1097 : vector<16xf32>
        %parallel_loop3A_1099 = arith.index_cast %rem3A_56 : i32 to index
        %parallel_loop3A_1100 = arith.index_cast %parallel_loop3A_1075 : i32 to index
        %parallel_loop3A_1101 = arith.constant 32 : index
        %parallel_loop3A_1102 = tpu.vector_load %arg13[%parallel_loop3A_1099, %parallel_loop3A_1100, %parallel_loop3A_1101] {strides = array<i32>} : memref<2x64x128xf32, #tpu.memory_space<vmem>>, vector<1x1x16xf32>,
        %parallel_loop3A_1103 = vector.shape_cast %parallel_loop3A_1102 : vector<1x1x16xf32> to vector<16xf32>
        %parallel_loop3A_1104 = arith.index_cast %rem3A_56 : i32 to index
        %parallel_loop3A_1105 = arith.index_cast %parallel_loop3A_1075 : i32 to index
        %parallel_loop3A_1106 = arith.constant 32 : index
        %parallel_loop3A_1107 = tpu.vector_load %arg14[%parallel_loop3A_1104, %parallel_loop3A_1105, %parallel_loop3A_1106] {strides = array<i32>} : memref<2x64x128xf32, #tpu.memory_space<vmem>>, vector<1x1x16xf32>,
        %parallel_loop3A_1108 = vector.shape_cast %parallel_loop3A_1107 : vector<1x1x16xf32> to vector<16xf32>
        %parallel_loop3A_1109 = arith.mulf %parallel_loop3A_1103, %parallel_loop3A_1108 : vector<16xf32>
        %parallel_loop3A_1110 = arith.addf %parallel_loop3A_1098, %parallel_loop3A_1109 : vector<16xf32>
        %parallel_loop3A_1111 = arith.index_cast %rem3A_56 : i32 to index
        %parallel_loop3A_1112 = arith.index_cast %parallel_loop3A_1075 : i32 to index
        %parallel_loop3A_1113 = arith.constant 48 : index
        %parallel_loop3A_1114 = tpu.vector_load %arg13[%parallel_loop3A_1111, %parallel_loop3A_1112, %parallel_loop3A_1113] {strides = array<i32>} : memref<2x64x128xf32, #tpu.memory_space<vmem>>, vector<1x1x16xf32>,
        %parallel_loop3A_1115 = vector.shape_cast %parallel_loop3A_1114 : vector<1x1x16xf32> to vector<16xf32>
        %parallel_loop3A_1116 = arith.index_cast %rem3A_56 : i32 to index
        %parallel_loop3A_1117 = arith.index_cast %parallel_loop3A_1075 : i32 to index
        %parallel_loop3A_1118 = arith.constant 48 : index
        %parallel_loop3A_1119 = tpu.vector_load %arg14[%parallel_loop3A_1116, %parallel_loop3A_1117, %parallel_loop3A_1118] {strides = array<i32>} : memref<2x64x128xf32, #tpu.memory_space<vmem>>, vector<1x1x16xf32>,
        %parallel_loop3A_1120 = vector.shape_cast %parallel_loop3A_1119 : vector<1x1x16xf32> to vector<16xf32>
        %parallel_loop3A_1121 = arith.mulf %parallel_loop3A_1115, %parallel_loop3A_1120 : vector<16xf32>
        %parallel_loop3A_1122 = arith.addf %parallel_loop3A_1110, %parallel_loop3A_1121 : vector<16xf32>
        %parallel_loop3A_1123 = arith.index_cast %rem3A_56 : i32 to index
        %parallel_loop3A_1124 = arith.index_cast %parallel_loop3A_1075 : i32 to index
        %parallel_loop3A_1125 = arith.constant 64 : index
        %parallel_loop3A_1126 = tpu.vector_load %arg13[%parallel_loop3A_1123, %parallel_loop3A_1124, %parallel_loop3A_1125] {strides = array<i32>} : memref<2x64x128xf32, #tpu.memory_space<vmem>>, vector<1x1x16xf32>,
        %parallel_loop3A_1127 = vector.shape_cast %parallel_loop3A_1126 : vector<1x1x16xf32> to vector<16xf32>
        %parallel_loop3A_1128 = arith.index_cast %rem3A_56 : i32 to index
        %parallel_loop3A_1129 = arith.index_cast %parallel_loop3A_1075 : i32 to index
        %parallel_loop3A_1130 = arith.constant 64 : index
        %parallel_loop3A_1131 = tpu.vector_load %arg14[%parallel_loop3A_1128, %parallel_loop3A_1129, %parallel_loop3A_1130] {strides = array<i32>} : memref<2x64x128xf32, #tpu.memory_space<vmem>>, vector<1x1x16xf32>,
        %parallel_loop3A_1132 = vector.shape_cast %parallel_loop3A_1131 : vector<1x1x16xf32> to vector<16xf32>
        %parallel_loop3A_1133 = arith.mulf %parallel_loop3A_1127, %parallel_loop3A_1132 : vector<16xf32>
        %parallel_loop3A_1134 = arith.addf %parallel_loop3A_1122, %parallel_loop3A_1133 : vector<16xf32>
        %parallel_loop3A_1135 = arith.index_cast %rem3A_56 : i32 to index
        %parallel_loop3A_1136 = arith.index_cast %parallel_loop3A_1075 : i32 to index
        %parallel_loop3A_1137 = arith.constant 80 : index
        %parallel_loop3A_1138 = tpu.vector_load %arg13[%parallel_loop3A_1135, %parallel_loop3A_1136, %parallel_loop3A_1137] {strides = array<i32>} : memref<2x64x128xf32, #tpu.memory_space<vmem>>, vector<1x1x16xf32>,
        %parallel_loop3A_1139 = vector.shape_cast %parallel_loop3A_1138 : vector<1x1x16xf32> to vector<16xf32>
        %parallel_loop3A_1140 = arith.index_cast %rem3A_56 : i32 to index
        %parallel_loop3A_1141 = arith.index_cast %parallel_loop3A_1075 : i32 to index
        %parallel_loop3A_1142 = arith.constant 80 : index
        %parallel_loop3A_1143 = tpu.vector_load %arg14[%parallel_loop3A_1140, %parallel_loop3A_1141, %parallel_loop3A_1142] {strides = array<i32>} : memref<2x64x128xf32, #tpu.memory_space<vmem>>, vector<1x1x16xf32>,
        %parallel_loop3A_1144 = vector.shape_cast %parallel_loop3A_1143 : vector<1x1x16xf32> to vector<16xf32>
        %parallel_loop3A_1145 = arith.mulf %parallel_loop3A_1139, %parallel_loop3A_1144 : vector<16xf32>
        %parallel_loop3A_1146 = arith.addf %parallel_loop3A_1134, %parallel_loop3A_1145 : vector<16xf32>
        %parallel_loop3A_1147 = arith.index_cast %rem3A_56 : i32 to index
        %parallel_loop3A_1148 = arith.index_cast %parallel_loop3A_1075 : i32 to index
        %parallel_loop3A_1149 = arith.constant 96 : index
        %parallel_loop3A_1150 = tpu.vector_load %arg13[%parallel_loop3A_1147, %parallel_loop3A_1148, %parallel_loop3A_1149] {strides = array<i32>} : memref<2x64x128xf32, #tpu.memory_space<vmem>>, vector<1x1x16xf32>,
        %parallel_loop3A_1151 = vector.shape_cast %parallel_loop3A_1150 : vector<1x1x16xf32> to vector<16xf32>
        %parallel_loop3A_1152 = arith.index_cast %rem3A_56 : i32 to index
        %parallel_loop3A_1153 = arith.index_cast %parallel_loop3A_1075 : i32 to index
        %parallel_loop3A_1154 = arith.constant 96 : index
        %parallel_loop3A_1155 = tpu.vector_load %arg14[%parallel_loop3A_1152, %parallel_loop3A_1153, %parallel_loop3A_1154] {strides = array<i32>} : memref<2x64x128xf32, #tpu.memory_space<vmem>>, vector<1x1x16xf32>,
        %parallel_loop3A_1156 = vector.shape_cast %parallel_loop3A_1155 : vector<1x1x16xf32> to vector<16xf32>
        %parallel_loop3A_1157 = arith.mulf %parallel_loop3A_1151, %parallel_loop3A_1156 : vector<16xf32>
        %parallel_loop3A_1158 = arith.addf %parallel_loop3A_1146, %parallel_loop3A_1157 : vector<16xf32>
        %parallel_loop3A_1159 = arith.index_cast %rem3A_56 : i32 to index
        %parallel_loop3A_1160 = arith.index_cast %parallel_loop3A_1075 : i32 to index
        %parallel_loop3A_1161 = arith.constant 112 : index
        %parallel_loop3A_1162 = tpu.vector_load %arg13[%parallel_loop3A_1159, %parallel_loop3A_1160, %parallel_loop3A_1161] {strides = array<i32>} : memref<2x64x128xf32, #tpu.memory_space<vmem>>, vector<1x1x16xf32>,
        %parallel_loop3A_1163 = vector.shape_cast %parallel_loop3A_1162 : vector<1x1x16xf32> to vector<16xf32>
        %parallel_loop3A_1164 = arith.index_cast %rem3A_56 : i32 to index
        %parallel_loop3A_1165 = arith.index_cast %parallel_loop3A_1075 : i32 to index
        %parallel_loop3A_1166 = arith.constant 112 : index
        %parallel_loop3A_1167 = tpu.vector_load %arg14[%parallel_loop3A_1164, %parallel_loop3A_1165, %parallel_loop3A_1166] {strides = array<i32>} : memref<2x64x128xf32, #tpu.memory_space<vmem>>, vector<1x1x16xf32>,
        %parallel_loop3A_1168 = vector.shape_cast %parallel_loop3A_1167 : vector<1x1x16xf32> to vector<16xf32>
        %parallel_loop3A_1169 = arith.mulf %parallel_loop3A_1163, %parallel_loop3A_1168 : vector<16xf32>
        %parallel_loop3A_1170 = arith.addf %parallel_loop3A_1158, %parallel_loop3A_1169 : vector<16xf32>
        %parallel_loop3A_1171 = arith.constant 16 : i32
        %parallel_loop3A_1172 = arith.muli %parallel_loop3A_80, %parallel_loop3A_1171 : i32
        %parallel_loop3A_1173 = arith.constant 11 : i32
        %parallel_loop3A_1174 = arith.addi %parallel_loop3A_1172, %parallel_loop3A_1173 : i32
        %parallel_loop3A_1175 = arith.index_cast %rem3A_56 : i32 to index
        %parallel_loop3A_1176 = arith.index_cast %parallel_loop3A_1174 : i32 to index
        %parallel_loop3A_1177 = arith.constant 0 : index
        %parallel_loop3A_1178 = tpu.vector_load %arg13[%parallel_loop3A_1175, %parallel_loop3A_1176, %parallel_loop3A_1177] {strides = array<i32>} : memref<2x64x128xf32, #tpu.memory_space<vmem>>, vector<1x1x16xf32>,
        %parallel_loop3A_1179 = vector.shape_cast %parallel_loop3A_1178 : vector<1x1x16xf32> to vector<16xf32>
        %parallel_loop3A_1180 = arith.index_cast %rem3A_56 : i32 to index
        %parallel_loop3A_1181 = arith.index_cast %parallel_loop3A_1174 : i32 to index
        %parallel_loop3A_1182 = arith.constant 0 : index
        %parallel_loop3A_1183 = tpu.vector_load %arg14[%parallel_loop3A_1180, %parallel_loop3A_1181, %parallel_loop3A_1182] {strides = array<i32>} : memref<2x64x128xf32, #tpu.memory_space<vmem>>, vector<1x1x16xf32>,
        %parallel_loop3A_1184 = vector.shape_cast %parallel_loop3A_1183 : vector<1x1x16xf32> to vector<16xf32>
        %parallel_loop3A_1185 = arith.mulf %parallel_loop3A_1179, %parallel_loop3A_1184 : vector<16xf32>
        %parallel_loop3A_1186 = arith.index_cast %rem3A_56 : i32 to index
        %parallel_loop3A_1187 = arith.index_cast %parallel_loop3A_1174 : i32 to index
        %parallel_loop3A_1188 = arith.constant 16 : index
        %parallel_loop3A_1189 = tpu.vector_load %arg13[%parallel_loop3A_1186, %parallel_loop3A_1187, %parallel_loop3A_1188] {strides = array<i32>} : memref<2x64x128xf32, #tpu.memory_space<vmem>>, vector<1x1x16xf32>,
        %parallel_loop3A_1190 = vector.shape_cast %parallel_loop3A_1189 : vector<1x1x16xf32> to vector<16xf32>
        %parallel_loop3A_1191 = arith.index_cast %rem3A_56 : i32 to index
        %parallel_loop3A_1192 = arith.index_cast %parallel_loop3A_1174 : i32 to index
        %parallel_loop3A_1193 = arith.constant 16 : index
        %parallel_loop3A_1194 = tpu.vector_load %arg14[%parallel_loop3A_1191, %parallel_loop3A_1192, %parallel_loop3A_1193] {strides = array<i32>} : memref<2x64x128xf32, #tpu.memory_space<vmem>>, vector<1x1x16xf32>,
        %parallel_loop3A_1195 = vector.shape_cast %parallel_loop3A_1194 : vector<1x1x16xf32> to vector<16xf32>
        %parallel_loop3A_1196 = arith.mulf %parallel_loop3A_1190, %parallel_loop3A_1195 : vector<16xf32>
        %parallel_loop3A_1197 = arith.addf %parallel_loop3A_1185, %parallel_loop3A_1196 : vector<16xf32>
        %parallel_loop3A_1198 = arith.index_cast %rem3A_56 : i32 to index
        %parallel_loop3A_1199 = arith.index_cast %parallel_loop3A_1174 : i32 to index
        %parallel_loop3A_1200 = arith.constant 32 : index
        %parallel_loop3A_1201 = tpu.vector_load %arg13[%parallel_loop3A_1198, %parallel_loop3A_1199, %parallel_loop3A_1200] {strides = array<i32>} : memref<2x64x128xf32, #tpu.memory_space<vmem>>, vector<1x1x16xf32>,
        %parallel_loop3A_1202 = vector.shape_cast %parallel_loop3A_1201 : vector<1x1x16xf32> to vector<16xf32>
        %parallel_loop3A_1203 = arith.index_cast %rem3A_56 : i32 to index
        %parallel_loop3A_1204 = arith.index_cast %parallel_loop3A_1174 : i32 to index
        %parallel_loop3A_1205 = arith.constant 32 : index
        %parallel_loop3A_1206 = tpu.vector_load %arg14[%parallel_loop3A_1203, %parallel_loop3A_1204, %parallel_loop3A_1205] {strides = array<i32>} : memref<2x64x128xf32, #tpu.memory_space<vmem>>, vector<1x1x16xf32>,
        %parallel_loop3A_1207 = vector.shape_cast %parallel_loop3A_1206 : vector<1x1x16xf32> to vector<16xf32>
        %parallel_loop3A_1208 = arith.mulf %parallel_loop3A_1202, %parallel_loop3A_1207 : vector<16xf32>
        %parallel_loop3A_1209 = arith.addf %parallel_loop3A_1197, %parallel_loop3A_1208 : vector<16xf32>
        %parallel_loop3A_1210 = arith.index_cast %rem3A_56 : i32 to index
        %parallel_loop3A_1211 = arith.index_cast %parallel_loop3A_1174 : i32 to index
        %parallel_loop3A_1212 = arith.constant 48 : index
        %parallel_loop3A_1213 = tpu.vector_load %arg13[%parallel_loop3A_1210, %parallel_loop3A_1211, %parallel_loop3A_1212] {strides = array<i32>} : memref<2x64x128xf32, #tpu.memory_space<vmem>>, vector<1x1x16xf32>,
        %parallel_loop3A_1214 = vector.shape_cast %parallel_loop3A_1213 : vector<1x1x16xf32> to vector<16xf32>
        %parallel_loop3A_1215 = arith.index_cast %rem3A_56 : i32 to index
        %parallel_loop3A_1216 = arith.index_cast %parallel_loop3A_1174 : i32 to index
        %parallel_loop3A_1217 = arith.constant 48 : index
        %parallel_loop3A_1218 = tpu.vector_load %arg14[%parallel_loop3A_1215, %parallel_loop3A_1216, %parallel_loop3A_1217] {strides = array<i32>} : memref<2x64x128xf32, #tpu.memory_space<vmem>>, vector<1x1x16xf32>,
        %parallel_loop3A_1219 = vector.shape_cast %parallel_loop3A_1218 : vector<1x1x16xf32> to vector<16xf32>
        %parallel_loop3A_1220 = arith.mulf %parallel_loop3A_1214, %parallel_loop3A_1219 : vector<16xf32>
        %parallel_loop3A_1221 = arith.addf %parallel_loop3A_1209, %parallel_loop3A_1220 : vector<16xf32>
        %parallel_loop3A_1222 = arith.index_cast %rem3A_56 : i32 to index
        %parallel_loop3A_1223 = arith.index_cast %parallel_loop3A_1174 : i32 to index
        %parallel_loop3A_1224 = arith.constant 64 : index
        %parallel_loop3A_1225 = tpu.vector_load %arg13[%parallel_loop3A_1222, %parallel_loop3A_1223, %parallel_loop3A_1224] {strides = array<i32>} : memref<2x64x128xf32, #tpu.memory_space<vmem>>, vector<1x1x16xf32>,
        %parallel_loop3A_1226 = vector.shape_cast %parallel_loop3A_1225 : vector<1x1x16xf32> to vector<16xf32>
        %parallel_loop3A_1227 = arith.index_cast %rem3A_56 : i32 to index
        %parallel_loop3A_1228 = arith.index_cast %parallel_loop3A_1174 : i32 to index
        %parallel_loop3A_1229 = arith.constant 64 : index
        %parallel_loop3A_1230 = tpu.vector_load %arg14[%parallel_loop3A_1227, %parallel_loop3A_1228, %parallel_loop3A_1229] {strides = array<i32>} : memref<2x64x128xf32, #tpu.memory_space<vmem>>, vector<1x1x16xf32>,
        %parallel_loop3A_1231 = vector.shape_cast %parallel_loop3A_1230 : vector<1x1x16xf32> to vector<16xf32>
        %parallel_loop3A_1232 = arith.mulf %parallel_loop3A_1226, %parallel_loop3A_1231 : vector<16xf32>
        %parallel_loop3A_1233 = arith.addf %parallel_loop3A_1221, %parallel_loop3A_1232 : vector<16xf32>
        %parallel_loop3A_1234 = arith.index_cast %rem3A_56 : i32 to index
        %parallel_loop3A_1235 = arith.index_cast %parallel_loop3A_1174 : i32 to index
        %parallel_loop3A_1236 = arith.constant 80 : index
        %parallel_loop3A_1237 = tpu.vector_load %arg13[%parallel_loop3A_1234, %parallel_loop3A_1235, %parallel_loop3A_1236] {strides = array<i32>} : memref<2x64x128xf32, #tpu.memory_space<vmem>>, vector<1x1x16xf32>,
        %parallel_loop3A_1238 = vector.shape_cast %parallel_loop3A_1237 : vector<1x1x16xf32> to vector<16xf32>
        %parallel_loop3A_1239 = arith.index_cast %rem3A_56 : i32 to index
        %parallel_loop3A_1240 = arith.index_cast %parallel_loop3A_1174 : i32 to index
        %parallel_loop3A_1241 = arith.constant 80 : index
        %parallel_loop3A_1242 = tpu.vector_load %arg14[%parallel_loop3A_1239, %parallel_loop3A_1240, %parallel_loop3A_1241] {strides = array<i32>} : memref<2x64x128xf32, #tpu.memory_space<vmem>>, vector<1x1x16xf32>,
        %parallel_loop3A_1243 = vector.shape_cast %parallel_loop3A_1242 : vector<1x1x16xf32> to vector<16xf32>
        %parallel_loop3A_1244 = arith.mulf %parallel_loop3A_1238, %parallel_loop3A_1243 : vector<16xf32>
        %parallel_loop3A_1245 = arith.addf %parallel_loop3A_1233, %parallel_loop3A_1244 : vector<16xf32>
        %parallel_loop3A_1246 = arith.index_cast %rem3A_56 : i32 to index
        %parallel_loop3A_1247 = arith.index_cast %parallel_loop3A_1174 : i32 to index
        %parallel_loop3A_1248 = arith.constant 96 : index
        %parallel_loop3A_1249 = tpu.vector_load %arg13[%parallel_loop3A_1246, %parallel_loop3A_1247, %parallel_loop3A_1248] {strides = array<i32>} : memref<2x64x128xf32, #tpu.memory_space<vmem>>, vector<1x1x16xf32>,
        %parallel_loop3A_1250 = vector.shape_cast %parallel_loop3A_1249 : vector<1x1x16xf32> to vector<16xf32>
        %parallel_loop3A_1251 = arith.index_cast %rem3A_56 : i32 to index
        %parallel_loop3A_1252 = arith.index_cast %parallel_loop3A_1174 : i32 to index
        %parallel_loop3A_1253 = arith.constant 96 : index
        %parallel_loop3A_1254 = tpu.vector_load %arg14[%parallel_loop3A_1251, %parallel_loop3A_1252, %parallel_loop3A_1253] {strides = array<i32>} : memref<2x64x128xf32, #tpu.memory_space<vmem>>, vector<1x1x16xf32>,
        %parallel_loop3A_1255 = vector.shape_cast %parallel_loop3A_1254 : vector<1x1x16xf32> to vector<16xf32>
        %parallel_loop3A_1256 = arith.mulf %parallel_loop3A_1250, %parallel_loop3A_1255 : vector<16xf32>
        %parallel_loop3A_1257 = arith.addf %parallel_loop3A_1245, %parallel_loop3A_1256 : vector<16xf32>
        %parallel_loop3A_1258 = arith.index_cast %rem3A_56 : i32 to index
        %parallel_loop3A_1259 = arith.index_cast %parallel_loop3A_1174 : i32 to index
        %parallel_loop3A_1260 = arith.constant 112 : index
        %parallel_loop3A_1261 = tpu.vector_load %arg13[%parallel_loop3A_1258, %parallel_loop3A_1259, %parallel_loop3A_1260] {strides = array<i32>} : memref<2x64x128xf32, #tpu.memory_space<vmem>>, vector<1x1x16xf32>,
        %parallel_loop3A_1262 = vector.shape_cast %parallel_loop3A_1261 : vector<1x1x16xf32> to vector<16xf32>
        %parallel_loop3A_1263 = arith.index_cast %rem3A_56 : i32 to index
        %parallel_loop3A_1264 = arith.index_cast %parallel_loop3A_1174 : i32 to index
        %parallel_loop3A_1265 = arith.constant 112 : index
        %parallel_loop3A_1266 = tpu.vector_load %arg14[%parallel_loop3A_1263, %parallel_loop3A_1264, %parallel_loop3A_1265] {strides = array<i32>} : memref<2x64x128xf32, #tpu.memory_space<vmem>>, vector<1x1x16xf32>,
        %parallel_loop3A_1267 = vector.shape_cast %parallel_loop3A_1266 : vector<1x1x16xf32> to vector<16xf32>
        %parallel_loop3A_1268 = arith.mulf %parallel_loop3A_1262, %parallel_loop3A_1267 : vector<16xf32>
        %parallel_loop3A_1269 = arith.addf %parallel_loop3A_1257, %parallel_loop3A_1268 : vector<16xf32>
        %parallel_loop3A_1270 = arith.constant 16 : i32
        %parallel_loop3A_1271 = arith.muli %parallel_loop3A_80, %parallel_loop3A_1270 : i32
        %parallel_loop3A_1272 = arith.constant 12 : i32
        %parallel_loop3A_1273 = arith.addi %parallel_loop3A_1271, %parallel_loop3A_1272 : i32
        %parallel_loop3A_1274 = arith.index_cast %rem3A_56 : i32 to index
        %parallel_loop3A_1275 = arith.index_cast %parallel_loop3A_1273 : i32 to index
        %parallel_loop3A_1276 = arith.constant 0 : index
        %parallel_loop3A_1277 = tpu.vector_load %arg13[%parallel_loop3A_1274, %parallel_loop3A_1275, %parallel_loop3A_1276] {strides = array<i32>} : memref<2x64x128xf32, #tpu.memory_space<vmem>>, vector<1x1x16xf32>,
        %parallel_loop3A_1278 = vector.shape_cast %parallel_loop3A_1277 : vector<1x1x16xf32> to vector<16xf32>
        %parallel_loop3A_1279 = arith.index_cast %rem3A_56 : i32 to index
        %parallel_loop3A_1280 = arith.index_cast %parallel_loop3A_1273 : i32 to index
        %parallel_loop3A_1281 = arith.constant 0 : index
        %parallel_loop3A_1282 = tpu.vector_load %arg14[%parallel_loop3A_1279, %parallel_loop3A_1280, %parallel_loop3A_1281] {strides = array<i32>} : memref<2x64x128xf32, #tpu.memory_space<vmem>>, vector<1x1x16xf32>,
        %parallel_loop3A_1283 = vector.shape_cast %parallel_loop3A_1282 : vector<1x1x16xf32> to vector<16xf32>
        %parallel_loop3A_1284 = arith.mulf %parallel_loop3A_1278, %parallel_loop3A_1283 : vector<16xf32>
        %parallel_loop3A_1285 = arith.index_cast %rem3A_56 : i32 to index
        %parallel_loop3A_1286 = arith.index_cast %parallel_loop3A_1273 : i32 to index
        %parallel_loop3A_1287 = arith.constant 16 : index
        %parallel_loop3A_1288 = tpu.vector_load %arg13[%parallel_loop3A_1285, %parallel_loop3A_1286, %parallel_loop3A_1287] {strides = array<i32>} : memref<2x64x128xf32, #tpu.memory_space<vmem>>, vector<1x1x16xf32>,
        %parallel_loop3A_1289 = vector.shape_cast %parallel_loop3A_1288 : vector<1x1x16xf32> to vector<16xf32>
        %parallel_loop3A_1290 = arith.index_cast %rem3A_56 : i32 to index
        %parallel_loop3A_1291 = arith.index_cast %parallel_loop3A_1273 : i32 to index
        %parallel_loop3A_1292 = arith.constant 16 : index
        %parallel_loop3A_1293 = tpu.vector_load %arg14[%parallel_loop3A_1290, %parallel_loop3A_1291, %parallel_loop3A_1292] {strides = array<i32>} : memref<2x64x128xf32, #tpu.memory_space<vmem>>, vector<1x1x16xf32>,
        %parallel_loop3A_1294 = vector.shape_cast %parallel_loop3A_1293 : vector<1x1x16xf32> to vector<16xf32>
        %parallel_loop3A_1295 = arith.mulf %parallel_loop3A_1289, %parallel_loop3A_1294 : vector<16xf32>
        %parallel_loop3A_1296 = arith.addf %parallel_loop3A_1284, %parallel_loop3A_1295 : vector<16xf32>
        %parallel_loop3A_1297 = arith.index_cast %rem3A_56 : i32 to index
        %parallel_loop3A_1298 = arith.index_cast %parallel_loop3A_1273 : i32 to index
        %parallel_loop3A_1299 = arith.constant 32 : index
        %parallel_loop3A_1300 = tpu.vector_load %arg13[%parallel_loop3A_1297, %parallel_loop3A_1298, %parallel_loop3A_1299] {strides = array<i32>} : memref<2x64x128xf32, #tpu.memory_space<vmem>>, vector<1x1x16xf32>,
        %parallel_loop3A_1301 = vector.shape_cast %parallel_loop3A_1300 : vector<1x1x16xf32> to vector<16xf32>
        %parallel_loop3A_1302 = arith.index_cast %rem3A_56 : i32 to index
        %parallel_loop3A_1303 = arith.index_cast %parallel_loop3A_1273 : i32 to index
        %parallel_loop3A_1304 = arith.constant 32 : index
        %parallel_loop3A_1305 = tpu.vector_load %arg14[%parallel_loop3A_1302, %parallel_loop3A_1303, %parallel_loop3A_1304] {strides = array<i32>} : memref<2x64x128xf32, #tpu.memory_space<vmem>>, vector<1x1x16xf32>,
        %parallel_loop3A_1306 = vector.shape_cast %parallel_loop3A_1305 : vector<1x1x16xf32> to vector<16xf32>
        %parallel_loop3A_1307 = arith.mulf %parallel_loop3A_1301, %parallel_loop3A_1306 : vector<16xf32>
        %parallel_loop3A_1308 = arith.addf %parallel_loop3A_1296, %parallel_loop3A_1307 : vector<16xf32>
        %parallel_loop3A_1309 = arith.index_cast %rem3A_56 : i32 to index
        %parallel_loop3A_1310 = arith.index_cast %parallel_loop3A_1273 : i32 to index
        %parallel_loop3A_1311 = arith.constant 48 : index
        %parallel_loop3A_1312 = tpu.vector_load %arg13[%parallel_loop3A_1309, %parallel_loop3A_1310, %parallel_loop3A_1311] {strides = array<i32>} : memref<2x64x128xf32, #tpu.memory_space<vmem>>, vector<1x1x16xf32>,
        %parallel_loop3A_1313 = vector.shape_cast %parallel_loop3A_1312 : vector<1x1x16xf32> to vector<16xf32>
        %parallel_loop3A_1314 = arith.index_cast %rem3A_56 : i32 to index
        %parallel_loop3A_1315 = arith.index_cast %parallel_loop3A_1273 : i32 to index
        %parallel_loop3A_1316 = arith.constant 48 : index
        %parallel_loop3A_1317 = tpu.vector_load %arg14[%parallel_loop3A_1314, %parallel_loop3A_1315, %parallel_loop3A_1316] {strides = array<i32>} : memref<2x64x128xf32, #tpu.memory_space<vmem>>, vector<1x1x16xf32>,
        %parallel_loop3A_1318 = vector.shape_cast %parallel_loop3A_1317 : vector<1x1x16xf32> to vector<16xf32>
        %parallel_loop3A_1319 = arith.mulf %parallel_loop3A_1313, %parallel_loop3A_1318 : vector<16xf32>
        %parallel_loop3A_1320 = arith.addf %parallel_loop3A_1308, %parallel_loop3A_1319 : vector<16xf32>
        %parallel_loop3A_1321 = arith.index_cast %rem3A_56 : i32 to index
        %parallel_loop3A_1322 = arith.index_cast %parallel_loop3A_1273 : i32 to index
        %parallel_loop3A_1323 = arith.constant 64 : index
        %parallel_loop3A_1324 = tpu.vector_load %arg13[%parallel_loop3A_1321, %parallel_loop3A_1322, %parallel_loop3A_1323] {strides = array<i32>} : memref<2x64x128xf32, #tpu.memory_space<vmem>>, vector<1x1x16xf32>,
        %parallel_loop3A_1325 = vector.shape_cast %parallel_loop3A_1324 : vector<1x1x16xf32> to vector<16xf32>
        %parallel_loop3A_1326 = arith.index_cast %rem3A_56 : i32 to index
        %parallel_loop3A_1327 = arith.index_cast %parallel_loop3A_1273 : i32 to index
        %parallel_loop3A_1328 = arith.constant 64 : index
        %parallel_loop3A_1329 = tpu.vector_load %arg14[%parallel_loop3A_1326, %parallel_loop3A_1327, %parallel_loop3A_1328] {strides = array<i32>} : memref<2x64x128xf32, #tpu.memory_space<vmem>>, vector<1x1x16xf32>,
        %parallel_loop3A_1330 = vector.shape_cast %parallel_loop3A_1329 : vector<1x1x16xf32> to vector<16xf32>
        %parallel_loop3A_1331 = arith.mulf %parallel_loop3A_1325, %parallel_loop3A_1330 : vector<16xf32>
        %parallel_loop3A_1332 = arith.addf %parallel_loop3A_1320, %parallel_loop3A_1331 : vector<16xf32>
        %parallel_loop3A_1333 = arith.index_cast %rem3A_56 : i32 to index
        %parallel_loop3A_1334 = arith.index_cast %parallel_loop3A_1273 : i32 to index
        %parallel_loop3A_1335 = arith.constant 80 : index
        %parallel_loop3A_1336 = tpu.vector_load %arg13[%parallel_loop3A_1333, %parallel_loop3A_1334, %parallel_loop3A_1335] {strides = array<i32>} : memref<2x64x128xf32, #tpu.memory_space<vmem>>, vector<1x1x16xf32>,
        %parallel_loop3A_1337 = vector.shape_cast %parallel_loop3A_1336 : vector<1x1x16xf32> to vector<16xf32>
        %parallel_loop3A_1338 = arith.index_cast %rem3A_56 : i32 to index
        %parallel_loop3A_1339 = arith.index_cast %parallel_loop3A_1273 : i32 to index
        %parallel_loop3A_1340 = arith.constant 80 : index
        %parallel_loop3A_1341 = tpu.vector_load %arg14[%parallel_loop3A_1338, %parallel_loop3A_1339, %parallel_loop3A_1340] {strides = array<i32>} : memref<2x64x128xf32, #tpu.memory_space<vmem>>, vector<1x1x16xf32>,
        %parallel_loop3A_1342 = vector.shape_cast %parallel_loop3A_1341 : vector<1x1x16xf32> to vector<16xf32>
        %parallel_loop3A_1343 = arith.mulf %parallel_loop3A_1337, %parallel_loop3A_1342 : vector<16xf32>
        %parallel_loop3A_1344 = arith.addf %parallel_loop3A_1332, %parallel_loop3A_1343 : vector<16xf32>
        %parallel_loop3A_1345 = arith.index_cast %rem3A_56 : i32 to index
        %parallel_loop3A_1346 = arith.index_cast %parallel_loop3A_1273 : i32 to index
        %parallel_loop3A_1347 = arith.constant 96 : index
        %parallel_loop3A_1348 = tpu.vector_load %arg13[%parallel_loop3A_1345, %parallel_loop3A_1346, %parallel_loop3A_1347] {strides = array<i32>} : memref<2x64x128xf32, #tpu.memory_space<vmem>>, vector<1x1x16xf32>,
        %parallel_loop3A_1349 = vector.shape_cast %parallel_loop3A_1348 : vector<1x1x16xf32> to vector<16xf32>
        %parallel_loop3A_1350 = arith.index_cast %rem3A_56 : i32 to index
        %parallel_loop3A_1351 = arith.index_cast %parallel_loop3A_1273 : i32 to index
        %parallel_loop3A_1352 = arith.constant 96 : index
        %parallel_loop3A_1353 = tpu.vector_load %arg14[%parallel_loop3A_1350, %parallel_loop3A_1351, %parallel_loop3A_1352] {strides = array<i32>} : memref<2x64x128xf32, #tpu.memory_space<vmem>>, vector<1x1x16xf32>,
        %parallel_loop3A_1354 = vector.shape_cast %parallel_loop3A_1353 : vector<1x1x16xf32> to vector<16xf32>
        %parallel_loop3A_1355 = arith.mulf %parallel_loop3A_1349, %parallel_loop3A_1354 : vector<16xf32>
        %parallel_loop3A_1356 = arith.addf %parallel_loop3A_1344, %parallel_loop3A_1355 : vector<16xf32>
        %parallel_loop3A_1357 = arith.index_cast %rem3A_56 : i32 to index
        %parallel_loop3A_1358 = arith.index_cast %parallel_loop3A_1273 : i32 to index
        %parallel_loop3A_1359 = arith.constant 112 : index
        %parallel_loop3A_1360 = tpu.vector_load %arg13[%parallel_loop3A_1357, %parallel_loop3A_1358, %parallel_loop3A_1359] {strides = array<i32>} : memref<2x64x128xf32, #tpu.memory_space<vmem>>, vector<1x1x16xf32>,
        %parallel_loop3A_1361 = vector.shape_cast %parallel_loop3A_1360 : vector<1x1x16xf32> to vector<16xf32>
        %parallel_loop3A_1362 = arith.index_cast %rem3A_56 : i32 to index
        %parallel_loop3A_1363 = arith.index_cast %parallel_loop3A_1273 : i32 to index
        %parallel_loop3A_1364 = arith.constant 112 : index
        %parallel_loop3A_1365 = tpu.vector_load %arg14[%parallel_loop3A_1362, %parallel_loop3A_1363, %parallel_loop3A_1364] {strides = array<i32>} : memref<2x64x128xf32, #tpu.memory_space<vmem>>, vector<1x1x16xf32>,
        %parallel_loop3A_1366 = vector.shape_cast %parallel_loop3A_1365 : vector<1x1x16xf32> to vector<16xf32>
        %parallel_loop3A_1367 = arith.mulf %parallel_loop3A_1361, %parallel_loop3A_1366 : vector<16xf32>
        %parallel_loop3A_1368 = arith.addf %parallel_loop3A_1356, %parallel_loop3A_1367 : vector<16xf32>
        %parallel_loop3A_1369 = arith.constant 16 : i32
        %parallel_loop3A_1370 = arith.muli %parallel_loop3A_80, %parallel_loop3A_1369 : i32
        %parallel_loop3A_1371 = arith.constant 13 : i32
        %parallel_loop3A_1372 = arith.addi %parallel_loop3A_1370, %parallel_loop3A_1371 : i32
        %parallel_loop3A_1373 = arith.index_cast %rem3A_56 : i32 to index
        %parallel_loop3A_1374 = arith.index_cast %parallel_loop3A_1372 : i32 to index
        %parallel_loop3A_1375 = arith.constant 0 : index
        %parallel_loop3A_1376 = tpu.vector_load %arg13[%parallel_loop3A_1373, %parallel_loop3A_1374, %parallel_loop3A_1375] {strides = array<i32>} : memref<2x64x128xf32, #tpu.memory_space<vmem>>, vector<1x1x16xf32>,
        %parallel_loop3A_1377 = vector.shape_cast %parallel_loop3A_1376 : vector<1x1x16xf32> to vector<16xf32>
        %parallel_loop3A_1378 = arith.index_cast %rem3A_56 : i32 to index
        %parallel_loop3A_1379 = arith.index_cast %parallel_loop3A_1372 : i32 to index
        %parallel_loop3A_1380 = arith.constant 0 : index
        %parallel_loop3A_1381 = tpu.vector_load %arg14[%parallel_loop3A_1378, %parallel_loop3A_1379, %parallel_loop3A_1380] {strides = array<i32>} : memref<2x64x128xf32, #tpu.memory_space<vmem>>, vector<1x1x16xf32>,
        %parallel_loop3A_1382 = vector.shape_cast %parallel_loop3A_1381 : vector<1x1x16xf32> to vector<16xf32>
        %parallel_loop3A_1383 = arith.mulf %parallel_loop3A_1377, %parallel_loop3A_1382 : vector<16xf32>
        %parallel_loop3A_1384 = arith.index_cast %rem3A_56 : i32 to index
        %parallel_loop3A_1385 = arith.index_cast %parallel_loop3A_1372 : i32 to index
        %parallel_loop3A_1386 = arith.constant 16 : index
        %parallel_loop3A_1387 = tpu.vector_load %arg13[%parallel_loop3A_1384, %parallel_loop3A_1385, %parallel_loop3A_1386] {strides = array<i32>} : memref<2x64x128xf32, #tpu.memory_space<vmem>>, vector<1x1x16xf32>,
        %parallel_loop3A_1388 = vector.shape_cast %parallel_loop3A_1387 : vector<1x1x16xf32> to vector<16xf32>
        %parallel_loop3A_1389 = arith.index_cast %rem3A_56 : i32 to index
        %parallel_loop3A_1390 = arith.index_cast %parallel_loop3A_1372 : i32 to index
        %parallel_loop3A_1391 = arith.constant 16 : index
        %parallel_loop3A_1392 = tpu.vector_load %arg14[%parallel_loop3A_1389, %parallel_loop3A_1390, %parallel_loop3A_1391] {strides = array<i32>} : memref<2x64x128xf32, #tpu.memory_space<vmem>>, vector<1x1x16xf32>,
        %parallel_loop3A_1393 = vector.shape_cast %parallel_loop3A_1392 : vector<1x1x16xf32> to vector<16xf32>
        %parallel_loop3A_1394 = arith.mulf %parallel_loop3A_1388, %parallel_loop3A_1393 : vector<16xf32>
        %parallel_loop3A_1395 = arith.addf %parallel_loop3A_1383, %parallel_loop3A_1394 : vector<16xf32>
        %parallel_loop3A_1396 = arith.index_cast %rem3A_56 : i32 to index
        %parallel_loop3A_1397 = arith.index_cast %parallel_loop3A_1372 : i32 to index
        %parallel_loop3A_1398 = arith.constant 32 : index
        %parallel_loop3A_1399 = tpu.vector_load %arg13[%parallel_loop3A_1396, %parallel_loop3A_1397, %parallel_loop3A_1398] {strides = array<i32>} : memref<2x64x128xf32, #tpu.memory_space<vmem>>, vector<1x1x16xf32>,
        %parallel_loop3A_1400 = vector.shape_cast %parallel_loop3A_1399 : vector<1x1x16xf32> to vector<16xf32>
        %parallel_loop3A_1401 = arith.index_cast %rem3A_56 : i32 to index
        %parallel_loop3A_1402 = arith.index_cast %parallel_loop3A_1372 : i32 to index
        %parallel_loop3A_1403 = arith.constant 32 : index
        %parallel_loop3A_1404 = tpu.vector_load %arg14[%parallel_loop3A_1401, %parallel_loop3A_1402, %parallel_loop3A_1403] {strides = array<i32>} : memref<2x64x128xf32, #tpu.memory_space<vmem>>, vector<1x1x16xf32>,
        %parallel_loop3A_1405 = vector.shape_cast %parallel_loop3A_1404 : vector<1x1x16xf32> to vector<16xf32>
        %parallel_loop3A_1406 = arith.mulf %parallel_loop3A_1400, %parallel_loop3A_1405 : vector<16xf32>
        %parallel_loop3A_1407 = arith.addf %parallel_loop3A_1395, %parallel_loop3A_1406 : vector<16xf32>
        %parallel_loop3A_1408 = arith.index_cast %rem3A_56 : i32 to index
        %parallel_loop3A_1409 = arith.index_cast %parallel_loop3A_1372 : i32 to index
        %parallel_loop3A_1410 = arith.constant 48 : index
        %parallel_loop3A_1411 = tpu.vector_load %arg13[%parallel_loop3A_1408, %parallel_loop3A_1409, %parallel_loop3A_1410] {strides = array<i32>} : memref<2x64x128xf32, #tpu.memory_space<vmem>>, vector<1x1x16xf32>,
        %parallel_loop3A_1412 = vector.shape_cast %parallel_loop3A_1411 : vector<1x1x16xf32> to vector<16xf32>
        %parallel_loop3A_1413 = arith.index_cast %rem3A_56 : i32 to index
        %parallel_loop3A_1414 = arith.index_cast %parallel_loop3A_1372 : i32 to index
        %parallel_loop3A_1415 = arith.constant 48 : index
        %parallel_loop3A_1416 = tpu.vector_load %arg14[%parallel_loop3A_1413, %parallel_loop3A_1414, %parallel_loop3A_1415] {strides = array<i32>} : memref<2x64x128xf32, #tpu.memory_space<vmem>>, vector<1x1x16xf32>,
        %parallel_loop3A_1417 = vector.shape_cast %parallel_loop3A_1416 : vector<1x1x16xf32> to vector<16xf32>
        %parallel_loop3A_1418 = arith.mulf %parallel_loop3A_1412, %parallel_loop3A_1417 : vector<16xf32>
        %parallel_loop3A_1419 = arith.addf %parallel_loop3A_1407, %parallel_loop3A_1418 : vector<16xf32>
        %parallel_loop3A_1420 = arith.index_cast %rem3A_56 : i32 to index
        %parallel_loop3A_1421 = arith.index_cast %parallel_loop3A_1372 : i32 to index
        %parallel_loop3A_1422 = arith.constant 64 : index
        %parallel_loop3A_1423 = tpu.vector_load %arg13[%parallel_loop3A_1420, %parallel_loop3A_1421, %parallel_loop3A_1422] {strides = array<i32>} : memref<2x64x128xf32, #tpu.memory_space<vmem>>, vector<1x1x16xf32>,
        %parallel_loop3A_1424 = vector.shape_cast %parallel_loop3A_1423 : vector<1x1x16xf32> to vector<16xf32>
        %parallel_loop3A_1425 = arith.index_cast %rem3A_56 : i32 to index
        %parallel_loop3A_1426 = arith.index_cast %parallel_loop3A_1372 : i32 to index
        %parallel_loop3A_1427 = arith.constant 64 : index
        %parallel_loop3A_1428 = tpu.vector_load %arg14[%parallel_loop3A_1425, %parallel_loop3A_1426, %parallel_loop3A_1427] {strides = array<i32>} : memref<2x64x128xf32, #tpu.memory_space<vmem>>, vector<1x1x16xf32>,
        %parallel_loop3A_1429 = vector.shape_cast %parallel_loop3A_1428 : vector<1x1x16xf32> to vector<16xf32>
        %parallel_loop3A_1430 = arith.mulf %parallel_loop3A_1424, %parallel_loop3A_1429 : vector<16xf32>
        %parallel_loop3A_1431 = arith.addf %parallel_loop3A_1419, %parallel_loop3A_1430 : vector<16xf32>
        %parallel_loop3A_1432 = arith.index_cast %rem3A_56 : i32 to index
        %parallel_loop3A_1433 = arith.index_cast %parallel_loop3A_1372 : i32 to index
        %parallel_loop3A_1434 = arith.constant 80 : index
        %parallel_loop3A_1435 = tpu.vector_load %arg13[%parallel_loop3A_1432, %parallel_loop3A_1433, %parallel_loop3A_1434] {strides = array<i32>} : memref<2x64x128xf32, #tpu.memory_space<vmem>>, vector<1x1x16xf32>,
        %parallel_loop3A_1436 = vector.shape_cast %parallel_loop3A_1435 : vector<1x1x16xf32> to vector<16xf32>
        %parallel_loop3A_1437 = arith.index_cast %rem3A_56 : i32 to index
        %parallel_loop3A_1438 = arith.index_cast %parallel_loop3A_1372 : i32 to index
        %parallel_loop3A_1439 = arith.constant 80 : index
        %parallel_loop3A_1440 = tpu.vector_load %arg14[%parallel_loop3A_1437, %parallel_loop3A_1438, %parallel_loop3A_1439] {strides = array<i32>} : memref<2x64x128xf32, #tpu.memory_space<vmem>>, vector<1x1x16xf32>,
        %parallel_loop3A_1441 = vector.shape_cast %parallel_loop3A_1440 : vector<1x1x16xf32> to vector<16xf32>
        %parallel_loop3A_1442 = arith.mulf %parallel_loop3A_1436, %parallel_loop3A_1441 : vector<16xf32>
        %parallel_loop3A_1443 = arith.addf %parallel_loop3A_1431, %parallel_loop3A_1442 : vector<16xf32>
        %parallel_loop3A_1444 = arith.index_cast %rem3A_56 : i32 to index
        %parallel_loop3A_1445 = arith.index_cast %parallel_loop3A_1372 : i32 to index
        %parallel_loop3A_1446 = arith.constant 96 : index
        %parallel_loop3A_1447 = tpu.vector_load %arg13[%parallel_loop3A_1444, %parallel_loop3A_1445, %parallel_loop3A_1446] {strides = array<i32>} : memref<2x64x128xf32, #tpu.memory_space<vmem>>, vector<1x1x16xf32>,
        %parallel_loop3A_1448 = vector.shape_cast %parallel_loop3A_1447 : vector<1x1x16xf32> to vector<16xf32>
        %parallel_loop3A_1449 = arith.index_cast %rem3A_56 : i32 to index
        %parallel_loop3A_1450 = arith.index_cast %parallel_loop3A_1372 : i32 to index
        %parallel_loop3A_1451 = arith.constant 96 : index
        %parallel_loop3A_1452 = tpu.vector_load %arg14[%parallel_loop3A_1449, %parallel_loop3A_1450, %parallel_loop3A_1451] {strides = array<i32>} : memref<2x64x128xf32, #tpu.memory_space<vmem>>, vector<1x1x16xf32>,
        %parallel_loop3A_1453 = vector.shape_cast %parallel_loop3A_1452 : vector<1x1x16xf32> to vector<16xf32>
        %parallel_loop3A_1454 = arith.mulf %parallel_loop3A_1448, %parallel_loop3A_1453 : vector<16xf32>
        %parallel_loop3A_1455 = arith.addf %parallel_loop3A_1443, %parallel_loop3A_1454 : vector<16xf32>
        %parallel_loop3A_1456 = arith.index_cast %rem3A_56 : i32 to index
        %parallel_loop3A_1457 = arith.index_cast %parallel_loop3A_1372 : i32 to index
        %parallel_loop3A_1458 = arith.constant 112 : index
        %parallel_loop3A_1459 = tpu.vector_load %arg13[%parallel_loop3A_1456, %parallel_loop3A_1457, %parallel_loop3A_1458] {strides = array<i32>} : memref<2x64x128xf32, #tpu.memory_space<vmem>>, vector<1x1x16xf32>,
        %parallel_loop3A_1460 = vector.shape_cast %parallel_loop3A_1459 : vector<1x1x16xf32> to vector<16xf32>
        %parallel_loop3A_1461 = arith.index_cast %rem3A_56 : i32 to index
        %parallel_loop3A_1462 = arith.index_cast %parallel_loop3A_1372 : i32 to index
        %parallel_loop3A_1463 = arith.constant 112 : index
        %parallel_loop3A_1464 = tpu.vector_load %arg14[%parallel_loop3A_1461, %parallel_loop3A_1462, %parallel_loop3A_1463] {strides = array<i32>} : memref<2x64x128xf32, #tpu.memory_space<vmem>>, vector<1x1x16xf32>,
        %parallel_loop3A_1465 = vector.shape_cast %parallel_loop3A_1464 : vector<1x1x16xf32> to vector<16xf32>
        %parallel_loop3A_1466 = arith.mulf %parallel_loop3A_1460, %parallel_loop3A_1465 : vector<16xf32>
        %parallel_loop3A_1467 = arith.addf %parallel_loop3A_1455, %parallel_loop3A_1466 : vector<16xf32>
        %parallel_loop3A_1468 = arith.constant 16 : i32
        %parallel_loop3A_1469 = arith.muli %parallel_loop3A_80, %parallel_loop3A_1468 : i32
        %parallel_loop3A_1470 = arith.constant 14 : i32
        %parallel_loop3A_1471 = arith.addi %parallel_loop3A_1469, %parallel_loop3A_1470 : i32
        %parallel_loop3A_1472 = arith.index_cast %rem3A_56 : i32 to index
        %parallel_loop3A_1473 = arith.index_cast %parallel_loop3A_1471 : i32 to index
        %parallel_loop3A_1474 = arith.constant 0 : index
        %parallel_loop3A_1475 = tpu.vector_load %arg13[%parallel_loop3A_1472, %parallel_loop3A_1473, %parallel_loop3A_1474] {strides = array<i32>} : memref<2x64x128xf32, #tpu.memory_space<vmem>>, vector<1x1x16xf32>,
        %parallel_loop3A_1476 = vector.shape_cast %parallel_loop3A_1475 : vector<1x1x16xf32> to vector<16xf32>
        %parallel_loop3A_1477 = arith.index_cast %rem3A_56 : i32 to index
        %parallel_loop3A_1478 = arith.index_cast %parallel_loop3A_1471 : i32 to index
        %parallel_loop3A_1479 = arith.constant 0 : index
        %parallel_loop3A_1480 = tpu.vector_load %arg14[%parallel_loop3A_1477, %parallel_loop3A_1478, %parallel_loop3A_1479] {strides = array<i32>} : memref<2x64x128xf32, #tpu.memory_space<vmem>>, vector<1x1x16xf32>,
        %parallel_loop3A_1481 = vector.shape_cast %parallel_loop3A_1480 : vector<1x1x16xf32> to vector<16xf32>
        %parallel_loop3A_1482 = arith.mulf %parallel_loop3A_1476, %parallel_loop3A_1481 : vector<16xf32>
        %parallel_loop3A_1483 = arith.index_cast %rem3A_56 : i32 to index
        %parallel_loop3A_1484 = arith.index_cast %parallel_loop3A_1471 : i32 to index
        %parallel_loop3A_1485 = arith.constant 16 : index
        %parallel_loop3A_1486 = tpu.vector_load %arg13[%parallel_loop3A_1483, %parallel_loop3A_1484, %parallel_loop3A_1485] {strides = array<i32>} : memref<2x64x128xf32, #tpu.memory_space<vmem>>, vector<1x1x16xf32>,
        %parallel_loop3A_1487 = vector.shape_cast %parallel_loop3A_1486 : vector<1x1x16xf32> to vector<16xf32>
        %parallel_loop3A_1488 = arith.index_cast %rem3A_56 : i32 to index
        %parallel_loop3A_1489 = arith.index_cast %parallel_loop3A_1471 : i32 to index
        %parallel_loop3A_1490 = arith.constant 16 : index
        %parallel_loop3A_1491 = tpu.vector_load %arg14[%parallel_loop3A_1488, %parallel_loop3A_1489, %parallel_loop3A_1490] {strides = array<i32>} : memref<2x64x128xf32, #tpu.memory_space<vmem>>, vector<1x1x16xf32>,
        %parallel_loop3A_1492 = vector.shape_cast %parallel_loop3A_1491 : vector<1x1x16xf32> to vector<16xf32>
        %parallel_loop3A_1493 = arith.mulf %parallel_loop3A_1487, %parallel_loop3A_1492 : vector<16xf32>
        %parallel_loop3A_1494 = arith.addf %parallel_loop3A_1482, %parallel_loop3A_1493 : vector<16xf32>
        %parallel_loop3A_1495 = arith.index_cast %rem3A_56 : i32 to index
        %parallel_loop3A_1496 = arith.index_cast %parallel_loop3A_1471 : i32 to index
        %parallel_loop3A_1497 = arith.constant 32 : index
        %parallel_loop3A_1498 = tpu.vector_load %arg13[%parallel_loop3A_1495, %parallel_loop3A_1496, %parallel_loop3A_1497] {strides = array<i32>} : memref<2x64x128xf32, #tpu.memory_space<vmem>>, vector<1x1x16xf32>,
        %parallel_loop3A_1499 = vector.shape_cast %parallel_loop3A_1498 : vector<1x1x16xf32> to vector<16xf32>
        %parallel_loop3A_1500 = arith.index_cast %rem3A_56 : i32 to index
        %parallel_loop3A_1501 = arith.index_cast %parallel_loop3A_1471 : i32 to index
        %parallel_loop3A_1502 = arith.constant 32 : index
        %parallel_loop3A_1503 = tpu.vector_load %arg14[%parallel_loop3A_1500, %parallel_loop3A_1501, %parallel_loop3A_1502] {strides = array<i32>} : memref<2x64x128xf32, #tpu.memory_space<vmem>>, vector<1x1x16xf32>,
        %parallel_loop3A_1504 = vector.shape_cast %parallel_loop3A_1503 : vector<1x1x16xf32> to vector<16xf32>
        %parallel_loop3A_1505 = arith.mulf %parallel_loop3A_1499, %parallel_loop3A_1504 : vector<16xf32>
        %parallel_loop3A_1506 = arith.addf %parallel_loop3A_1494, %parallel_loop3A_1505 : vector<16xf32>
        %parallel_loop3A_1507 = arith.index_cast %rem3A_56 : i32 to index
        %parallel_loop3A_1508 = arith.index_cast %parallel_loop3A_1471 : i32 to index
        %parallel_loop3A_1509 = arith.constant 48 : index
        %parallel_loop3A_1510 = tpu.vector_load %arg13[%parallel_loop3A_1507, %parallel_loop3A_1508, %parallel_loop3A_1509] {strides = array<i32>} : memref<2x64x128xf32, #tpu.memory_space<vmem>>, vector<1x1x16xf32>,
        %parallel_loop3A_1511 = vector.shape_cast %parallel_loop3A_1510 : vector<1x1x16xf32> to vector<16xf32>
        %parallel_loop3A_1512 = arith.index_cast %rem3A_56 : i32 to index
        %parallel_loop3A_1513 = arith.index_cast %parallel_loop3A_1471 : i32 to index
        %parallel_loop3A_1514 = arith.constant 48 : index
        %parallel_loop3A_1515 = tpu.vector_load %arg14[%parallel_loop3A_1512, %parallel_loop3A_1513, %parallel_loop3A_1514] {strides = array<i32>} : memref<2x64x128xf32, #tpu.memory_space<vmem>>, vector<1x1x16xf32>,
        %parallel_loop3A_1516 = vector.shape_cast %parallel_loop3A_1515 : vector<1x1x16xf32> to vector<16xf32>
        %parallel_loop3A_1517 = arith.mulf %parallel_loop3A_1511, %parallel_loop3A_1516 : vector<16xf32>
        %parallel_loop3A_1518 = arith.addf %parallel_loop3A_1506, %parallel_loop3A_1517 : vector<16xf32>
        %parallel_loop3A_1519 = arith.index_cast %rem3A_56 : i32 to index
        %parallel_loop3A_1520 = arith.index_cast %parallel_loop3A_1471 : i32 to index
        %parallel_loop3A_1521 = arith.constant 64 : index
        %parallel_loop3A_1522 = tpu.vector_load %arg13[%parallel_loop3A_1519, %parallel_loop3A_1520, %parallel_loop3A_1521] {strides = array<i32>} : memref<2x64x128xf32, #tpu.memory_space<vmem>>, vector<1x1x16xf32>,
        %parallel_loop3A_1523 = vector.shape_cast %parallel_loop3A_1522 : vector<1x1x16xf32> to vector<16xf32>
        %parallel_loop3A_1524 = arith.index_cast %rem3A_56 : i32 to index
        %parallel_loop3A_1525 = arith.index_cast %parallel_loop3A_1471 : i32 to index
        %parallel_loop3A_1526 = arith.constant 64 : index
        %parallel_loop3A_1527 = tpu.vector_load %arg14[%parallel_loop3A_1524, %parallel_loop3A_1525, %parallel_loop3A_1526] {strides = array<i32>} : memref<2x64x128xf32, #tpu.memory_space<vmem>>, vector<1x1x16xf32>,
        %parallel_loop3A_1528 = vector.shape_cast %parallel_loop3A_1527 : vector<1x1x16xf32> to vector<16xf32>
        %parallel_loop3A_1529 = arith.mulf %parallel_loop3A_1523, %parallel_loop3A_1528 : vector<16xf32>
        %parallel_loop3A_1530 = arith.addf %parallel_loop3A_1518, %parallel_loop3A_1529 : vector<16xf32>
        %parallel_loop3A_1531 = arith.index_cast %rem3A_56 : i32 to index
        %parallel_loop3A_1532 = arith.index_cast %parallel_loop3A_1471 : i32 to index
        %parallel_loop3A_1533 = arith.constant 80 : index
        %parallel_loop3A_1534 = tpu.vector_load %arg13[%parallel_loop3A_1531, %parallel_loop3A_1532, %parallel_loop3A_1533] {strides = array<i32>} : memref<2x64x128xf32, #tpu.memory_space<vmem>>, vector<1x1x16xf32>,
        %parallel_loop3A_1535 = vector.shape_cast %parallel_loop3A_1534 : vector<1x1x16xf32> to vector<16xf32>
        %parallel_loop3A_1536 = arith.index_cast %rem3A_56 : i32 to index
        %parallel_loop3A_1537 = arith.index_cast %parallel_loop3A_1471 : i32 to index
        %parallel_loop3A_1538 = arith.constant 80 : index
        %parallel_loop3A_1539 = tpu.vector_load %arg14[%parallel_loop3A_1536, %parallel_loop3A_1537, %parallel_loop3A_1538] {strides = array<i32>} : memref<2x64x128xf32, #tpu.memory_space<vmem>>, vector<1x1x16xf32>,
        %parallel_loop3A_1540 = vector.shape_cast %parallel_loop3A_1539 : vector<1x1x16xf32> to vector<16xf32>
        %parallel_loop3A_1541 = arith.mulf %parallel_loop3A_1535, %parallel_loop3A_1540 : vector<16xf32>
        %parallel_loop3A_1542 = arith.addf %parallel_loop3A_1530, %parallel_loop3A_1541 : vector<16xf32>
        %parallel_loop3A_1543 = arith.index_cast %rem3A_56 : i32 to index
        %parallel_loop3A_1544 = arith.index_cast %parallel_loop3A_1471 : i32 to index
        %parallel_loop3A_1545 = arith.constant 96 : index
        %parallel_loop3A_1546 = tpu.vector_load %arg13[%parallel_loop3A_1543, %parallel_loop3A_1544, %parallel_loop3A_1545] {strides = array<i32>} : memref<2x64x128xf32, #tpu.memory_space<vmem>>, vector<1x1x16xf32>,
        %parallel_loop3A_1547 = vector.shape_cast %parallel_loop3A_1546 : vector<1x1x16xf32> to vector<16xf32>
        %parallel_loop3A_1548 = arith.index_cast %rem3A_56 : i32 to index
        %parallel_loop3A_1549 = arith.index_cast %parallel_loop3A_1471 : i32 to index
        %parallel_loop3A_1550 = arith.constant 96 : index
        %parallel_loop3A_1551 = tpu.vector_load %arg14[%parallel_loop3A_1548, %parallel_loop3A_1549, %parallel_loop3A_1550] {strides = array<i32>} : memref<2x64x128xf32, #tpu.memory_space<vmem>>, vector<1x1x16xf32>,
        %parallel_loop3A_1552 = vector.shape_cast %parallel_loop3A_1551 : vector<1x1x16xf32> to vector<16xf32>
        %parallel_loop3A_1553 = arith.mulf %parallel_loop3A_1547, %parallel_loop3A_1552 : vector<16xf32>
        %parallel_loop3A_1554 = arith.addf %parallel_loop3A_1542, %parallel_loop3A_1553 : vector<16xf32>
        %parallel_loop3A_1555 = arith.index_cast %rem3A_56 : i32 to index
        %parallel_loop3A_1556 = arith.index_cast %parallel_loop3A_1471 : i32 to index
        %parallel_loop3A_1557 = arith.constant 112 : index
        %parallel_loop3A_1558 = tpu.vector_load %arg13[%parallel_loop3A_1555, %parallel_loop3A_1556, %parallel_loop3A_1557] {strides = array<i32>} : memref<2x64x128xf32, #tpu.memory_space<vmem>>, vector<1x1x16xf32>,
        %parallel_loop3A_1559 = vector.shape_cast %parallel_loop3A_1558 : vector<1x1x16xf32> to vector<16xf32>
        %parallel_loop3A_1560 = arith.index_cast %rem3A_56 : i32 to index
        %parallel_loop3A_1561 = arith.index_cast %parallel_loop3A_1471 : i32 to index
        %parallel_loop3A_1562 = arith.constant 112 : index
        %parallel_loop3A_1563 = tpu.vector_load %arg14[%parallel_loop3A_1560, %parallel_loop3A_1561, %parallel_loop3A_1562] {strides = array<i32>} : memref<2x64x128xf32, #tpu.memory_space<vmem>>, vector<1x1x16xf32>,
        %parallel_loop3A_1564 = vector.shape_cast %parallel_loop3A_1563 : vector<1x1x16xf32> to vector<16xf32>
        %parallel_loop3A_1565 = arith.mulf %parallel_loop3A_1559, %parallel_loop3A_1564 : vector<16xf32>
        %parallel_loop3A_1566 = arith.addf %parallel_loop3A_1554, %parallel_loop3A_1565 : vector<16xf32>
        %parallel_loop3A_1567 = arith.constant 16 : i32
        %parallel_loop3A_1568 = arith.muli %parallel_loop3A_80, %parallel_loop3A_1567 : i32
        %parallel_loop3A_1569 = arith.constant 15 : i32
        %parallel_loop3A_1570 = arith.addi %parallel_loop3A_1568, %parallel_loop3A_1569 : i32
        %parallel_loop3A_1571 = arith.index_cast %rem3A_56 : i32 to index
        %parallel_loop3A_1572 = arith.index_cast %parallel_loop3A_1570 : i32 to index
        %parallel_loop3A_1573 = arith.constant 0 : index
        %parallel_loop3A_1574 = tpu.vector_load %arg13[%parallel_loop3A_1571, %parallel_loop3A_1572, %parallel_loop3A_1573] {strides = array<i32>} : memref<2x64x128xf32, #tpu.memory_space<vmem>>, vector<1x1x16xf32>,
        %parallel_loop3A_1575 = vector.shape_cast %parallel_loop3A_1574 : vector<1x1x16xf32> to vector<16xf32>
        %parallel_loop3A_1576 = arith.index_cast %rem3A_56 : i32 to index
        %parallel_loop3A_1577 = arith.index_cast %parallel_loop3A_1570 : i32 to index
        %parallel_loop3A_1578 = arith.constant 0 : index
        %parallel_loop3A_1579 = tpu.vector_load %arg14[%parallel_loop3A_1576, %parallel_loop3A_1577, %parallel_loop3A_1578] {strides = array<i32>} : memref<2x64x128xf32, #tpu.memory_space<vmem>>, vector<1x1x16xf32>,
        %parallel_loop3A_1580 = vector.shape_cast %parallel_loop3A_1579 : vector<1x1x16xf32> to vector<16xf32>
        %parallel_loop3A_1581 = arith.mulf %parallel_loop3A_1575, %parallel_loop3A_1580 : vector<16xf32>
        %parallel_loop3A_1582 = arith.index_cast %rem3A_56 : i32 to index
        %parallel_loop3A_1583 = arith.index_cast %parallel_loop3A_1570 : i32 to index
        %parallel_loop3A_1584 = arith.constant 16 : index
        %parallel_loop3A_1585 = tpu.vector_load %arg13[%parallel_loop3A_1582, %parallel_loop3A_1583, %parallel_loop3A_1584] {strides = array<i32>} : memref<2x64x128xf32, #tpu.memory_space<vmem>>, vector<1x1x16xf32>,
        %parallel_loop3A_1586 = vector.shape_cast %parallel_loop3A_1585 : vector<1x1x16xf32> to vector<16xf32>
        %parallel_loop3A_1587 = arith.index_cast %rem3A_56 : i32 to index
        %parallel_loop3A_1588 = arith.index_cast %parallel_loop3A_1570 : i32 to index
        %parallel_loop3A_1589 = arith.constant 16 : index
        %parallel_loop3A_1590 = tpu.vector_load %arg14[%parallel_loop3A_1587, %parallel_loop3A_1588, %parallel_loop3A_1589] {strides = array<i32>} : memref<2x64x128xf32, #tpu.memory_space<vmem>>, vector<1x1x16xf32>,
        %parallel_loop3A_1591 = vector.shape_cast %parallel_loop3A_1590 : vector<1x1x16xf32> to vector<16xf32>
        %parallel_loop3A_1592 = arith.mulf %parallel_loop3A_1586, %parallel_loop3A_1591 : vector<16xf32>
        %parallel_loop3A_1593 = arith.addf %parallel_loop3A_1581, %parallel_loop3A_1592 : vector<16xf32>
        %parallel_loop3A_1594 = arith.index_cast %rem3A_56 : i32 to index
        %parallel_loop3A_1595 = arith.index_cast %parallel_loop3A_1570 : i32 to index
        %parallel_loop3A_1596 = arith.constant 32 : index
        %parallel_loop3A_1597 = tpu.vector_load %arg13[%parallel_loop3A_1594, %parallel_loop3A_1595, %parallel_loop3A_1596] {strides = array<i32>} : memref<2x64x128xf32, #tpu.memory_space<vmem>>, vector<1x1x16xf32>,
        %parallel_loop3A_1598 = vector.shape_cast %parallel_loop3A_1597 : vector<1x1x16xf32> to vector<16xf32>
        %parallel_loop3A_1599 = arith.index_cast %rem3A_56 : i32 to index
        %parallel_loop3A_1600 = arith.index_cast %parallel_loop3A_1570 : i32 to index
        %parallel_loop3A_1601 = arith.constant 32 : index
        %parallel_loop3A_1602 = tpu.vector_load %arg14[%parallel_loop3A_1599, %parallel_loop3A_1600, %parallel_loop3A_1601] {strides = array<i32>} : memref<2x64x128xf32, #tpu.memory_space<vmem>>, vector<1x1x16xf32>,
        %parallel_loop3A_1603 = vector.shape_cast %parallel_loop3A_1602 : vector<1x1x16xf32> to vector<16xf32>
        %parallel_loop3A_1604 = arith.mulf %parallel_loop3A_1598, %parallel_loop3A_1603 : vector<16xf32>
        %parallel_loop3A_1605 = arith.addf %parallel_loop3A_1593, %parallel_loop3A_1604 : vector<16xf32>
        %parallel_loop3A_1606 = arith.index_cast %rem3A_56 : i32 to index
        %parallel_loop3A_1607 = arith.index_cast %parallel_loop3A_1570 : i32 to index
        %parallel_loop3A_1608 = arith.constant 48 : index
        %parallel_loop3A_1609 = tpu.vector_load %arg13[%parallel_loop3A_1606, %parallel_loop3A_1607, %parallel_loop3A_1608] {strides = array<i32>} : memref<2x64x128xf32, #tpu.memory_space<vmem>>, vector<1x1x16xf32>,
        %parallel_loop3A_1610 = vector.shape_cast %parallel_loop3A_1609 : vector<1x1x16xf32> to vector<16xf32>
        %parallel_loop3A_1611 = arith.index_cast %rem3A_56 : i32 to index
        %parallel_loop3A_1612 = arith.index_cast %parallel_loop3A_1570 : i32 to index
        %parallel_loop3A_1613 = arith.constant 48 : index
        %parallel_loop3A_1614 = tpu.vector_load %arg14[%parallel_loop3A_1611, %parallel_loop3A_1612, %parallel_loop3A_1613] {strides = array<i32>} : memref<2x64x128xf32, #tpu.memory_space<vmem>>, vector<1x1x16xf32>,
        %parallel_loop3A_1615 = vector.shape_cast %parallel_loop3A_1614 : vector<1x1x16xf32> to vector<16xf32>
        %parallel_loop3A_1616 = arith.mulf %parallel_loop3A_1610, %parallel_loop3A_1615 : vector<16xf32>
        %parallel_loop3A_1617 = arith.addf %parallel_loop3A_1605, %parallel_loop3A_1616 : vector<16xf32>
        %parallel_loop3A_1618 = arith.index_cast %rem3A_56 : i32 to index
        %parallel_loop3A_1619 = arith.index_cast %parallel_loop3A_1570 : i32 to index
        %parallel_loop3A_1620 = arith.constant 64 : index
        %parallel_loop3A_1621 = tpu.vector_load %arg13[%parallel_loop3A_1618, %parallel_loop3A_1619, %parallel_loop3A_1620] {strides = array<i32>} : memref<2x64x128xf32, #tpu.memory_space<vmem>>, vector<1x1x16xf32>,
        %parallel_loop3A_1622 = vector.shape_cast %parallel_loop3A_1621 : vector<1x1x16xf32> to vector<16xf32>
        %parallel_loop3A_1623 = arith.index_cast %rem3A_56 : i32 to index
        %parallel_loop3A_1624 = arith.index_cast %parallel_loop3A_1570 : i32 to index
        %parallel_loop3A_1625 = arith.constant 64 : index
        %parallel_loop3A_1626 = tpu.vector_load %arg14[%parallel_loop3A_1623, %parallel_loop3A_1624, %parallel_loop3A_1625] {strides = array<i32>} : memref<2x64x128xf32, #tpu.memory_space<vmem>>, vector<1x1x16xf32>,
        %parallel_loop3A_1627 = vector.shape_cast %parallel_loop3A_1626 : vector<1x1x16xf32> to vector<16xf32>
        %parallel_loop3A_1628 = arith.mulf %parallel_loop3A_1622, %parallel_loop3A_1627 : vector<16xf32>
        %parallel_loop3A_1629 = arith.addf %parallel_loop3A_1617, %parallel_loop3A_1628 : vector<16xf32>
        %parallel_loop3A_1630 = arith.index_cast %rem3A_56 : i32 to index
        %parallel_loop3A_1631 = arith.index_cast %parallel_loop3A_1570 : i32 to index
        %parallel_loop3A_1632 = arith.constant 80 : index
        %parallel_loop3A_1633 = tpu.vector_load %arg13[%parallel_loop3A_1630, %parallel_loop3A_1631, %parallel_loop3A_1632] {strides = array<i32>} : memref<2x64x128xf32, #tpu.memory_space<vmem>>, vector<1x1x16xf32>,
        %parallel_loop3A_1634 = vector.shape_cast %parallel_loop3A_1633 : vector<1x1x16xf32> to vector<16xf32>
        %parallel_loop3A_1635 = arith.index_cast %rem3A_56 : i32 to index
        %parallel_loop3A_1636 = arith.index_cast %parallel_loop3A_1570 : i32 to index
        %parallel_loop3A_1637 = arith.constant 80 : index
        %parallel_loop3A_1638 = tpu.vector_load %arg14[%parallel_loop3A_1635, %parallel_loop3A_1636, %parallel_loop3A_1637] {strides = array<i32>} : memref<2x64x128xf32, #tpu.memory_space<vmem>>, vector<1x1x16xf32>,
        %parallel_loop3A_1639 = vector.shape_cast %parallel_loop3A_1638 : vector<1x1x16xf32> to vector<16xf32>
        %parallel_loop3A_1640 = arith.mulf %parallel_loop3A_1634, %parallel_loop3A_1639 : vector<16xf32>
        %parallel_loop3A_1641 = arith.addf %parallel_loop3A_1629, %parallel_loop3A_1640 : vector<16xf32>
        %parallel_loop3A_1642 = arith.index_cast %rem3A_56 : i32 to index
        %parallel_loop3A_1643 = arith.index_cast %parallel_loop3A_1570 : i32 to index
        %parallel_loop3A_1644 = arith.constant 96 : index
        %parallel_loop3A_1645 = tpu.vector_load %arg13[%parallel_loop3A_1642, %parallel_loop3A_1643, %parallel_loop3A_1644] {strides = array<i32>} : memref<2x64x128xf32, #tpu.memory_space<vmem>>, vector<1x1x16xf32>,
        %parallel_loop3A_1646 = vector.shape_cast %parallel_loop3A_1645 : vector<1x1x16xf32> to vector<16xf32>
        %parallel_loop3A_1647 = arith.index_cast %rem3A_56 : i32 to index
        %parallel_loop3A_1648 = arith.index_cast %parallel_loop3A_1570 : i32 to index
        %parallel_loop3A_1649 = arith.constant 96 : index
        %parallel_loop3A_1650 = tpu.vector_load %arg14[%parallel_loop3A_1647, %parallel_loop3A_1648, %parallel_loop3A_1649] {strides = array<i32>} : memref<2x64x128xf32, #tpu.memory_space<vmem>>, vector<1x1x16xf32>,
        %parallel_loop3A_1651 = vector.shape_cast %parallel_loop3A_1650 : vector<1x1x16xf32> to vector<16xf32>
        %parallel_loop3A_1652 = arith.mulf %parallel_loop3A_1646, %parallel_loop3A_1651 : vector<16xf32>
        %parallel_loop3A_1653 = arith.addf %parallel_loop3A_1641, %parallel_loop3A_1652 : vector<16xf32>
        %parallel_loop3A_1654 = arith.index_cast %rem3A_56 : i32 to index
        %parallel_loop3A_1655 = arith.index_cast %parallel_loop3A_1570 : i32 to index
        %parallel_loop3A_1656 = arith.constant 112 : index
        %parallel_loop3A_1657 = tpu.vector_load %arg13[%parallel_loop3A_1654, %parallel_loop3A_1655, %parallel_loop3A_1656] {strides = array<i32>} : memref<2x64x128xf32, #tpu.memory_space<vmem>>, vector<1x1x16xf32>,
        %parallel_loop3A_1658 = vector.shape_cast %parallel_loop3A_1657 : vector<1x1x16xf32> to vector<16xf32>
        %parallel_loop3A_1659 = arith.index_cast %rem3A_56 : i32 to index
        %parallel_loop3A_1660 = arith.index_cast %parallel_loop3A_1570 : i32 to index
        %parallel_loop3A_1661 = arith.constant 112 : index
        %parallel_loop3A_1662 = tpu.vector_load %arg14[%parallel_loop3A_1659, %parallel_loop3A_1660, %parallel_loop3A_1661] {strides = array<i32>} : memref<2x64x128xf32, #tpu.memory_space<vmem>>, vector<1x1x16xf32>,
        %parallel_loop3A_1663 = vector.shape_cast %parallel_loop3A_1662 : vector<1x1x16xf32> to vector<16xf32>
        %parallel_loop3A_1664 = arith.mulf %parallel_loop3A_1658, %parallel_loop3A_1663 : vector<16xf32>
        %parallel_loop3A_1665 = arith.addf %parallel_loop3A_1653, %parallel_loop3A_1664 : vector<16xf32>
        %parallel_loop3A_1666 = arith.constant 8 : i32
        %parallel_loop3A_1667 = vector.broadcast %parallel_loop3A_1666 : i32 to vector<16xi32>
        %parallel_loop3A_1668 = arith.andi %iota3A, %parallel_loop3A_1667 : vector<16xi32>
        %parallel_loop3A_1669 = arith.constant 0 : i32
        %parallel_loop3A_1670 = vector.broadcast %parallel_loop3A_1669 : i32 to vector<16xi32>
        %parallel_loop3A_1671 = arith.cmpi eq, %parallel_loop3A_1668, %parallel_loop3A_1670 : vector<16xi32>
        %parallel_loop3A_1672 = arith.select %parallel_loop3A_1671, %parallel_loop3A_972, %parallel_loop3A_180 : vector<16xi1>, vector<16xf32>
        %parallel_loop3A_1673 = arith.select %parallel_loop3A_1671, %parallel_loop3A_180, %parallel_loop3A_972 : vector<16xi1>, vector<16xf32>
        %parallel_loop3A_1674 = arith.constant 8 : i32
        %parallel_loop3A_1675 = vector.broadcast %parallel_loop3A_1674 : i32 to vector<16xi32>
        %parallel_loop3A_1676 = arith.xori %iota3A, %parallel_loop3A_1675 : vector<16xi32>
        %parallel_loop3A_1677 = vector.shape_cast %parallel_loop3A_1676 : vector<16xi32> to vector<16x1xi32>
        %parallel_loop3A_1678 = vector.shape_cast %parallel_loop3A_1677 : vector<16x1xi32> to vector<16xi32>
        %parallel_loop3A_1679 = tpu.dynamic_gather %parallel_loop3A_1672[%parallel_loop3A_1678] in [0] : vector<16xf32>, vector<16xi32> -> vector<16xf32>
        %parallel_loop3A_1680 = arith.addf %parallel_loop3A_1673, %parallel_loop3A_1679 : vector<16xf32>
        %parallel_loop3A_1681 = arith.constant 8 : i32
        %parallel_loop3A_1682 = vector.broadcast %parallel_loop3A_1681 : i32 to vector<16xi32>
        %parallel_loop3A_1683 = arith.andi %iota3A, %parallel_loop3A_1682 : vector<16xi32>
        %parallel_loop3A_1684 = arith.constant 0 : i32
        %parallel_loop3A_1685 = vector.broadcast %parallel_loop3A_1684 : i32 to vector<16xi32>
        %parallel_loop3A_1686 = arith.cmpi eq, %parallel_loop3A_1683, %parallel_loop3A_1685 : vector<16xi32>
        %parallel_loop3A_1687 = arith.select %parallel_loop3A_1686, %parallel_loop3A_1071, %parallel_loop3A_279 : vector<16xi1>, vector<16xf32>
        %parallel_loop3A_1688 = arith.select %parallel_loop3A_1686, %parallel_loop3A_279, %parallel_loop3A_1071 : vector<16xi1>, vector<16xf32>
        %parallel_loop3A_1689 = arith.constant 8 : i32
        %parallel_loop3A_1690 = vector.broadcast %parallel_loop3A_1689 : i32 to vector<16xi32>
        %parallel_loop3A_1691 = arith.xori %iota3A, %parallel_loop3A_1690 : vector<16xi32>
        %parallel_loop3A_1692 = vector.shape_cast %parallel_loop3A_1691 : vector<16xi32> to vector<16x1xi32>
        %parallel_loop3A_1693 = vector.shape_cast %parallel_loop3A_1692 : vector<16x1xi32> to vector<16xi32>
        %parallel_loop3A_1694 = tpu.dynamic_gather %parallel_loop3A_1687[%parallel_loop3A_1693] in [0] : vector<16xf32>, vector<16xi32> -> vector<16xf32>
        %parallel_loop3A_1695 = arith.addf %parallel_loop3A_1688, %parallel_loop3A_1694 : vector<16xf32>
        %parallel_loop3A_1696 = arith.constant 8 : i32
        %parallel_loop3A_1697 = vector.broadcast %parallel_loop3A_1696 : i32 to vector<16xi32>
        %parallel_loop3A_1698 = arith.andi %iota3A, %parallel_loop3A_1697 : vector<16xi32>
        %parallel_loop3A_1699 = arith.constant 0 : i32
        %parallel_loop3A_1700 = vector.broadcast %parallel_loop3A_1699 : i32 to vector<16xi32>
        %parallel_loop3A_1701 = arith.cmpi eq, %parallel_loop3A_1698, %parallel_loop3A_1700 : vector<16xi32>
        %parallel_loop3A_1702 = arith.select %parallel_loop3A_1701, %parallel_loop3A_1170, %parallel_loop3A_378 : vector<16xi1>, vector<16xf32>
        %parallel_loop3A_1703 = arith.select %parallel_loop3A_1701, %parallel_loop3A_378, %parallel_loop3A_1170 : vector<16xi1>, vector<16xf32>
        %parallel_loop3A_1704 = arith.constant 8 : i32
        %parallel_loop3A_1705 = vector.broadcast %parallel_loop3A_1704 : i32 to vector<16xi32>
        %parallel_loop3A_1706 = arith.xori %iota3A, %parallel_loop3A_1705 : vector<16xi32>
        %parallel_loop3A_1707 = vector.shape_cast %parallel_loop3A_1706 : vector<16xi32> to vector<16x1xi32>
        %parallel_loop3A_1708 = vector.shape_cast %parallel_loop3A_1707 : vector<16x1xi32> to vector<16xi32>
        %parallel_loop3A_1709 = tpu.dynamic_gather %parallel_loop3A_1702[%parallel_loop3A_1708] in [0] : vector<16xf32>, vector<16xi32> -> vector<16xf32>
        %parallel_loop3A_1710 = arith.addf %parallel_loop3A_1703, %parallel_loop3A_1709 : vector<16xf32>
        %parallel_loop3A_1711 = arith.constant 8 : i32
        %parallel_loop3A_1712 = vector.broadcast %parallel_loop3A_1711 : i32 to vector<16xi32>
        %parallel_loop3A_1713 = arith.andi %iota3A, %parallel_loop3A_1712 : vector<16xi32>
        %parallel_loop3A_1714 = arith.constant 0 : i32
        %parallel_loop3A_1715 = vector.broadcast %parallel_loop3A_1714 : i32 to vector<16xi32>
        %parallel_loop3A_1716 = arith.cmpi eq, %parallel_loop3A_1713, %parallel_loop3A_1715 : vector<16xi32>
        %parallel_loop3A_1717 = arith.select %parallel_loop3A_1716, %parallel_loop3A_1269, %parallel_loop3A_477 : vector<16xi1>, vector<16xf32>
        %parallel_loop3A_1718 = arith.select %parallel_loop3A_1716, %parallel_loop3A_477, %parallel_loop3A_1269 : vector<16xi1>, vector<16xf32>
        %parallel_loop3A_1719 = arith.constant 8 : i32
        %parallel_loop3A_1720 = vector.broadcast %parallel_loop3A_1719 : i32 to vector<16xi32>
        %parallel_loop3A_1721 = arith.xori %iota3A, %parallel_loop3A_1720 : vector<16xi32>
        %parallel_loop3A_1722 = vector.shape_cast %parallel_loop3A_1721 : vector<16xi32> to vector<16x1xi32>
        %parallel_loop3A_1723 = vector.shape_cast %parallel_loop3A_1722 : vector<16x1xi32> to vector<16xi32>
        %parallel_loop3A_1724 = tpu.dynamic_gather %parallel_loop3A_1717[%parallel_loop3A_1723] in [0] : vector<16xf32>, vector<16xi32> -> vector<16xf32>
        %parallel_loop3A_1725 = arith.addf %parallel_loop3A_1718, %parallel_loop3A_1724 : vector<16xf32>
        %parallel_loop3A_1726 = arith.constant 8 : i32
        %parallel_loop3A_1727 = vector.broadcast %parallel_loop3A_1726 : i32 to vector<16xi32>
        %parallel_loop3A_1728 = arith.andi %iota3A, %parallel_loop3A_1727 : vector<16xi32>
        %parallel_loop3A_1729 = arith.constant 0 : i32
        %parallel_loop3A_1730 = vector.broadcast %parallel_loop3A_1729 : i32 to vector<16xi32>
        %parallel_loop3A_1731 = arith.cmpi eq, %parallel_loop3A_1728, %parallel_loop3A_1730 : vector<16xi32>
        %parallel_loop3A_1732 = arith.select %parallel_loop3A_1731, %parallel_loop3A_1368, %parallel_loop3A_576 : vector<16xi1>, vector<16xf32>
        %parallel_loop3A_1733 = arith.select %parallel_loop3A_1731, %parallel_loop3A_576, %parallel_loop3A_1368 : vector<16xi1>, vector<16xf32>
        %parallel_loop3A_1734 = arith.constant 8 : i32
        %parallel_loop3A_1735 = vector.broadcast %parallel_loop3A_1734 : i32 to vector<16xi32>
        %parallel_loop3A_1736 = arith.xori %iota3A, %parallel_loop3A_1735 : vector<16xi32>
        %parallel_loop3A_1737 = vector.shape_cast %parallel_loop3A_1736 : vector<16xi32> to vector<16x1xi32>
        %parallel_loop3A_1738 = vector.shape_cast %parallel_loop3A_1737 : vector<16x1xi32> to vector<16xi32>
        %parallel_loop3A_1739 = tpu.dynamic_gather %parallel_loop3A_1732[%parallel_loop3A_1738] in [0] : vector<16xf32>, vector<16xi32> -> vector<16xf32>
        %parallel_loop3A_1740 = arith.addf %parallel_loop3A_1733, %parallel_loop3A_1739 : vector<16xf32>
        %parallel_loop3A_1741 = arith.constant 8 : i32
        %parallel_loop3A_1742 = vector.broadcast %parallel_loop3A_1741 : i32 to vector<16xi32>
        %parallel_loop3A_1743 = arith.andi %iota3A, %parallel_loop3A_1742 : vector<16xi32>
        %parallel_loop3A_1744 = arith.constant 0 : i32
        %parallel_loop3A_1745 = vector.broadcast %parallel_loop3A_1744 : i32 to vector<16xi32>
        %parallel_loop3A_1746 = arith.cmpi eq, %parallel_loop3A_1743, %parallel_loop3A_1745 : vector<16xi32>
        %parallel_loop3A_1747 = arith.select %parallel_loop3A_1746, %parallel_loop3A_1467, %parallel_loop3A_675 : vector<16xi1>, vector<16xf32>
        %parallel_loop3A_1748 = arith.select %parallel_loop3A_1746, %parallel_loop3A_675, %parallel_loop3A_1467 : vector<16xi1>, vector<16xf32>
        %parallel_loop3A_1749 = arith.constant 8 : i32
        %parallel_loop3A_1750 = vector.broadcast %parallel_loop3A_1749 : i32 to vector<16xi32>
        %parallel_loop3A_1751 = arith.xori %iota3A, %parallel_loop3A_1750 : vector<16xi32>
        %parallel_loop3A_1752 = vector.shape_cast %parallel_loop3A_1751 : vector<16xi32> to vector<16x1xi32>
        %parallel_loop3A_1753 = vector.shape_cast %parallel_loop3A_1752 : vector<16x1xi32> to vector<16xi32>
        %parallel_loop3A_1754 = tpu.dynamic_gather %parallel_loop3A_1747[%parallel_loop3A_1753] in [0] : vector<16xf32>, vector<16xi32> -> vector<16xf32>
        %parallel_loop3A_1755 = arith.addf %parallel_loop3A_1748, %parallel_loop3A_1754 : vector<16xf32>
        %parallel_loop3A_1756 = arith.constant 8 : i32
        %parallel_loop3A_1757 = vector.broadcast %parallel_loop3A_1756 : i32 to vector<16xi32>
        %parallel_loop3A_1758 = arith.andi %iota3A, %parallel_loop3A_1757 : vector<16xi32>
        %parallel_loop3A_1759 = arith.constant 0 : i32
        %parallel_loop3A_1760 = vector.broadcast %parallel_loop3A_1759 : i32 to vector<16xi32>
        %parallel_loop3A_1761 = arith.cmpi eq, %parallel_loop3A_1758, %parallel_loop3A_1760 : vector<16xi32>
        %parallel_loop3A_1762 = arith.select %parallel_loop3A_1761, %parallel_loop3A_1566, %parallel_loop3A_774 : vector<16xi1>, vector<16xf32>
        %parallel_loop3A_1763 = arith.select %parallel_loop3A_1761, %parallel_loop3A_774, %parallel_loop3A_1566 : vector<16xi1>, vector<16xf32>
        %parallel_loop3A_1764 = arith.constant 8 : i32
        %parallel_loop3A_1765 = vector.broadcast %parallel_loop3A_1764 : i32 to vector<16xi32>
        %parallel_loop3A_1766 = arith.xori %iota3A, %parallel_loop3A_1765 : vector<16xi32>
        %parallel_loop3A_1767 = vector.shape_cast %parallel_loop3A_1766 : vector<16xi32> to vector<16x1xi32>
        %parallel_loop3A_1768 = vector.shape_cast %parallel_loop3A_1767 : vector<16x1xi32> to vector<16xi32>
        %parallel_loop3A_1769 = tpu.dynamic_gather %parallel_loop3A_1762[%parallel_loop3A_1768] in [0] : vector<16xf32>, vector<16xi32> -> vector<16xf32>
        %parallel_loop3A_1770 = arith.addf %parallel_loop3A_1763, %parallel_loop3A_1769 : vector<16xf32>
        %parallel_loop3A_1771 = arith.constant 8 : i32
        %parallel_loop3A_1772 = vector.broadcast %parallel_loop3A_1771 : i32 to vector<16xi32>
        %parallel_loop3A_1773 = arith.andi %iota3A, %parallel_loop3A_1772 : vector<16xi32>
        %parallel_loop3A_1774 = arith.constant 0 : i32
        %parallel_loop3A_1775 = vector.broadcast %parallel_loop3A_1774 : i32 to vector<16xi32>
        %parallel_loop3A_1776 = arith.cmpi eq, %parallel_loop3A_1773, %parallel_loop3A_1775 : vector<16xi32>
        %parallel_loop3A_1777 = arith.select %parallel_loop3A_1776, %parallel_loop3A_1665, %parallel_loop3A_873 : vector<16xi1>, vector<16xf32>
        %parallel_loop3A_1778 = arith.select %parallel_loop3A_1776, %parallel_loop3A_873, %parallel_loop3A_1665 : vector<16xi1>, vector<16xf32>
        %parallel_loop3A_1779 = arith.constant 8 : i32
        %parallel_loop3A_1780 = vector.broadcast %parallel_loop3A_1779 : i32 to vector<16xi32>
        %parallel_loop3A_1781 = arith.xori %iota3A, %parallel_loop3A_1780 : vector<16xi32>
        %parallel_loop3A_1782 = vector.shape_cast %parallel_loop3A_1781 : vector<16xi32> to vector<16x1xi32>
        %parallel_loop3A_1783 = vector.shape_cast %parallel_loop3A_1782 : vector<16x1xi32> to vector<16xi32>
        %parallel_loop3A_1784 = tpu.dynamic_gather %parallel_loop3A_1777[%parallel_loop3A_1783] in [0] : vector<16xf32>, vector<16xi32> -> vector<16xf32>
        %parallel_loop3A_1785 = arith.addf %parallel_loop3A_1778, %parallel_loop3A_1784 : vector<16xf32>
        %parallel_loop3A_1786 = arith.constant 4 : i32
        %parallel_loop3A_1787 = vector.broadcast %parallel_loop3A_1786 : i32 to vector<16xi32>
        %parallel_loop3A_1788 = arith.andi %iota3A, %parallel_loop3A_1787 : vector<16xi32>
        %parallel_loop3A_1789 = arith.constant 0 : i32
        %parallel_loop3A_1790 = vector.broadcast %parallel_loop3A_1789 : i32 to vector<16xi32>
        %parallel_loop3A_1791 = arith.cmpi eq, %parallel_loop3A_1788, %parallel_loop3A_1790 : vector<16xi32>
        %parallel_loop3A_1792 = arith.select %parallel_loop3A_1791, %parallel_loop3A_1740, %parallel_loop3A_1680 : vector<16xi1>, vector<16xf32>
        %parallel_loop3A_1793 = arith.select %parallel_loop3A_1791, %parallel_loop3A_1680, %parallel_loop3A_1740 : vector<16xi1>, vector<16xf32>
        %parallel_loop3A_1794 = arith.constant 4 : i32
        %parallel_loop3A_1795 = vector.broadcast %parallel_loop3A_1794 : i32 to vector<16xi32>
        %parallel_loop3A_1796 = arith.xori %iota3A, %parallel_loop3A_1795 : vector<16xi32>
        %parallel_loop3A_1797 = vector.shape_cast %parallel_loop3A_1796 : vector<16xi32> to vector<16x1xi32>
        %parallel_loop3A_1798 = vector.shape_cast %parallel_loop3A_1797 : vector<16x1xi32> to vector<16xi32>
        %parallel_loop3A_1799 = tpu.dynamic_gather %parallel_loop3A_1792[%parallel_loop3A_1798] in [0] : vector<16xf32>, vector<16xi32> -> vector<16xf32>
        %parallel_loop3A_1800 = arith.addf %parallel_loop3A_1793, %parallel_loop3A_1799 : vector<16xf32>
        %parallel_loop3A_1801 = arith.constant 4 : i32
        %parallel_loop3A_1802 = vector.broadcast %parallel_loop3A_1801 : i32 to vector<16xi32>
        %parallel_loop3A_1803 = arith.andi %iota3A, %parallel_loop3A_1802 : vector<16xi32>
        %parallel_loop3A_1804 = arith.constant 0 : i32
        %parallel_loop3A_1805 = vector.broadcast %parallel_loop3A_1804 : i32 to vector<16xi32>
        %parallel_loop3A_1806 = arith.cmpi eq, %parallel_loop3A_1803, %parallel_loop3A_1805 : vector<16xi32>
        %parallel_loop3A_1807 = arith.select %parallel_loop3A_1806, %parallel_loop3A_1755, %parallel_loop3A_1695 : vector<16xi1>, vector<16xf32>
        %parallel_loop3A_1808 = arith.select %parallel_loop3A_1806, %parallel_loop3A_1695, %parallel_loop3A_1755 : vector<16xi1>, vector<16xf32>
        %parallel_loop3A_1809 = arith.constant 4 : i32
        %parallel_loop3A_1810 = vector.broadcast %parallel_loop3A_1809 : i32 to vector<16xi32>
        %parallel_loop3A_1811 = arith.xori %iota3A, %parallel_loop3A_1810 : vector<16xi32>
        %parallel_loop3A_1812 = vector.shape_cast %parallel_loop3A_1811 : vector<16xi32> to vector<16x1xi32>
        %parallel_loop3A_1813 = vector.shape_cast %parallel_loop3A_1812 : vector<16x1xi32> to vector<16xi32>
        %parallel_loop3A_1814 = tpu.dynamic_gather %parallel_loop3A_1807[%parallel_loop3A_1813] in [0] : vector<16xf32>, vector<16xi32> -> vector<16xf32>
        %parallel_loop3A_1815 = arith.addf %parallel_loop3A_1808, %parallel_loop3A_1814 : vector<16xf32>
        %parallel_loop3A_1816 = arith.constant 4 : i32
        %parallel_loop3A_1817 = vector.broadcast %parallel_loop3A_1816 : i32 to vector<16xi32>
        %parallel_loop3A_1818 = arith.andi %iota3A, %parallel_loop3A_1817 : vector<16xi32>
        %parallel_loop3A_1819 = arith.constant 0 : i32
        %parallel_loop3A_1820 = vector.broadcast %parallel_loop3A_1819 : i32 to vector<16xi32>
        %parallel_loop3A_1821 = arith.cmpi eq, %parallel_loop3A_1818, %parallel_loop3A_1820 : vector<16xi32>
        %parallel_loop3A_1822 = arith.select %parallel_loop3A_1821, %parallel_loop3A_1770, %parallel_loop3A_1710 : vector<16xi1>, vector<16xf32>
        %parallel_loop3A_1823 = arith.select %parallel_loop3A_1821, %parallel_loop3A_1710, %parallel_loop3A_1770 : vector<16xi1>, vector<16xf32>
        %parallel_loop3A_1824 = arith.constant 4 : i32
        %parallel_loop3A_1825 = vector.broadcast %parallel_loop3A_1824 : i32 to vector<16xi32>
        %parallel_loop3A_1826 = arith.xori %iota3A, %parallel_loop3A_1825 : vector<16xi32>
        %parallel_loop3A_1827 = vector.shape_cast %parallel_loop3A_1826 : vector<16xi32> to vector<16x1xi32>
        %parallel_loop3A_1828 = vector.shape_cast %parallel_loop3A_1827 : vector<16x1xi32> to vector<16xi32>
        %parallel_loop3A_1829 = tpu.dynamic_gather %parallel_loop3A_1822[%parallel_loop3A_1828] in [0] : vector<16xf32>, vector<16xi32> -> vector<16xf32>
        %parallel_loop3A_1830 = arith.addf %parallel_loop3A_1823, %parallel_loop3A_1829 : vector<16xf32>
        %parallel_loop3A_1831 = arith.constant 4 : i32
        %parallel_loop3A_1832 = vector.broadcast %parallel_loop3A_1831 : i32 to vector<16xi32>
        %parallel_loop3A_1833 = arith.andi %iota3A, %parallel_loop3A_1832 : vector<16xi32>
        %parallel_loop3A_1834 = arith.constant 0 : i32
        %parallel_loop3A_1835 = vector.broadcast %parallel_loop3A_1834 : i32 to vector<16xi32>
        %parallel_loop3A_1836 = arith.cmpi eq, %parallel_loop3A_1833, %parallel_loop3A_1835 : vector<16xi32>
        %parallel_loop3A_1837 = arith.select %parallel_loop3A_1836, %parallel_loop3A_1785, %parallel_loop3A_1725 : vector<16xi1>, vector<16xf32>
        %parallel_loop3A_1838 = arith.select %parallel_loop3A_1836, %parallel_loop3A_1725, %parallel_loop3A_1785 : vector<16xi1>, vector<16xf32>
        %parallel_loop3A_1839 = arith.constant 4 : i32
        %parallel_loop3A_1840 = vector.broadcast %parallel_loop3A_1839 : i32 to vector<16xi32>
        %parallel_loop3A_1841 = arith.xori %iota3A, %parallel_loop3A_1840 : vector<16xi32>
        %parallel_loop3A_1842 = vector.shape_cast %parallel_loop3A_1841 : vector<16xi32> to vector<16x1xi32>
        %parallel_loop3A_1843 = vector.shape_cast %parallel_loop3A_1842 : vector<16x1xi32> to vector<16xi32>
        %parallel_loop3A_1844 = tpu.dynamic_gather %parallel_loop3A_1837[%parallel_loop3A_1843] in [0] : vector<16xf32>, vector<16xi32> -> vector<16xf32>
        %parallel_loop3A_1845 = arith.addf %parallel_loop3A_1838, %parallel_loop3A_1844 : vector<16xf32>
        %parallel_loop3A_1846 = arith.constant 2 : i32
        %parallel_loop3A_1847 = vector.broadcast %parallel_loop3A_1846 : i32 to vector<16xi32>
        %parallel_loop3A_1848 = arith.andi %iota3A, %parallel_loop3A_1847 : vector<16xi32>
        %parallel_loop3A_1849 = arith.constant 0 : i32
        %parallel_loop3A_1850 = vector.broadcast %parallel_loop3A_1849 : i32 to vector<16xi32>
        %parallel_loop3A_1851 = arith.cmpi eq, %parallel_loop3A_1848, %parallel_loop3A_1850 : vector<16xi32>
        %parallel_loop3A_1852 = arith.select %parallel_loop3A_1851, %parallel_loop3A_1830, %parallel_loop3A_1800 : vector<16xi1>, vector<16xf32>
        %parallel_loop3A_1853 = arith.select %parallel_loop3A_1851, %parallel_loop3A_1800, %parallel_loop3A_1830 : vector<16xi1>, vector<16xf32>
        %parallel_loop3A_1854 = arith.constant 2 : i32
        %parallel_loop3A_1855 = vector.broadcast %parallel_loop3A_1854 : i32 to vector<16xi32>
        %parallel_loop3A_1856 = arith.xori %iota3A, %parallel_loop3A_1855 : vector<16xi32>
        %parallel_loop3A_1857 = vector.shape_cast %parallel_loop3A_1856 : vector<16xi32> to vector<16x1xi32>
        %parallel_loop3A_1858 = vector.shape_cast %parallel_loop3A_1857 : vector<16x1xi32> to vector<16xi32>
        %parallel_loop3A_1859 = tpu.dynamic_gather %parallel_loop3A_1852[%parallel_loop3A_1858] in [0] : vector<16xf32>, vector<16xi32> -> vector<16xf32>
        %parallel_loop3A_1860 = arith.addf %parallel_loop3A_1853, %parallel_loop3A_1859 : vector<16xf32>
        %parallel_loop3A_1861 = arith.constant 2 : i32
        %parallel_loop3A_1862 = vector.broadcast %parallel_loop3A_1861 : i32 to vector<16xi32>
        %parallel_loop3A_1863 = arith.andi %iota3A, %parallel_loop3A_1862 : vector<16xi32>
        %parallel_loop3A_1864 = arith.constant 0 : i32
        %parallel_loop3A_1865 = vector.broadcast %parallel_loop3A_1864 : i32 to vector<16xi32>
        %parallel_loop3A_1866 = arith.cmpi eq, %parallel_loop3A_1863, %parallel_loop3A_1865 : vector<16xi32>
        %parallel_loop3A_1867 = arith.select %parallel_loop3A_1866, %parallel_loop3A_1845, %parallel_loop3A_1815 : vector<16xi1>, vector<16xf32>
        %parallel_loop3A_1868 = arith.select %parallel_loop3A_1866, %parallel_loop3A_1815, %parallel_loop3A_1845 : vector<16xi1>, vector<16xf32>
        %parallel_loop3A_1869 = arith.constant 2 : i32
        %parallel_loop3A_1870 = vector.broadcast %parallel_loop3A_1869 : i32 to vector<16xi32>
        %parallel_loop3A_1871 = arith.xori %iota3A, %parallel_loop3A_1870 : vector<16xi32>
        %parallel_loop3A_1872 = vector.shape_cast %parallel_loop3A_1871 : vector<16xi32> to vector<16x1xi32>
        %parallel_loop3A_1873 = vector.shape_cast %parallel_loop3A_1872 : vector<16x1xi32> to vector<16xi32>
        %parallel_loop3A_1874 = tpu.dynamic_gather %parallel_loop3A_1867[%parallel_loop3A_1873] in [0] : vector<16xf32>, vector<16xi32> -> vector<16xf32>
        %parallel_loop3A_1875 = arith.addf %parallel_loop3A_1868, %parallel_loop3A_1874 : vector<16xf32>
        %parallel_loop3A_1876 = arith.constant 1 : i32
        %parallel_loop3A_1877 = vector.broadcast %parallel_loop3A_1876 : i32 to vector<16xi32>
        %parallel_loop3A_1878 = arith.andi %iota3A, %parallel_loop3A_1877 : vector<16xi32>
        %parallel_loop3A_1879 = arith.constant 0 : i32
        %parallel_loop3A_1880 = vector.broadcast %parallel_loop3A_1879 : i32 to vector<16xi32>
        %parallel_loop3A_1881 = arith.cmpi eq, %parallel_loop3A_1878, %parallel_loop3A_1880 : vector<16xi32>
        %parallel_loop3A_1882 = arith.select %parallel_loop3A_1881, %parallel_loop3A_1875, %parallel_loop3A_1860 : vector<16xi1>, vector<16xf32>
        %parallel_loop3A_1883 = arith.select %parallel_loop3A_1881, %parallel_loop3A_1860, %parallel_loop3A_1875 : vector<16xi1>, vector<16xf32>
        %parallel_loop3A_1884 = arith.constant 1 : i32
        %parallel_loop3A_1885 = vector.broadcast %parallel_loop3A_1884 : i32 to vector<16xi32>
        %parallel_loop3A_1886 = arith.xori %iota3A, %parallel_loop3A_1885 : vector<16xi32>
        %parallel_loop3A_1887 = vector.shape_cast %parallel_loop3A_1886 : vector<16xi32> to vector<16x1xi32>
        %parallel_loop3A_1888 = vector.shape_cast %parallel_loop3A_1887 : vector<16x1xi32> to vector<16xi32>
        %parallel_loop3A_1889 = tpu.dynamic_gather %parallel_loop3A_1882[%parallel_loop3A_1888] in [0] : vector<16xf32>, vector<16xi32> -> vector<16xf32>
        %parallel_loop3A_1890 = arith.addf %parallel_loop3A_1883, %parallel_loop3A_1889 : vector<16xf32>
        %parallel_loop3A_1891 = arith.constant 64 : i32
        %parallel_loop3A_1892 = arith.muli %scan3A_54, %parallel_loop3A_1891 : i32
        %parallel_loop3A_1893 = arith.constant 16 : i32
        %parallel_loop3A_1894 = arith.muli %parallel_loop3A_80, %parallel_loop3A_1893 : i32
        %parallel_loop3A_1895 = arith.addi %parallel_loop3A_1892, %parallel_loop3A_1894 : i32
        %parallel_loop3A_1896 = arith.index_cast %parallel_loop3A_1895 : i32 to index
        %parallel_loop3A_1897 = tpu.vector_load %arg15[%parallel_loop3A_1896] {strides = array<i32>} : memref<512xf32, #tpu.memory_space<vmem>>, vector<16xf32>,
        %parallel_loop3A_1898 = vector.shape_cast %parallel_loop3A_1897 : vector<16xf32> to vector<16xf32>
        %parallel_loop3A_1899 = arith.constant 16 : i32
        %parallel_loop3A_1900 = arith.muli %parallel_loop3A_80, %parallel_loop3A_1899 : i32
        %parallel_loop3A_1901 = arith.addi %parallel_loop3A_1892, %parallel_loop3A_1900 : i32
        %parallel_loop3A_1902 = arith.index_cast %parallel_loop3A_1901 : i32 to index
        %parallel_loop3A_1903 = tpu.vector_load %arg16[%parallel_loop3A_1902] {strides = array<i32>} : memref<512xf32, #tpu.memory_space<vmem>>, vector<16xf32>,
        %parallel_loop3A_1904 = vector.shape_cast %parallel_loop3A_1903 : vector<16xf32> to vector<16xf32>
        %parallel_loop3A_1905 = arith.constant 16 : i32
        %parallel_loop3A_1906 = arith.muli %parallel_loop3A_80, %parallel_loop3A_1905 : i32
        %parallel_loop3A_1907 = arith.addi %parallel_loop3A_1892, %parallel_loop3A_1906 : i32
        %parallel_loop3A_1908 = arith.index_cast %parallel_loop3A_1907 : i32 to index
        %parallel_loop3A_1909 = tpu.vector_load %arg17[%parallel_loop3A_1908] {strides = array<i32>} : memref<512xf32, #tpu.memory_space<vmem>>, vector<16xf32>,
        %parallel_loop3A_1910 = vector.shape_cast %parallel_loop3A_1909 : vector<16xf32> to vector<16xf32>
        %parallel_loop3A_1911 = arith.constant 16 : i32
        %parallel_loop3A_1912 = arith.muli %parallel_loop3A_80, %parallel_loop3A_1911 : i32
        %parallel_loop3A_1913 = arith.addi %parallel_loop3A_1892, %parallel_loop3A_1912 : i32
        %parallel_loop3A_1914 = arith.index_cast %parallel_loop3A_1913 : i32 to index
        %parallel_loop3A_1915 = tpu.vector_load %arg18[%parallel_loop3A_1914] {strides = array<i32>} : memref<512xf32, #tpu.memory_space<vmem>>, vector<16xf32>,
        %parallel_loop3A_1916 = vector.shape_cast %parallel_loop3A_1915 : vector<16xf32> to vector<16xf32>
        %parallel_loop3A_1917 = arith.addf %parallel_loop3A_1890, %parallel_loop3A_1898 : vector<16xf32>
        %parallel_loop3A_1918 = arith.addf %parallel_loop3A_1917, %parallel_loop3A_1904 : vector<16xf32>
        %parallel_loop3A_1919 = arith.subf %parallel_loop3A_1918, %parallel_loop3A_1910 : vector<16xf32>
        %parallel_loop3A_1920 = arith.mulf %parallel_loop3A_1916, %parallel_loop3A_1919 : vector<16xf32>
        %parallel_loop3A_1921 = arith.mulf %parallel_loop3A_1920, %parallel_loop3A_1919 : vector<16xf32>
        %parallel_loop3A_1922 = arith.addf %parallel_loop3A_81, %parallel_loop3A_1921 : vector<16xf32>
        scf.yield %parallel_loop3A_1922 : vector<16xf32>
      } {sc.loop_unroll_factor = 1 : i64, sc.parallel_access}
      scf.yield %parallel_loop3A_79 : vector<16xf32>
    }
    %scan3A_50 = arith.constant 8 : i32
    %swap3A = arith.constant 0 : index
    %swap3A_51 = tpu.vector_load %arg19[%swap3A] {strides = array<i32>} : memref<16xf32, #tpu.memory_space<vmem>>, vector<16xf32>,
    %swap3A_52 = vector.shape_cast %swap3A_51 : vector<16xf32> to vector<16xf32>
    %swap3A_53 = vector.shape_cast %scan3A_49 : vector<16xf32> to vector<16xf32>
    tpu.vector_store %arg19[%swap3A], %swap3A_53 {strides = array<i32>} : memref<16xf32, #tpu.memory_space<vmem>>, vector<16xf32>,
    "tpu.region"() ({
      %run_scoped3A = tpu.sem_alloc : memref<!tpu.dma_semaphore, #tpu.memory_space<semaphore_mem>>
      %dma_start3A_54 = arith.constant 0 : i32
      %dma_start3A_55 = tpu.memref_slice %arg10[%add3A, %dma_start3A_54] : memref<32x16xf32, #tpu.memory_space<hbm>> -> memref<1x16xf32, #tpu.memory_space<hbm>>
      %dma_start3A_56 = tpu.memref_squeeze %dma_start3A_55 : memref<1x16xf32, #tpu.memory_space<hbm>> -> memref<16xf32, #tpu.memory_space<hbm>>
      %dma_start3A_57 = arith.constant 0 : i32
      %dma_start3A_58 = tpu.memref_slice %arg10[%add3A, %dma_start3A_57] : memref<32x16xf32, #tpu.memory_space<hbm>> -> memref<1x16xf32, #tpu.memory_space<hbm>>
      %dma_start3A_59 = tpu.memref_squeeze %dma_start3A_58 : memref<1x16xf32, #tpu.memory_space<hbm>> -> memref<16xf32, #tpu.memory_space<hbm>>
      tpu.enqueue_dma source(%arg19 : memref<16xf32, #tpu.memory_space<vmem>>) target(%dma_start3A_59 : memref<16xf32, #tpu.memory_space<hbm>>) target_semaphore(%run_scoped3A : memref<!tpu.dma_semaphore, #tpu.memory_space<semaphore_mem>>)
      %dma_wait3A_60 = arith.constant 0 : i32
      %dma_wait3A_61 = tpu.memref_slice %arg10[%add3A, %dma_wait3A_60] : memref<32x16xf32, #tpu.memory_space<hbm>> -> memref<1x16xf32, #tpu.memory_space<hbm>>
      %dma_wait3A_62 = tpu.memref_squeeze %dma_wait3A_61 : memref<1x16xf32, #tpu.memory_space<hbm>> -> memref<16xf32, #tpu.memory_space<hbm>>
      %dma_wait3A_63 = arith.constant 0 : i32
      %dma_wait3A_64 = tpu.memref_slice %arg10[%add3A, %dma_wait3A_63] : memref<32x16xf32, #tpu.memory_space<hbm>> -> memref<1x16xf32, #tpu.memory_space<hbm>>
      %dma_wait3A_65 = tpu.memref_squeeze %dma_wait3A_64 : memref<1x16xf32, #tpu.memory_space<hbm>> -> memref<16xf32, #tpu.memory_space<hbm>>
      tpu.wait_dma2 semaphore(%run_scoped3A : memref<!tpu.dma_semaphore, #tpu.memory_space<semaphore_mem>>) src(%arg19 : memref<16xf32, #tpu.memory_space<vmem>>) dst(%dma_wait3A_65 : memref<16xf32, #tpu.memory_space<hbm>>)
      tpu.yield
    }) : () -> ()
    return
  }
}

</mosaic_0001>

<sc_bundles>
// kernel: kernel.3.cloned.1.call-start
scs
__scs_entry_jumppad:
0x0: {  	(pc) =	sbr.rel $0x88, $3  }
0x1: {  	(tag) =	ssettag $0x0;
	lr =	simm.s32 $0x1  }
0x2: {  	[smem:$0x3F99] =	sst lr;
	_ =	strace $0xD0000000  }
0x3: {  	_ = 	snop  }
0x4: {  	_ = 	snop  }
0x5: {  	_ = 	snop  }
0x6: {  	_ = 	snop  }
0x7: {  	_ = 	snop  }
__scs_overlays_trampoline_lowered:
0x8: {  	[smem:$0x3FA8] =	sst s0  }
0x9: {  	[smem:$0x3FA9] =	sst s1  }
0xa: {  	[smem:$0x3FAA] =	sst s2  }
0xb: {  	[smem:$0x3FAB] =	sst s3  }
0xc: {  	[smem:$0x3FAC] =	sst s4  }
0xd: {  	[smem:$0x3FAD] =	sst s5  }
0xe: {  	[smem:$0x3FAE] =	sst s6  }
0xf: {  	[smem:$0x3FAF] =	sst s7  }
0x10: {  	[smem:$0x3FB0] =	sst s8  }
0x11: {  	[smem:$0x3FB1] =	sst s9;
	s0 =	simm.s32 @!p0 $0x0  }
0x12: {  	s1 =	sld [smem:$0x3F97];
	s0 =	simm.s32 @p0 $0x1  }
0x13: {  	[smem:$0x3FB2] =	sst s0;
	s0 =	simm.s32 @!p1 $0x0  }
0x14: {  	s2 =	sld [smem:$0x3F96];
	s0 =	simm.s32 @p1 $0x1  }
0x15: {  	[smem:$0x3FB3] =	sst s0;
	s0 =	simm.s32 @!p2 $0x0  }
0x16: {  	s3 =	sld [smem:$0x3FDB];
	s0 =	simm.s32 @p2 $0x1  }
0x17: {  	s4 =	simm.s32 $0x1BF5;
	[smem:$0x3FB5] =	sst s0  }
0x18: {  	s0 =	sld [smem:$0x3F98];
	_ =	swait.ge [sflag:s4], $0x0  }
0x19: {  	s7 =	sld [smem:$0x3F99]  }
0x1a: {  	s8 =	sadd.s32 $0xFFFFE003, lr  }
0x1b: {  	s9 =	sadd.s32 $0xFFFFFEF7, lr;
	s5 =	simm.s32 $0xFFFFFFFF;
	p2 =	slt.u32 s8, $0xFFFFF086  }
0x1c: {  	p1 =	slt.u32 s9, $0xF7A;
	s5 =	simm.s32 @!p2 $0x0  }
0x1d: {  	s5 =	simm.s32 @p1 $0x1;
	p0 =	seq.s32 s7, s2  }
0x1e: {  	s7 =	smul.u32 @!p0 $0xF7A, s2;
	p2 =	seq.s32 @!p0 s5, $0x0  }
0x1f: {  	s9 =	smul.u32 $0xF7A, s1;
	s8 =	simm.s32 @!p0 $0x1BF5;
	p2 =	por !p2, p0  }
0x20: {  	[sflag:s8] =	ssyncset.s32 @!p0 $0xFFFFF086;
	s6 =	sadd.s32 @!p0 s3, s7;
	s7 =	simm.s32 @!p0 $0x108  }
0x21: {  	s3 =	sadd.s32 s3, s9;
	s6 =	sadd.s32 @!p0 $0x88, s6;
	s7 =	simm.s32 @p2 $0x1082  }
0x22: {  	[simem:s7], [sflag:s8] =	dma.local @!p0 [hbm:s6], $0xF7A  }
0x23: {  	s9 =	sor.u32 $0xD0000000, s2;
	s6 =	simm.s32 $0x108;
	_ =	swait.ge @!p0 [sflag:s8], $0x0  }
0x24: {  	s3 =	sadd.s32 $0x88, s3;
	s6 =	simm.s32 @!p1 $0x1082;
	[sflag:s4] =	ssyncset.s32 $0xFFFFF086  }
0x25: {  	[simem:s6], [sflag:s4] =	dma.local [hbm:s3], $0xF7A  }
0x26: {  	[smem:$0x3F99] =	sst s1;
	(tag) =	ssettag s2;
	_ =	strace s9  }
0x27: {  	s1 =	sld [smem:$0x3FA9]  }
0x28: {  	s2 =	sld [smem:$0x3FAA]  }
0x29: {  	s4 =	sld [smem:$0x3FAC]  }
0x2a: {  	p0 =	seq.s32 s5, $0x0;
	s5 =	sld [smem:$0x3FAD]  }
0x2b: {  	s6 =	sld [smem:$0x3FAE]  }
0x2c: {  	s7 =	sld [smem:$0x3FAF]  }
0x2d: {  	s3 =	simm.s32 $0x108;
	s8 =	sld [smem:$0x3FB0]  }
0x2e: {  	s3 =	simm.s32 @!p0 $0x1082;
	s9 =	sld [smem:$0x3FB1]  }
0x2f: {  	lr =	sadd.s32 s0, s3;
	s0 =	sld [smem:$0x3FA8]  }
0x30: {  	s3 =	sld [smem:$0x3FAB]  }
0x31: {  	[smem:$0x3FB4] =	sst s10  }
0x32: {  	s10 =	sld [smem:$0x3FB2];
	_ =	sdelay $0x3  }
0x33: {  	p0 =	seq.s32 s10, $0x1;
	s10 =	sld [smem:$0x3FB4];
	_ =	sdelay $0x3  }
0x34: {  	[smem:$0x3FB4] =	sst s10  }
0x35: {  	s10 =	sld [smem:$0x3FB3];
	_ =	sdelay $0x3  }
0x36: {  	p1 =	seq.s32 s10, $0x1;
	s10 =	sld [smem:$0x3FB4];
	_ =	sdelay $0x3  }
0x37: {  	[smem:$0x3FB4] =	sst s10  }
0x38: {  	s10 =	sld [smem:$0x3FB5]  }
0x39: {  	_ = 	snop;
	(pc) =	sbr.ind lr, $3  }
0x3a: {  	_ = 	snop  }
0x3b: {  	_ = 	snop  }
0x3c: {  	p2 =	seq.s32 s10, $0x1;
	s10 =	sld [smem:$0x3FB4]  }
0x3d: {  	_ =	shalt  }
0x3e: {  	_ =	shalt  }
0x3f: {  	_ =	shalt  }
0x40: {  	_ =	shalt  }
0x41: {  	_ =	shalt  }
0x42: {  	_ =	shalt  }
0x43: {  	_ =	shalt  }
0x44: {  	_ =	shalt  }
0x45: {  	_ =	shalt  }
0x46: {  	_ =	shalt  }
0x47: {  	_ =	shalt  }
0x48: {  	_ =	shalt  }
0x49: {  	_ =	shalt  }
0x4a: {  	_ =	shalt  }
0x4b: {  	_ =	shalt  }
0x4c: {  	_ =	shalt  }
0x4d: {  	_ =	shalt  }
0x4e: {  	_ =	shalt  }
0x4f: {  	_ =	shalt  }
0x50: {  	_ =	shalt  }
0x51: {  	_ =	shalt  }
0x52: {  	_ =	shalt  }
0x53: {  	_ =	shalt  }
0x54: {  	_ =	shalt  }
0x55: {  	_ =	shalt  }
0x56: {  	_ =	shalt  }
0x57: {  	_ =	shalt  }
0x58: {  	_ =	shalt  }
0x59: {  	_ =	shalt  }
0x5a: {  	_ =	shalt  }
0x5b: {  	_ =	shalt  }
0x5c: {  	_ =	shalt  }
0x5d: {  	_ =	shalt  }
0x5e: {  	_ =	shalt  }
0x5f: {  	_ =	shalt  }
0x60: {  	_ =	shalt  }
0x61: {  	_ =	shalt  }
0x62: {  	_ =	shalt  }
0x63: {  	_ =	shalt  }
0x64: {  	_ =	shalt  }
0x65: {  	_ =	shalt  }
0x66: {  	_ =	shalt  }
0x67: {  	_ =	shalt  }
0x68: {  	_ =	shalt  }
0x69: {  	_ =	shalt  }
0x6a: {  	_ =	shalt  }
0x6b: {  	_ =	shalt  }
0x6c: {  	_ =	shalt  }
0x6d: {  	_ =	shalt  }
0x6e: {  	_ =	shalt  }
0x6f: {  	_ =	shalt  }
0x70: {  	_ =	shalt  }
0x71: {  	_ =	shalt  }
0x72: {  	_ =	shalt  }
0x73: {  	_ =	shalt  }
0x74: {  	_ =	shalt  }
0x75: {  	_ =	shalt  }
0x76: {  	_ =	shalt  }
0x77: {  	_ =	shalt  }
0x78: {  	_ =	shalt  }
0x79: {  	_ =	shalt  }
0x7a: {  	_ =	shalt  }
0x7b: {  	_ =	shalt  }
0x7c: {  	_ =	shalt  }
0x7d: {  	_ =	shalt  }
0x7e: {  	_ =	shalt  }
0x7f: {  	_ =	shalt  }
0x80: {  	_ =	shalt  }
0x81: {  	_ =	shalt  }
0x82: {  	_ =	shalt  }
0x83: {  	_ =	shalt  }
0x84: {  	_ =	shalt  }
0x85: {  	_ =	shalt  }
0x86: {  	_ =	shalt  }
0x87: {  	_ =	shalt  }
.Lfunc_end0:
.L_simem_size_0:
called_computation_lowered:
.L_overlay_start_0:
0x88: {  	s2 =	sld [smem:$0x3FD9]  }
0x89: {  	s3 =	sld [smem:$0x3FFE];
	_ =	sdelay $0x1  }
0x8a: {  	s1 =	srdreg.scid  }
0x8b: {  	s0 =	sand.u32 $0x1, s1  }
0x8c: {  	s17 =	sshll.u32 s0, $0xA;
	s2 =	sadd.s32 s3, s2  }
0x8d: {  	s2 =	sadd.s32 s2, s17  }
0x8e: {  	[smem:$0x3FC0] =	sst s2  }
0x8f: {  	_ = 	snop  }
0x90: {  	s2 =	sld [smem:$0x3FC9]  }
0x91: {  	s18 =	sld [smem:$0x3FC8]  }
0x92: {  	s4 =	sld [smem:$0x3FC7]  }
0x93: {  	s5 =	sld [smem:$0x3FC6]  }
0x94: {  	s6 =	sld [smem:$0x3FC5]  }
0x95: {  	s7 =	sld [smem:$0x3FC4];
	(tm) =	ssettm $0x1  }
0x96: {  	s8 =	sld [smem:$0x3FFB];
	_ =	sdelay $0x3  }
0x97: {  	_ =	strace s8  }
0x98: {  	s8 =	sld [smem:$0x3FFC];
	_ =	sdelay $0x3  }
0x99: {  	_ =	strace s8  }
0x9a: {  	s8 =	sld [smem:$0x3FFD];
	_ =	sdelay $0x3  }
0x9b: {  	_ =	strace s8  }
0x9c: {  	_ =	strace $0x8FFFFFFF  }
0x9d: {  	s19 =	sld [smem:$0x3FDB];
	_ =	sdelay $0x1  }
0x9e: {  	s9 =	simm.s32 $_scs_section_size  }
0x9f: {  	s10 =	simm.s32 $_size__tile_overlayer_lowered;
	s11 =	simm.s32 $_tile_overlayer_lowered  }
0xa0: {  	s22 =	simm.s32 $0x1BFF;
	s21 =	sshll.u32 s11, $0x1;
	s8 =	sadd.s32 s9, s19  }
0xa1: {  	s12 =	simm.s32 $0x0;
	s20 =	sshll.u32 s10, $0x1;
	s10 =	sadd.s32 s21, s8  }
0xa2: {  	[timem:s12], [sflag:s22] =	dma.local [hbm:s10], s20  }
0xa3: {  	_ =	swait.ge [sflag:s22], s20  }
0xa4: {  	s9 =	ssub.s32 $0x0, s20;
	[sflag:s22] =	ssyncset.done $0x0  }
0xa5: {  	[sflag:s22] =	ssyncadd.s32 s9;
	_ =	sdelay $0x1  }
0xa6: {  	s23 =	simm.s32 $0x1B8B  }
0xa7: {  	_ =	swait.ge [sflag:s23], $0x1  }
0xa8: {  	[sflag:s23] =	ssyncset.done $0x0  }
0xa9: {  	s25 =	simm.s32 $0x1B8E;
	s24 =	sld [smem:$0x3FFE];
	[sflag:s23] =	ssyncadd.s32 $0xFFFFFFFF  }
0xaa: {  	s26 =	simm.s32 $execute0_lowered;
	[smem:$0x3FD2] =	sst s25  }
0xab: {  	s10 =	sshll.u32 s26, $0x1;
	_ =	strace $0x80000046;
	[dreg:$0x1] =	wrdreg $0xFFFFFFFF  }
0xac: {  	s28 =	simm.s32 $_size_execute0_lowered;
	s8 =	sadd.s32 s8, s10;
	[dreg:$0x0] =	wrdreg $0x0  }
0xad: {  	s10 =	sshll.u32 s28, $0x1;
	[dreg:$0x2] =	wrdreg s8  }
0xae: {  	[dreg:$0x3] =	wrdreg s10  }
0xaf: {  	[dreg:$0x4] =	wrdreg $0xC0  }
0xb0: {  	_ =	task [dreg:s12], $0x5FFFF  }
0xb1: {  	[dreg:$0x1] =	wrdreg $0xFFFFFFFF  }
0xb2: {  	[dreg:$0x0] =	wrdreg $0x60  }
0xb3: {  	[dreg:$0x2] =	wrdreg s2  }
0xb4: {  	[dreg:$0x3] =	wrdreg s18  }
0xb5: {  	[dreg:$0x4] =	wrdreg s4  }
0xb6: {  	[dreg:$0x5] =	wrdreg s5  }
0xb7: {  	[dreg:$0x6] =	wrdreg s6  }
0xb8: {  	[dreg:$0x7] =	wrdreg s7  }
0xb9: {  	[dreg:$0x8] =	wrdreg s24  }
0xba: {  	[dreg:$0x9] =	wrdreg $0x9  }
0xbb: {  	_ =	task.clear_ibuf [dreg:s12], $0xAFFFF;
	_ =	strace $0x90000046  }
0xbc: {  	s29 =	simm.s32 $0x9;
	_ =	strace $0x80000048  }
0xbd: {  	_ =	swait.ge [sflag:s29], $0x1  }
0xbe: {  	[sflag:s29] =	ssyncadd.s32 $0xFFFFFFFF  }
0xbf: {  	_ =	strace $0x90000048  }
0xc0: {  	_ =	sfence  }
0xc1: {  	s30 =	sld [smem:$0x0];
	_ =	sdelay $0x2  }
0xc2: {  	s31 =	sshll.u32 s1, $0xD;
	s1 =	sshrl.u32 s1, $0x2  }
0xc3: {  	s3 =	sand.u32 $0x4000, s31;
	s1 =	sadd.s32 s1, s30  }
0xc4: {  	s0 =	sor.u32 s3, s0;
	s1 =	sshll.u32 s1, $0x11  }
0xc5: {  	s0 =	sor.u32 s1, s0  }
0xc6: {  	s0 =	sadd.s32 $0x8F2B, s0  }
0xc7: {  	[sflag:s0] =	ssyncadd.remote.s32 $0x1  }
0xc8: {  	_ =	sfence.sel $0xFFFF  }
0xc9: {  	[dreg:$0x0] =	wrdreg $0xFFFFFFFF;
	(pc) =	sbr.abs _section_cstart, $3  }
0xca: {  	[dreg:$0x1] =	wrdreg $0xFFFFFFFF  }
0xcb: {  	_ =	task.clear_ibuf [dreg:s12], $0x2FFFF;
	_ =	strace $0x9FFFFFFF  }
0xcc: {  	(tm) =	ssettm $0x7FFFFFFF  }
0xcd: {  	_ =	shalt  }
tec
execute0_lowered:
.L_overlay_start_1:
0x0: {  	(tag) =	ssettag $0x1  }
0x1: {  	v0 =	vimm.s32 $0x76543210;
	v1 =	vimm.s32 $0xFEDCBA98  }
0x2: {  	v2 =	vimm.s32 $0xBA98FEDC;
	v3 =	vimm.s32 $0x32107654;
	vm0 =	vcmask $0x2F20  }
0x3: {  	vm1 =	vcmask $0xF00;
	vm2 =	vcmask $0x700;
	v60 =	vimm.s32 $0xDCFE98BA  }
0x4: {  	vm3 =	vcmask $0x300;
	v1 =	vunpack.c.l.s4.s8 v1;
	v2 =	vunpack.c.l.s4.s8 v2  }
0x5: {  	s0 =	rddreg [dreg:$0x0];
	v3 =	vunpack.c.l.s4.s8 v3;
	vm0 =	vmor vm1, vm0;
	vm1 =	vcmask $0x1710  }
0x6: {  	s1 =	rddreg [dreg:$0x1];
	v0 =	vunpack.c.l.s4.s8 v0;
	vm1 =	vmor vm2, vm1;
	vm2 =	vcmask $0xB08  }
0x7: {  	s2 =	rddreg [dreg:$0x2];
	v1 =	vunpack.c.0.s8.s32 v1;
	v2 =	vunpack.c.0.s8.s32 v2;
	v3 =	vunpack.c.0.s8.s32 v3  }
0x8: {  	s3 =	rddreg [dreg:$0x3];
	v61 =	vimm.s32 $0x54761032;
	v0 =	vunpack.c.0.s8.s32 v0;
	vm2 =	vmor vm3, vm2  }
0x9: {  	s7 =	rddreg [dreg:$0x6];
	vm3 =	vcmask $0x1310;
	v1 =	vand.u32 $0xF, v1;
	v59 =	vcombine.low v3, v2  }
0xa: {  	s4 =	srdreg.scid;
	s5 =	stileid.u32;
	v2 =	vunpack.c.l.s4.s8 v61;
	v4 =	vcombine.low v1, v0;
	v1 =	vunpack.c.l.s4.s8 v60  }
0xb: {  	s8 =	simm.s32 $0x0;
	v62 =	vimm.s32 $0xEFCDAB89;
	s4 =	sand.u32 $0x1, s4;
	s5 =	sshll.u32 s5, $0x1;
	vm2 =	vmor vm2, vm3  }
0xc: {  	[smem:$0x7FF] =	sst s8;
	s5 =	sor.u32 s4, s5;
	vm3 =	vcmask $0x1B18;
	v2 =	vunpack.c.0.s8.s32 v2;
	v1 =	vunpack.c.0.s8.s32 v1  }
0xd: {  	v63 =	vimm.s32 $0x67452301;
	s6 =	sadd.s32 $0x3200, s7;
	s24 =	sshll.u32 s5, $0x4;
	s5 =	sshll.u32 s5, $0x6;
	vm2 =	vmor vm2, vm3;
	vm3 =	vcmask $0x2320  }
0xe: {  	_ =	strace $0x80000047;
	[dreg:$0xb] =	wrdreg s6;
	s0 =	sadd.s32 s0, s5;
	v3 =	vunpack.c.l.s4.s8 v63;
	v1 =	vcombine.low v2, v1;
	v2 =	vunpack.c.l.s4.s8 v62  }
0xf: {  	vm4 =	vcmask $0x2720;
	s4 =	ssub.s32 $0x2, s4;
	s26 =	sadd.s32 s1, s5;
	[dreg:$0xc] =	wrdreg s0;
	vm2 =	vmor vm2, vm3;
	vm3 =	vcmask $0x2B28  }
0x10: {  	s25 =	sshrl.u32 s4, $0x1;
	s28 =	sadd.s32 s2, s5;
	[dreg:$0xd] =	wrdreg s26;
	v3 =	vunpack.c.0.s8.s32 v3;
	v0 =	vand.u32 $0xF, v59;
	v2 =	vunpack.c.0.s8.s32 v2  }
0x11: {  	vm1 =	vmor vm1, vm4;
	s6 =	sadd.s32 s24, s7;
	s29 =	sadd.s32 s3, s5;
	[dreg:$0xe] =	wrdreg s28;
	vm2 =	vmor vm2, vm3;
	[tilespmem:$0x1FFD0] =	vst v0  }
0x12: {  	s4 =	ssub.s32 s4, s25;
	[dreg:$0xf] =	wrdreg s29;
	s30 =	sadd.s32 $0x6400, s6;
	vm3 =	vcmask $0x3330;
	[tilespmem:$0x1FFF0] =	vst v4;
	v1 =	vand.u32 $0xF, v1;
	v3 =	vcombine.low v3, v2  }
0x13: {  	vm4 =	vcmask $0x3730;
	s31 =	smax.u32 s4, $0x1;
	[dreg:$0x10] =	wrdreg s30;
	vm2 =	vmor vm2, vm3;
	vm3 =	vcmask $0x3B38;
	[tilespmem:$0x1FFC0] =	vst v1  }
0x14: {  	s23 =	simm.s32 $0x3;
	vm1 =	vmor vm1, vm4;
	s2 =	simm.s32 $0x0;
	[dreg:$0x11] =	wrdreg s31;
	vm2 =	vmor vm2, vm3;
	vm3 =	vmmov $0xff;
	[tilespmem:$0x1FFE0] =	vst v3  }
.LBB2_1:
0x15: {  	[dreg:$0x12] =	wrdreg s2  }
0x16: {  	s0 =	rddreg [dreg:$0xc]  }
0x17: {  	[tilespmem:s8], [sflag:$0x1] =	stream.linear.gather [hbm4b:s0+s8], $0x200, $0x38;
	[tilespmem:$0x8C80] =	vst v63  }
0x18: {  	s15 =	rddreg [dreg:$0xd];
	s1 =	simm.s32 $0x200  }
0x19: {  	[tilespmem:s1], [sflag:$0x1] =	stream.linear.gather [hbm4b:s15+s8], $0x200, $0x38;
	[tilespmem:$0x8C80] =	vst v63  }
0x1a: {  	s16 =	rddreg [dreg:$0xe];
	s17 =	simm.s32 $0x8800  }
0x1b: {  	[tilespmem:s17], [sflag:$0x2] =	stream.linear.gather [hbm4b:s16+s8], $0x200, $0x38;
	[tilespmem:$0x8C80] =	vst v63  }
0x1c: {  	s18 =	rddreg [dreg:$0xf];
	s19 =	simm.s32 $0x8A00;
	s20 =	simm.s32 $0x1  }
0x1d: {  	[tilespmem:s19], [sflag:$0x2] =	stream.linear.gather [hbm4b:s18+s8], $0x200, $0x38;
	[tilespmem:$0x8C80] =	vst v63  }
0x1e: {  	_ =	swait.ge [sflag:s20], $0x200  }
0x1f: {  	[sflag:s20] =	ssyncset.done $0x0  }
0x20: {  	[sflag:s20] =	ssyncadd.s32 $0xFFFFFE00  }
0x21: {  	_ =	swait.ge [sflag:s20], $0x200  }
0x22: {  	[sflag:s20] =	ssyncset.done $0x0  }
0x23: {  	[sflag:s20] =	ssyncadd.s32 $0xFFFFFE00  }
0x24: {  	s21 =	simm.s32 $0x8400;
	s0 =	rddreg [dreg:$0x6]  }
0x25: {  	[tilespmem:s21], [sflag:$0x2] =	stream.indirect.gather [hbm4b:s0+s1], $0x1, s8, s1, $0xb8;
	[tilespmem:$0x8C80] =	vst v63  }
0x26: {  	s24 =	simm.s32 $0x8600;
	s22 =	rddreg [dreg:$0xb]  }
0x27: {  	[tilespmem:s24], [sflag:$0x2] =	stream.indirect.gather [hbm4b:s22+s1], $0x1, s1, s1, $0xb8;
	[tilespmem:$0x8C80] =	vst v63  }
0x28: {  	s26 =	simm.s32 $0x40;
	s3 =	simm.s32 $0x400;
	s25 =	rddreg [dreg:$0x4]  }
0x29: {  	[tilespmem:s3], [sflag:$0x3] =	stream.indirect.gather [hbm4b:s25+s26], $0x80, s8, s26, $0xb8;
	[tilespmem:$0x8C80] =	vst v63  }
0x2a: {  	s30 =	simm.s32 $0x4400;
	s31 =	simm.s32 $0x2;
	s29 =	rddreg [dreg:$0x5]  }
0x2b: {  	[tilespmem:s30], [sflag:$0x3] =	stream.indirect.gather [hbm4b:s29+s26], $0x80, s1, s26, $0xb8;
	[tilespmem:$0x8C80] =	vst v63  }
0x2c: {  	_ =	swait.ge [sflag:s31], $0x200  }
0x2d: {  	[sflag:s31] =	ssyncset.done $0x0  }
0x2e: {  	[sflag:s31] =	ssyncadd.s32 $0xFFFFFE00  }
0x2f: {  	_ =	swait.ge [sflag:s31], $0x200  }
0x30: {  	[sflag:s31] =	ssyncset.done $0x0  }
0x31: {  	[sflag:s31] =	ssyncadd.s32 $0xFFFFFE00  }
0x32: {  	_ =	swait.ge [sflag:s31], $0x200  }
0x33: {  	[sflag:s31] =	ssyncset.done $0x0  }
0x34: {  	[sflag:s31] =	ssyncadd.s32 $0xFFFFFE00  }
0x35: {  	_ =	swait.ge [sflag:s31], $0x200  }
0x36: {  	[sflag:s31] =	ssyncset.done $0x0  }
0x37: {  	v2 =	vimm.f32 $0.0e+00;
	s28 =	simm.s32 $0x0;
	[sflag:s31] =	ssyncadd.s32 $0xFFFFFE00  }
.LBB2_2:
0x38: {  	[tilespmem:$0x1F650] =	vst v2  }
0x39: {  	_ =	swait.ge [sflag:s23], $0x2000  }
0x3a: {  	[sflag:s23] =	ssyncset.done $0x0  }
0x3b: {  	[sflag:s23] =	ssyncadd.s32 $0xFFFFE000  }
0x3c: {  	p0 =	seq.s32 s28, $0x7;
	_ =	swait.ge [sflag:s23], $0x2000  }
0x3d: {  	s0 =	sshll.u32 @!p0 s28, $0xD;
	s7 =	sshll.u32 @!p0 s28, $0x6;
	[sflag:s23] =	ssyncset.done $0x0  }
0x3e: {  	s2 =	simm.s32 @!p0 $0x40;
	s29 =	sand.u32 @!p0 $0x2000, s0;
	[sflag:s23] =	ssyncadd.s32 $0xFFFFE000  }
0x3f: {  	s0 =	sadd.s32 @!p0 $0x40, s7;
	s1 =	sxor.u32 @!p0 $0x2400, s29;
	s3 =	rddreg [dreg:$0x4]  }
0x40: {  	[tilespmem:s1], [sflag:$0x3] =	stream.indirect.gather @!p0 [hbm4b:s3+s2], $0x80, s0, s2, $0xb8;
	[tilespmem:$0x8C80] =	vst v63  }
0x41: {  	s0 =	sxor.u32 @!p0 $0x6400, s29;
	s1 =	sadd.s32 @!p0 $0x240, s7;
	s3 =	rddreg [dreg:$0x5]  }
0x42: {  	[tilespmem:s0], [sflag:$0x3] =	stream.indirect.gather @!p0 [hbm4b:s3+s2], $0x80, s1, s2, $0xb8;
	[tilespmem:$0x8C80] =	vst v63  }
0x43: {  	s29 =	simm.s32 @p0 $0x2000;
	s0 =	simm.s32 $0x0  }
0x44: {  	s9 =	sor.u32 s29, s0  }
0x45: {  	v0 =	vld [tilespmem:s9+$0x470];
	_ =	sdelay $0x4  }
0x46: {  	[tilespmem:$0x1F720] =	vst v0;
	v0 =	vld [tilespmem:s9+$0x4470];
	_ =	sdelay $0x2  }
0x47: {  	s30 =	sor.u32 $0x200, s29  }
0x48: {  	s11 =	sor.u32 s30, s0  }
0x49: {  	[tilespmem:$0x1F730] =	vst v0;
	v0 =	vld [tilespmem:s11+$0x470];
	_ =	sdelay $0x4  }
0x4a: {  	[tilespmem:$0x1F750] =	vst v0;
	v0 =	vld [tilespmem:s11+$0x4470];
	_ =	sdelay $0x2  }
0x4b: {  	s31 =	sor.u32 $0x280, s29  }
0x4c: {  	s5 =	sor.u32 s31, s0  }
0x4d: {  	[tilespmem:$0x1F760] =	vst v0;
	v0 =	vld [tilespmem:s5+$0x470];
	_ =	sdelay $0x4  }
0x4e: {  	[tilespmem:$0x1F780] =	vst v0;
	v0 =	vld [tilespmem:s5+$0x4470];
	_ =	sdelay $0x2  }
0x4f: {  	s2 =	sor.u32 $0x300, s29  }
0x50: {  	s10 =	sor.u32 s2, s0  }
0x51: {  	[tilespmem:$0x1F790] =	vst v0;
	v0 =	vld [tilespmem:s10+$0x470];
	_ =	sdelay $0x4  }
0x52: {  	[tilespmem:$0x1F7B0] =	vst v0;
	v0 =	vld [tilespmem:s10+$0x4470];
	_ =	sdelay $0x2  }
0x53: {  	s4 =	sor.u32 $0x380, s29  }
0x54: {  	s6 =	sor.u32 s4, s0  }
0x55: {  	[tilespmem:$0x1F7C0] =	vst v0;
	v0 =	vld [tilespmem:s6+$0x470];
	_ =	sdelay $0x4  }
0x56: {  	[tilespmem:$0x1F7E0] =	vst v0;
	v0 =	vld [tilespmem:s6+$0x4470];
	_ =	sdelay $0x2  }
0x57: {  	s14 =	sor.u32 $0x400, s29  }
0x58: {  	s8 =	sor.u32 s14, s0  }
0x59: {  	[tilespmem:$0x1F7F0] =	vst v0;
	v0 =	vld [tilespmem:s8+$0x470];
	_ =	sdelay $0x4  }
0x5a: {  	[tilespmem:$0x1F810] =	vst v0  }
0x5b: {  	v0 =	vld [tilespmem:s8+$0x4470];
	_ =	sdelay $0x2  }
0x5c: {  	s15 =	sor.u32 $0x480, s29  }
0x5d: {  	s19 =	sor.u32 s15, s0  }
0x5e: {  	[tilespmem:$0x1F820] =	vst v0;
	v0 =	vld [tilespmem:s19+$0x470];
	_ =	sdelay $0x4  }
0x5f: {  	[tilespmem:$0x1F840] =	vst v0;
	v0 =	vld [tilespmem:s19+$0x4470];
	_ =	sdelay $0x2  }
0x60: {  	s17 =	sor.u32 $0x500, s29  }
0x61: {  	s22 =	sor.u32 s17, s0  }
0x62: {  	[tilespmem:$0x1F850] =	vst v0;
	v0 =	vld [tilespmem:s22+$0x470];
	_ =	sdelay $0x4  }
0x63: {  	[tilespmem:$0x1F870] =	vst v0;
	v0 =	vld [tilespmem:s22+$0x4470];
	_ =	sdelay $0x4  }
0x64: {  	[tilespmem:$0x1F880] =	vst v0;
	v0 =	vld [tilespmem:s9+$0x460];
	_ =	sdelay $0x4  }
0x65: {  	[tilespmem:$0x1F8B0] =	vst v0;
	v0 =	vld [tilespmem:s9+$0x4460];
	_ =	sdelay $0x4  }
0x66: {  	[tilespmem:$0x1F8C0] =	vst v0;
	v0 =	vld [tilespmem:s9+$0x450];
	_ =	sdelay $0x4  }
0x67: {  	[tilespmem:$0x1F990] =	vst v0;
	v0 =	vld [tilespmem:s9+$0x4450];
	_ =	sdelay $0x4  }
0x68: {  	[tilespmem:$0x1F9A0] =	vst v0;
	v0 =	vld [tilespmem:s9+$0x440];
	_ =	sdelay $0x4  }
0x69: {  	[tilespmem:$0x1FA00] =	vst v0;
	v0 =	vld [tilespmem:s9+$0x4440];
	_ =	sdelay $0x4  }
0x6a: {  	[tilespmem:$0x1FA10] =	vst v0;
	v0 =	vld [tilespmem:s9+$0x430];
	_ =	sdelay $0x4  }
0x6b: {  	[tilespmem:$0x1FA60] =	vst v0;
	v0 =	vld [tilespmem:s9+$0x4430];
	_ =	sdelay $0x4  }
0x6c: {  	[tilespmem:$0x1FA70] =	vst v0;
	v0 =	vld [tilespmem:s9+$0x420];
	_ =	sdelay $0x4  }
0x6d: {  	[tilespmem:$0x1FAC0] =	vst v0;
	v0 =	vld [tilespmem:s9+$0x4420];
	_ =	sdelay $0x4  }
0x6e: {  	[tilespmem:$0x1FAD0] =	vst v0;
	v0 =	vld [tilespmem:s9+$0x400];
	_ =	sdelay $0x4  }
0x6f: {  	[tilespmem:$0x1FB60] =	vst v0;
	v0 =	vld [tilespmem:s9+$0x4400];
	_ =	sdelay $0x4  }
0x70: {  	[tilespmem:$0x1FB70] =	vst v0;
	v0 =	vld [tilespmem:s9+$0x410];
	_ =	sdelay $0x4  }
0x71: {  	[tilespmem:$0x1FB80] =	vst v0;
	v0 =	vld [tilespmem:s9+$0x4410];
	_ =	sdelay $0x4  }
0x72: {  	[tilespmem:$0x1FB90] =	vst v0;
	v0 =	vld [tilespmem:s11+$0x460];
	_ =	sdelay $0x4  }
0x73: {  	[tilespmem:$0x1F8F0] =	vst v0;
	v0 =	vld [tilespmem:s11+$0x4460];
	_ =	sdelay $0x4  }
0x74: {  	[tilespmem:$0x1F900] =	vst v0;
	v0 =	vld [tilespmem:s5+$0x460];
	_ =	sdelay $0x4  }
0x75: {  	[tilespmem:$0x1F920] =	vst v0;
	v0 =	vld [tilespmem:s5+$0x4460];
	_ =	sdelay $0x4  }
0x76: {  	[tilespmem:$0x1F930] =	vst v0;
	v0 =	vld [tilespmem:s11+$0x450];
	_ =	sdelay $0x4  }
0x77: {  	[tilespmem:$0x1F9C0] =	vst v0;
	v0 =	vld [tilespmem:s11+$0x4450];
	_ =	sdelay $0x4  }
0x78: {  	[tilespmem:$0x1F9D0] =	vst v0;
	v0 =	vld [tilespmem:s5+$0x450];
	_ =	sdelay $0x4  }
0x79: {  	[tilespmem:$0x1F9E0] =	vst v0;
	v0 =	vld [tilespmem:s5+$0x4450];
	_ =	sdelay $0x4  }
0x7a: {  	[tilespmem:$0x1F9F0] =	vst v0;
	v0 =	vld [tilespmem:s11+$0x440];
	_ =	sdelay $0x4  }
0x7b: {  	[tilespmem:$0x1FA20] =	vst v0;
	v0 =	vld [tilespmem:s11+$0x4440];
	_ =	sdelay $0x4  }
0x7c: {  	[tilespmem:$0x1FA30] =	vst v0;
	v0 =	vld [tilespmem:s5+$0x440];
	_ =	sdelay $0x4  }
0x7d: {  	[tilespmem:$0x1FA40] =	vst v0;
	v0 =	vld [tilespmem:s5+$0x4440];
	_ =	sdelay $0x4  }
0x7e: {  	[tilespmem:$0x1FA50] =	vst v0;
	v0 =	vld [tilespmem:s11+$0x430];
	_ =	sdelay $0x4  }
0x7f: {  	[tilespmem:$0x1FA80] =	vst v0;
	v0 =	vld [tilespmem:s11+$0x4430];
	_ =	sdelay $0x4  }
0x80: {  	[tilespmem:$0x1FA90] =	vst v0;
	v0 =	vld [tilespmem:s5+$0x430];
	_ =	sdelay $0x4  }
0x81: {  	[tilespmem:$0x1FAA0] =	vst v0;
	v0 =	vld [tilespmem:s5+$0x4430];
	_ =	sdelay $0x4  }
0x82: {  	[tilespmem:$0x1FAB0] =	vst v0;
	v0 =	vld [tilespmem:s11+$0x420];
	_ =	sdelay $0x4  }
0x83: {  	[tilespmem:$0x1FAE0] =	vst v0;
	v0 =	vld [tilespmem:s11+$0x4420];
	_ =	sdelay $0x4  }
0x84: {  	[tilespmem:$0x1FAF0] =	vst v0;
	v0 =	vld [tilespmem:s5+$0x420];
	_ =	sdelay $0x4  }
0x85: {  	[tilespmem:$0x1FB00] =	vst v0;
	v0 =	vld [tilespmem:s5+$0x4420];
	_ =	sdelay $0x4  }
0x86: {  	[tilespmem:$0x1FB10] =	vst v0;
	v0 =	vld [tilespmem:s11+$0x400];
	_ =	sdelay $0x4  }
0x87: {  	[tilespmem:$0x1FBA0] =	vst v0;
	v0 =	vld [tilespmem:s11+$0x4400];
	_ =	sdelay $0x4  }
0x88: {  	[tilespmem:$0x1FBB0] =	vst v0;
	v0 =	vld [tilespmem:s11+$0x410];
	_ =	sdelay $0x4  }
0x89: {  	[tilespmem:$0x1FBC0] =	vst v0;
	v0 =	vld [tilespmem:s11+$0x4410];
	_ =	sdelay $0x4  }
0x8a: {  	[tilespmem:$0x1FBD0] =	vst v0;
	v0 =	vld [tilespmem:s5+$0x400];
	_ =	sdelay $0x4  }
0x8b: {  	[tilespmem:$0x1FBE0] =	vst v0;
	v0 =	vld [tilespmem:s5+$0x4400];
	_ =	sdelay $0x4  }
0x8c: {  	[tilespmem:$0x1FBF0] =	vst v0;
	v0 =	vld [tilespmem:s5+$0x410];
	_ =	sdelay $0x4  }
0x8d: {  	[tilespmem:$0x1FC00] =	vst v0;
	v0 =	vld [tilespmem:s5+$0x4410];
	_ =	sdelay $0x4  }
0x8e: {  	[tilespmem:$0x1FC10] =	vst v0;
	v0 =	vld [tilespmem:s10+$0x420];
	_ =	sdelay $0x4  }
0x8f: {  	[tilespmem:$0x1FB20] =	vst v0;
	v0 =	vld [tilespmem:s10+$0x4420];
	_ =	sdelay $0x4  }
0x90: {  	[tilespmem:$0x1FB30] =	vst v0;
	v0 =	vld [tilespmem:s6+$0x420];
	_ =	sdelay $0x4  }
0x91: {  	[tilespmem:$0x1FB40] =	vst v0;
	v0 =	vld [tilespmem:s6+$0x4420];
	_ =	sdelay $0x4  }
0x92: {  	[tilespmem:$0x1FB50] =	vst v0;
	v0 =	vld [tilespmem:s10+$0x400];
	_ =	sdelay $0x4  }
0x93: {  	[tilespmem:$0x1FC20] =	vst v0;
	v0 =	vld [tilespmem:s10+$0x4400];
	_ =	sdelay $0x4  }
0x94: {  	[tilespmem:$0x1FC30] =	vst v0;
	v0 =	vld [tilespmem:s10+$0x410];
	_ =	sdelay $0x4  }
0x95: {  	[tilespmem:$0x1FC40] =	vst v0;
	v0 =	vld [tilespmem:s10+$0x4410];
	_ =	sdelay $0x4  }
0x96: {  	[tilespmem:$0x1FC50] =	vst v0;
	v0 =	vld [tilespmem:s6+$0x400];
	_ =	sdelay $0x4  }
0x97: {  	[tilespmem:$0x1FC60] =	vst v0;
	v0 =	vld [tilespmem:s6+$0x4400];
	_ =	sdelay $0x4  }
0x98: {  	[tilespmem:$0x1FC70] =	vst v0;
	v0 =	vld [tilespmem:s6+$0x410];
	_ =	sdelay $0x4  }
0x99: {  	[tilespmem:$0x1FC80] =	vst v0;
	v0 =	vld [tilespmem:s6+$0x4410];
	_ =	sdelay $0x1  }
0x9a: {  	s24 =	sor.u32 $0x700, s29  }
0x9b: {  	s21 =	sor.u32 $0x680, s29;
	s12 =	sor.u32 s24, s0  }
0x9c: {  	v62 =	vld [tilespmem:s12+$0x4470];
	s11 =	sor.u32 s21, s0  }
0x9d: {  	[tilespmem:$0x1FC90] =	vst v0;
	v0 =	vld [tilespmem:s11+$0x470];
	_ =	sdelay $0x1  }
0x9e: {  	s3 =	sor.u32 $0x780, s29  }
0x9f: {  	s13 =	sor.u32 s3, s0  }
0xa0: {  	[tilespmem:$0x1F690] =	vst v62;
	v62 =	vld [tilespmem:s13+$0x470]  }
0xa1: {  	[tilespmem:$0x1F660] =	vst v0;
	v0 =	vld [tilespmem:s8+$0x400];
	_ =	sdelay $0x3  }
0xa2: {  	[tilespmem:$0x1F6A0] =	vst v62;
	v62 =	vld [tilespmem:s13+$0x4470]  }
0xa3: {  	[tilespmem:$0x1FCA0] =	vst v0;
	v0 =	vld [tilespmem:s8+$0x4400];
	_ =	sdelay $0x1  }
0xa4: {  	s20 =	sor.u32 $0x600, s29  }
0xa5: {  	s26 =	sor.u32 s20, s0  }
0xa6: {  	[tilespmem:$0x1F6B0] =	vst v62;
	v62 =	vld [tilespmem:s26+$0x460]  }
0xa7: {  	[tilespmem:$0x1FCB0] =	vst v0;
	v0 =	vld [tilespmem:s8+$0x410];
	_ =	sdelay $0x3  }
0xa8: {  	s18 =	sor.u32 $0x580, s29;
	[tilespmem:$0x1FFA0] =	vst v62;
	v62 =	vld [tilespmem:s26+$0x4460]  }
0xa9: {  	s25 =	sor.u32 s18, s0;
	[tilespmem:$0x1FCC0] =	vst v0;
	v0 =	vld [tilespmem:s19+$0x400]  }
0xaa: {  	v58 =	vld [tilespmem:s25+$0x470]  }
0xab: {  	v61 =	vld [tilespmem:s25+$0x4470]  }
0xac: {  	v29 =	vld [tilespmem:s26+$0x470]  }
0xad: {  	[tilespmem:$0x1FFB0] =	vst v62;
	v62 =	vld [tilespmem:s11+$0x460]  }
0xae: {  	[tilespmem:$0x1FCD0] =	vst v0;
	v0 =	vld [tilespmem:s19+$0x4400]  }
0xaf: {  	v34 =	vld [tilespmem:s10+$0x460]  }
0xb0: {  	v32 =	vld [tilespmem:s10+$0x4460]  }
0xb1: {  	v31 =	vld [tilespmem:s6+$0x460]  }
0xb2: {  	[tilespmem:$0x1F6C0] =	vst v62;
	v62 =	vld [tilespmem:s11+$0x4460]  }
0xb3: {  	[tilespmem:$0x1FCE0] =	vst v0;
	v0 =	vld [tilespmem:s19+$0x410]  }
0xb4: {  	v30 =	vld [tilespmem:s6+$0x4460]  }
0xb5: {  	v49 =	vld [tilespmem:s10+$0x450]  }
0xb6: {  	v48 =	vld [tilespmem:s10+$0x4450]  }
0xb7: {  	[tilespmem:$0x1F6D0] =	vst v62;
	v62 =	vld [tilespmem:s12+$0x460]  }
0xb8: {  	[tilespmem:$0x1FCF0] =	vst v0;
	v0 =	vld [tilespmem:s11+$0x4470]  }
0xb9: {  	v47 =	vld [tilespmem:s6+$0x450]  }
0xba: {  	v42 =	vld [tilespmem:s6+$0x4450]  }
0xbb: {  	v53 =	vld [tilespmem:s10+$0x440]  }
0xbc: {  	[tilespmem:$0x1F6E0] =	vst v62;
	v62 =	vld [tilespmem:s12+$0x4460]  }
0xbd: {  	[tilespmem:$0x1F670] =	vst v0;
	v0 =	vld [tilespmem:s12+$0x470]  }
0xbe: {  	v52 =	vld [tilespmem:s10+$0x4440]  }
0xbf: {  	v51 =	vld [tilespmem:s6+$0x440]  }
0xc0: {  	v1 =	vld [tilespmem:s22+$0x460]  }
0xc1: {  	[tilespmem:$0x1F6F0] =	vst v62;
	v62 =	vld [tilespmem:s13+$0x460]  }
0xc2: {  	[tilespmem:$0x1F680] =	vst v0;
	v0 =	vld [tilespmem:s22+$0x4460]  }
0xc3: {  	v50 =	vld [tilespmem:s6+$0x4440]  }
0xc4: {  	v13 =	vld [tilespmem:s10+$0x430]  }
0xc5: {  	v56 =	vld [tilespmem:s10+$0x4430]  }
0xc6: {  	v55 =	vld [tilespmem:s6+$0x430]  }
0xc7: {  	[tilespmem:$0x1F700] =	vst v62;
	v62 =	vld [tilespmem:s13+$0x4460];
	v0 =	vmul.f32 v0, v1  }
0xc8: {  	v1 =	vld [tilespmem:$0x1F9D0]  }
0xc9: {  	[tilespmem:$0x1F9B0] =	vst v0;
	v0 =	vld [tilespmem:$0x1F9C0]  }
0xca: {  	v54 =	vld [tilespmem:s6+$0x4430]  }
0xcb: {  	v6 =	vld [tilespmem:s26+$0x4470]  }
0xcc: {  	v12 =	vld [tilespmem:s8+$0x460]  }
0xcd: {  	v11 =	vld [tilespmem:s8+$0x4460]  }
0xce: {  	[tilespmem:$0x1F710] =	vst v62;
	v62 =	vld [tilespmem:s26+$0x450];
	v0 =	vmul.f32 v1, v0  }
0xcf: {  	v1 =	vld [tilespmem:$0x1F9F0]  }
0xd0: {  	[tilespmem:$0x1FEB0] =	vst v0;
	v0 =	vld [tilespmem:$0x1F9E0]  }
0xd1: {  	v10 =	vld [tilespmem:s19+$0x460]  }
0xd2: {  	v9 =	vld [tilespmem:s19+$0x4460]  }
0xd3: {  	v20 =	vld [tilespmem:s8+$0x450]  }
0xd4: {  	v19 =	vld [tilespmem:s8+$0x4450]  }
0xd5: {  	[tilespmem:$0x1FE80] =	vst v62;
	v62 =	vld [tilespmem:s26+$0x4450];
	v0 =	vmul.f32 v1, v0  }
0xd6: {  	v18 =	vld [tilespmem:s19+$0x450]  }
0xd7: {  	v2 =	vld [tilespmem:s25+$0x460];
	[tilespmem:$0x1FEE0] =	vst v0;
	v0 =	vmul.f32 v48, v49  }
0xd8: {  	v17 =	vld [tilespmem:s19+$0x4450]  }
0xd9: {  	v24 =	vld [tilespmem:s8+$0x440];
	[tilespmem:$0x1FEF0] =	vst v0;
	v0 =	vmul.f32 v42, v47  }
0xda: {  	v23 =	vld [tilespmem:s8+$0x4440];
	[tilespmem:$0x1FE90] =	vst v62  }
0xdb: {  	v62 =	vld [tilespmem:s11+$0x450];
	[tilespmem:$0x1FF20] =	vst v0;
	v0 =	vmul.f32 v19, v20  }
0xdc: {  	[tilespmem:$0x1FF70] =	vst v2;
	v2 =	vld [tilespmem:s25+$0x4460]  }
0xdd: {  	v3 =	vld [tilespmem:s22+$0x450];
	[tilespmem:$0x1FF30] =	vst v0;
	v0 =	vmul.f32 v17, v18  }
0xde: {  	v1 =	vld [tilespmem:$0x1FA10]  }
0xdf: {  	[tilespmem:$0x1FF50] =	vst v0;
	v0 =	vld [tilespmem:$0x1FA00]  }
0xe0: {  	[tilespmem:$0x1FEC0] =	vst v62;
	v62 =	vld [tilespmem:s11+$0x4450]  }
0xe1: {  	[tilespmem:$0x1FF80] =	vst v2;
	v2 =	vld [tilespmem:s22+$0x4450]  }
0xe2: {  	v22 =	vld [tilespmem:s19+$0x440]  }
0xe3: {  	v21 =	vld [tilespmem:s19+$0x4440]  }
0xe4: {  	v28 =	vld [tilespmem:s8+$0x430];
	v0 =	vmul.f32 v1, v0  }
0xe5: {  	v26 =	vld [tilespmem:s8+$0x4430];
	[tilespmem:$0x1FED0] =	vst v62  }
0xe6: {  	v62 =	vld [tilespmem:s12+$0x450];
	[tilespmem:$0x1FDA0] =	vst v0;
	v0 =	vmul.f32 v2, v3  }
0xe7: {  	v1 =	vld [tilespmem:$0x1FA30]  }
0xe8: {  	[tilespmem:$0x1FF60] =	vst v0;
	v0 =	vld [tilespmem:$0x1FA20]  }
0xe9: {  	v27 =	vld [tilespmem:s19+$0x430]  }
0xea: {  	v25 =	vld [tilespmem:s19+$0x4430]  }
0xeb: {  	[tilespmem:$0x1FF00] =	vst v62;
	v62 =	vld [tilespmem:s12+$0x4450]  }
0xec: {  	v44 =	vld [tilespmem:s8+$0x420]  }
0xed: {  	v4 =	vld [tilespmem:s25+$0x450];
	v0 =	vmul.f32 v1, v0  }
0xee: {  	v1 =	vld [tilespmem:$0x1FA50]  }
0xef: {  	[tilespmem:$0x1FDB0] =	vst v0;
	v0 =	vld [tilespmem:$0x1FA40]  }
0xf0: {  	[tilespmem:$0x1FF10] =	vst v62;
	v62 =	vld [tilespmem:s13+$0x450]  }
0xf1: {  	v37 =	vld [tilespmem:s8+$0x4420]  }
0xf2: {  	v38 =	vld [tilespmem:s19+$0x420]  }
0xf3: {  	v35 =	vld [tilespmem:s19+$0x4420]  }
0xf4: {  	[tilespmem:$0x1FE60] =	vst v4;
	v4 =	vld [tilespmem:s25+$0x4450];
	v0 =	vmul.f32 v1, v0  }
0xf5: {  	v60 =	vld [tilespmem:s19+$0x4410];
	[tilespmem:$0x1FF40] =	vst v62  }
0xf6: {  	v62 =	vld [tilespmem:s26+$0x440];
	[tilespmem:$0x1FDE0] =	vst v0;
	v0 =	vmul.f32 v52, v53  }
0xf7: {  	v5 =	vld [tilespmem:s22+$0x440]  }
0xf8: {  	v7 =	vld [tilespmem:s25+$0x440];
	[tilespmem:$0x1FDF0] =	vst v0;
	v0 =	vmul.f32 v50, v51  }
0xf9: {  	v8 =	vld [tilespmem:s22+$0x430];
	[tilespmem:$0x1FE70] =	vst v4  }
0xfa: {  	v14 =	vld [tilespmem:s25+$0x430];
	[tilespmem:$0x1FE20] =	vst v0;
	v0 =	vmul.f32 v23, v24  }
0xfb: {  	v4 =	vld [tilespmem:s22+$0x4440];
	[tilespmem:$0x1FD80] =	vst v62  }
0xfc: {  	v62 =	vld [tilespmem:s26+$0x4440];
	[tilespmem:$0x1FE30] =	vst v0;
	v0 =	vmul.f32 v21, v22  }
0xfd: {  	v1 =	vld [tilespmem:$0x1FA70]  }
0xfe: {  	[tilespmem:$0x1FE40] =	vst v0;
	v0 =	vld [tilespmem:$0x1FA60]  }
0xff: {  	v16 =	vld [tilespmem:s22+$0x420]  }
0x100: {  	v15 =	vld [tilespmem:s22+$0x4420]  }
0x101: {  	v57 =	vld [tilespmem:s25+$0x4420]  }
0x102: {  	v46 =	vld [tilespmem:s22+$0x400]  }
0x103: {  	[tilespmem:$0x1FD90] =	vst v62;
	v62 =	vld [tilespmem:s11+$0x440];
	v19 =	vmul.f32 v1, v0;
	v0 =	vmul.f32 v4, v5  }
0x104: {  	v1 =	vld [tilespmem:$0x1FA90]  }
0x105: {  	[tilespmem:$0x1FE50] =	vst v0;
	v0 =	vld [tilespmem:$0x1FA80]  }
0x106: {  	v45 =	vld [tilespmem:s22+$0x4400]  }
0x107: {  	v63 =	vld [tilespmem:$0x1F730]  }
0x108: {  	[tilespmem:$0x1FDC0] =	vst v62;
	v62 =	vld [tilespmem:$0x1F720]  }
0x109: {  	v41 =	vld [tilespmem:s22+$0x410]  }
0x10a: {  	v18 =	vmul.f32 v1, v0;
	v0 =	vld [tilespmem:$0x1FAA0]  }
0x10b: {  	v1 =	vld [tilespmem:$0x1FAB0]  }
0x10c: {  	v39 =	vld [tilespmem:s22+$0x4410]  }
0x10d: {  	v43 =	vld [tilespmem:s25+$0x400];
	v62 =	vmul.f32 v63, v62  }
0x10e: {  	v40 =	vld [tilespmem:s25+$0x4400]  }
0x10f: {  	[tilespmem:$0x1F740] =	vst v62;
	v62 =	vld [tilespmem:s11+$0x4440]  }
0x110: {  	v42 =	vmul.f32 v1, v0;
	v0 =	vld [tilespmem:$0x1FAC0]  }
0x111: {  	v1 =	vld [tilespmem:$0x1FAD0]  }
0x112: {  	v36 =	vld [tilespmem:s25+$0x410]  }
0x113: {  	v33 =	vld [tilespmem:s25+$0x4410]  }
0x114: {  	v63 =	vld [tilespmem:$0x1F760]  }
0x115: {  	[tilespmem:$0x1FDD0] =	vst v62;
	v62 =	vld [tilespmem:$0x1F750]  }
0x116: {  	v21 =	vmul.f32 v26, v28;
	v26 =	vmul.f32 v1, v0;
	v0 =	vld [tilespmem:$0x1FAE0]  }
0x117: {  	v58 =	vmul.f32 v61, v58;
	v1 =	vld [tilespmem:$0x1FAF0]  }
0x118: {  	[tilespmem:$0x1FD60] =	vst v7;
	v7 =	vld [tilespmem:s25+$0x4440]  }
0x119: {  	[tilespmem:$0x1F8A0] =	vst v58;
	v58 =	vld [tilespmem:$0x1F8B0]  }
0x11a: {  	v61 =	vld [tilespmem:$0x1F8C0]  }
0x11b: {  	v62 =	vmul.f32 v63, v62;
	v63 =	vld [tilespmem:$0x1F790]  }
0x11c: {  	v22 =	vmul.f32 v56, v13;
	v13 =	vmul.f32 v1, v0;
	v0 =	vld [tilespmem:$0x1FB00]  }
0x11d: {  	v1 =	vld [tilespmem:$0x1FB10]  }
0x11e: {  	[tilespmem:$0x1F770] =	vst v62;
	v62 =	vld [tilespmem:$0x1F780]  }
0x11f: {  	[tilespmem:$0x1FD00] =	vst v14;
	v14 =	vld [tilespmem:s25+$0x4430];
	v6 =	vmul.f32 v6, v29  }
0x120: {  	v29 =	vmul.f32 v25, v27;
	v25 =	vld [tilespmem:s26+$0x4410]  }
0x121: {  	[tilespmem:$0x1F8E0] =	vst v6;
	v6 =	vld [tilespmem:s11+$0x430]  }
0x122: {  	v58 =	vmul.f32 v61, v58;
	v27 =	vmul.f32 v1, v0;
	v0 =	vld [tilespmem:$0x1FB20]  }
0x123: {  	v62 =	vmul.f32 v63, v62;
	v1 =	vld [tilespmem:$0x1FB30]  }
0x124: {  	[tilespmem:$0x1F8D0] =	vst v58;
	v58 =	vld [tilespmem:$0x1F900]  }
0x125: {  	[tilespmem:$0x1F7A0] =	vst v62;
	v62 =	vld [tilespmem:s12+$0x440]  }
0x126: {  	[tilespmem:$0x1FD40] =	vst v6;
	v6 =	vld [tilespmem:$0x1F8F0]  }
0x127: {  	v63 =	vld [tilespmem:$0x1F7C0]  }
0x128: {  	v53 =	vmul.f32 v1, v0;
	v0 =	vld [tilespmem:$0x1FB40]  }
0x129: {  	v1 =	vld [tilespmem:$0x1FB50]  }
0x12a: {  	[tilespmem:$0x1FE00] =	vst v62;
	v62 =	vld [tilespmem:$0x1F7B0]  }
0x12b: {  	[tilespmem:$0x1FD10] =	vst v14;
	v14 =	vld [tilespmem:s25+$0x420];
	v6 =	vmul.f32 v58, v6  }
0x12c: {  	v61 =	vld [tilespmem:$0x1F930]  }
0x12d: {  	[tilespmem:$0x1F910] =	vst v6;
	v6 =	vld [tilespmem:$0x1F920]  }
0x12e: {  	v20 =	vmul.f32 v54, v55;
	v54 =	vmul.f32 v1, v0;
	v0 =	vld [tilespmem:$0x1FB60]  }
0x12f: {  	v62 =	vmul.f32 v63, v62;
	v1 =	vld [tilespmem:$0x1FB70]  }
0x130: {  	v63 =	vld [tilespmem:$0x1F7F0]  }
0x131: {  	[tilespmem:$0x1F7D0] =	vst v62;
	v62 =	vld [tilespmem:$0x1F7E0]  }
0x132: {  	[tilespmem:$0x1FD70] =	vst v7;
	v7 =	vld [tilespmem:s22+$0x4430];
	v6 =	vmul.f32 v61, v6  }
0x133: {  	v15 =	vmul.f32 v15, v16;
	v16 =	vmul.f32 v57, v14;
	v14 =	vld [tilespmem:s12+$0x400]  }
0x134: {  	[tilespmem:$0x1F940] =	vst v6;
	v6 =	vmul.f32 v32, v34;
	v34 =	vmul.f32 v1, v0;
	v0 =	vld [tilespmem:$0x1FB80]  }
0x135: {  	v1 =	vld [tilespmem:$0x1FB90]  }
0x136: {  	v35 =	vmul.f32 v35, v38;
	v38 =	vld [tilespmem:s11+$0x4410];
	v62 =	vmul.f32 v63, v62  }
0x137: {  	v61 =	vld [tilespmem:s11+$0x4430];
	[tilespmem:$0x1F950] =	vst v6;
	v6 =	vmul.f32 v30, v31  }
0x138: {  	[tilespmem:$0x1F800] =	vst v62;
	v62 =	vld [tilespmem:s12+$0x4440]  }
0x139: {  	[tilespmem:$0x1F960] =	vst v6;
	v6 =	vld [tilespmem:s12+$0x430]  }
0x13a: {  	v37 =	vmul.f32 v37, v44;
	v44 =	vmul.f32 v1, v0;
	v0 =	vld [tilespmem:$0x1FBA0]  }
0x13b: {  	v1 =	vld [tilespmem:$0x1FBB0]  }
0x13c: {  	v63 =	vld [tilespmem:$0x1F820]  }
0x13d: {  	[tilespmem:$0x1FE10] =	vst v62;
	v62 =	vld [tilespmem:$0x1F810]  }
0x13e: {  	v32 =	vld [tilespmem:s26+$0x4420]  }
0x13f: {  	v31 =	vld [tilespmem:s26+$0x420]  }
0x140: {  	[tilespmem:$0x1FD50] =	vst v6;
	v6 =	vmul.f32 v11, v12;
	v56 =	vmul.f32 v1, v0;
	v0 =	vld [tilespmem:$0x1FBC0]  }
0x141: {  	v1 =	vld [tilespmem:$0x1FBD0]  }
0x142: {  	[tilespmem:$0x1F970] =	vst v6;
	v6 =	vmul.f32 v9, v10;
	v9 =	vld [tilespmem:$0x1F9A0];
	v62 =	vmul.f32 v63, v62  }
0x143: {  	v63 =	vld [tilespmem:$0x1F850]  }
0x144: {  	[tilespmem:$0x1F830] =	vst v62;
	v62 =	vld [tilespmem:$0x1F840]  }
0x145: {  	[tilespmem:$0x1F980] =	vst v6;
	v6 =	vld [tilespmem:$0x1F990]  }
0x146: {  	v57 =	vmul.f32 v1, v0;
	v0 =	vld [tilespmem:$0x1FBE0]  }
0x147: {  	v1 =	vld [tilespmem:$0x1FBF0]  }
0x148: {  	v30 =	vmul.f32 v7, v8;
	v7 =	vld [tilespmem:s13+$0x4400]  }
0x149: {  	v8 =	vld [tilespmem:s13+$0x410];
	v62 =	vmul.f32 v63, v62  }
0x14a: {  	v12 =	vld [tilespmem:s11+$0x400];
	v6 =	vmul.f32 v9, v6  }
0x14b: {  	[tilespmem:$0x1F860] =	vst v62;
	v62 =	vld [tilespmem:s26+$0x430]  }
0x14c: {  	[tilespmem:$0x1FEA0] =	vst v6;
	v6 =	vmul.f32 v1, v0;
	v0 =	vld [tilespmem:$0x1FC00]  }
0x14d: {  	v1 =	vld [tilespmem:$0x1FC10]  }
0x14e: {  	v10 =	vld [tilespmem:s12+$0x4410]  }
0x14f: {  	v63 =	vld [tilespmem:$0x1F880]  }
0x150: {  	[tilespmem:$0x1FD20] =	vst v62;
	v62 =	vld [tilespmem:$0x1F870]  }
0x151: {  	v9 =	vld [tilespmem:s13+$0x400]  }
0x152: {  	v5 =	vmul.f32 v1, v0;
	v0 =	vld [tilespmem:$0x1FC20]  }
0x153: {  	v1 =	vld [tilespmem:$0x1FC30]  }
0x154: {  	v47 =	vld [tilespmem:s12+$0x410]  }
0x155: {  	v62 =	vmul.f32 v63, v62;
	v63 =	vld [tilespmem:s26+$0x4430]  }
0x156: {  	v55 =	vld [tilespmem:s11+$0x410]  }
0x157: {  	[tilespmem:$0x1F890] =	vst v62;
	v62 =	vld [tilespmem:s11+$0x420]  }
0x158: {  	v4 =	vmul.f32 v1, v0;
	v0 =	vld [tilespmem:$0x1FC40]  }
0x159: {  	v1 =	vld [tilespmem:$0x1FC50]  }
0x15a: {  	v17 =	vmul.f32 v32, v31;
	v32 =	vld [tilespmem:s12+$0x4400]  }
0x15b: {  	[tilespmem:$0x1FD30] =	vst v63;
	v63 =	vld [tilespmem:s11+$0x4420]  }
0x15c: {  	v52 =	vld [tilespmem:s26+$0x410]  }
0x15d: {  	v51 =	vld [tilespmem:s26+$0x4400]  }
0x15e: {  	v2 =	vmul.f32 v1, v0;
	v0 =	vld [tilespmem:$0x1FC60]  }
0x15f: {  	v1 =	vld [tilespmem:$0x1FC70]  }
0x160: {  	v24 =	vld [tilespmem:s26+$0x400]  }
0x161: {  	v31 =	vmul.f32 v63, v62;
	v63 =	vld [tilespmem:s13+$0x4410]  }
0x162: {  	v50 =	vld [tilespmem:s13+$0x420]  }
0x163: {  	s25 =	sor.u32 $0x180, s29;
	v23 =	vld [tilespmem:s13+$0x4420]  }
0x164: {  	[dreg:$0xa] =	wrdreg s25;
	v3 =	vmul.f32 v1, v0;
	v0 =	vld [tilespmem:$0x1FC80]  }
0x165: {  	s19 =	sor.u32 $0x100, s29;
	s26 =	rddreg [dreg:$0xa];
	v25 =	vmul.f32 v25, v52;
	v24 =	vmul.f32 v51, v24;
	v1 =	vld [tilespmem:$0x1FC90]  }
0x166: {  	v7 =	vmul.f32 v7, v9;
	[dreg:$0x9] =	wrdreg s19;
	v8 =	vmul.f32 v63, v8;
	v28 =	vld [tilespmem:s11+$0x4400];
	s11 =	sor.u32 s26, s0;
	v34 =	vadd.f32 v44, v34  }
0x167: {  	s22 =	rddreg [dreg:$0x9];
	v24 =	vadd.f32 v25, v24;
	v25 =	vld [tilespmem:s11+$0x400]  }
0x168: {  	s10 =	sor.u32 s22, s0;
	v7 =	vadd.f32 v8, v7;
	v8 =	vmul.f32 v23, v50;
	v23 =	vadd.f32 v26, v34;
	v26 =	vld [tilespmem:s11+$0x410]  }
0x169: {  	v56 =	vadd.f32 v57, v56;
	v57 =	vld [tilespmem:s10+$0x400];
	v5 =	vadd.f32 v5, v6  }
0x16a: {  	v6 =	vmul.f32 v32, v14;
	v14 =	vld [tilespmem:s10+$0x410];
	v1 =	vmul.f32 v1, v0  }
0x16b: {  	v5 =	vadd.f32 v27, v5;
	v27 =	vld [tilespmem:s11+$0x4410]  }
0x16c: {  	v2 =	vadd.f32 v2, v4;
	v4 =	vld [tilespmem:s10+$0x4400];
	v1 =	vadd.f32 v1, v3;
	v3 =	vmul.f32 v10, v47  }
0x16d: {  	v47 =	vld [tilespmem:s10+$0x4410]  }
0x16e: {  	v3 =	vadd.f32 v3, v6;
	v6 =	vld [tilespmem:s11+$0x4400];
	_ =	sdelay $0x3  }
0x16f: {  	v48 =	vld [tilespmem:s12+$0x420];
	v4 =	vmul.f32 v4, v57;
	v14 =	vmul.f32 v47, v14  }
0x170: {  	v49 =	vld [tilespmem:s12+$0x4420];
	v6 =	vmul.f32 v6, v25;
	v25 =	vmul.f32 v27, v26  }
0x171: {  	v4 =	vadd.f32 v14, v4;
	v14 =	vld [tilespmem:$0x1FD20]  }
0x172: {  	v2 =	vadd.f32 v53, v2;
	v6 =	vadd.f32 v25, v6;
	v25 =	vld [tilespmem:$0x1FD30]  }
0x173: {  	v58 =	vld [tilespmem:s12+$0x4430];
	v13 =	vadd.f32 v13, v56  }
0x174: {  	v2 =	vadd.f32 v22, v2;
	v22 =	vld [tilespmem:$0x1FD50]  }
0x175: {  	v13 =	vadd.f32 v18, v13;
	v18 =	vld [tilespmem:$0x1FD40]  }
0x176: {  	v55 =	vmul.f32 v38, v55;
	v12 =	vmul.f32 v28, v12;
	v19 =	vadd.f32 v19, v23;
	v23 =	vld [tilespmem:s11+$0x420]  }
0x177: {  	v51 =	vmul.f32 v49, v48;
	v14 =	vmul.f32 v25, v14;
	v25 =	vld [tilespmem:s11+$0x4420]  }
0x178: {  	v12 =	vadd.f32 v55, v12  }
0x179: {  	v22 =	vmul.f32 v58, v22;
	v3 =	vadd.f32 v51, v3  }
0x17a: {  	v12 =	vadd.f32 v31, v12;
	v18 =	vmul.f32 v61, v18  }
0x17b: {  	v3 =	vadd.f32 v22, v3;
	v22 =	vld [tilespmem:$0x1FD60]  }
0x17c: {  	v12 =	vadd.f32 v18, v12;
	v18 =	vmul.f32 v25, v23;
	v23 =	vld [tilespmem:$0x1FD70];
	_ =	sdelay $0x4  }
0x17d: {  	v22 =	vmul.f32 v23, v22;
	v23 =	vld [tilespmem:$0x1FDB0];
	_ =	sdelay $0x1  }
0x17e: {  	v11 =	vld [tilespmem:$0x1FCB0]  }
0x17f: {  	v0 =	vld [tilespmem:$0x1FCA0]  }
0x180: {  	v25 =	vld [tilespmem:$0x1FDD0]  }
0x181: {  	v23 =	vadd.f32 v23, v13;
	v13 =	vld [tilespmem:$0x1FDC0];
	_ =	sdelay $0x2  }
0x182: {  	v59 =	vld [tilespmem:s8+$0x4410]  }
0x183: {  	v62 =	vmul.f32 v11, v0;
	v0 =	vld [tilespmem:$0x1FCC0]  }
0x184: {  	v25 =	vmul.f32 v25, v13;
	v13 =	vld [tilespmem:$0x1FDE0]  }
0x185: {  	v56 =	vld [tilespmem:$0x1FD10]  }
0x186: {  	v45 =	vmul.f32 v45, v46;
	v39 =	vmul.f32 v39, v41;
	v27 =	vld [tilespmem:$0x1FD00]  }
0x187: {  	v40 =	vmul.f32 v40, v43;
	v33 =	vmul.f32 v33, v36;
	v5 =	vadd.f32 v42, v5  }
0x188: {  	s16 =	sor.u32 $0x80, s29;
	v9 =	vadd.f32 v39, v45;
	v55 =	vld [tilespmem:s13+$0x4430]  }
0x189: {  	[dreg:$0x8] =	wrdreg s16;
	v33 =	vadd.f32 v33, v40;
	v59 =	vmul.f32 v59, v0;
	v5 =	vadd.f32 v13, v5;
	v13 =	vld [tilespmem:$0x1FDF0]  }
0x18a: {  	s5 =	rddreg [dreg:$0x8];
	v9 =	vadd.f32 v15, v9;
	v1 =	vadd.f32 v54, v1;
	v54 =	vld [tilespmem:s13+$0x430]  }
0x18b: {  	s9 =	sor.u32 s5, s0;
	v15 =	vadd.f32 v16, v33;
	v10 =	vadd.f32 v59, v62;
	v27 =	vmul.f32 v56, v27  }
0x18c: {  	v16 =	vld [tilespmem:s9+$0x420]  }
0x18d: {  	v10 =	vadd.f32 v37, v10;
	v15 =	vadd.f32 v27, v15;
	v27 =	vld [tilespmem:$0x1FE10]  }
0x18e: {  	v2 =	vadd.f32 v13, v2;
	v13 =	vld [tilespmem:$0x1FE00]  }
0x18f: {  	v7 =	vadd.f32 v8, v7;
	v8 =	vld [tilespmem:s10+$0x4420];
	v10 =	vadd.f32 v21, v10;
	v21 =	vmul.f32 v55, v54  }
0x190: {  	v17 =	vadd.f32 v17, v24;
	v24 =	vld [tilespmem:s9+$0x4420]  }
0x191: {  	v7 =	vadd.f32 v21, v7;
	v21 =	vld [tilespmem:$0x1FD90]  }
0x192: {  	v6 =	vadd.f32 v18, v6;
	v18 =	vld [tilespmem:$0x1FD80]  }
0x193: {  	v27 =	vmul.f32 v27, v13;
	v13 =	vld [tilespmem:$0x1FE20]  }
0x194: {  	v57 =	vld [tilespmem:s13+$0x4440]  }
0x195: {  	v1 =	vadd.f32 v20, v1;
	v20 =	vld [tilespmem:s13+$0x440]  }
0x196: {  	v26 =	vld [tilespmem:s10+$0x420]  }
0x197: {  	v18 =	vmul.f32 v21, v18;
	v21 =	vld [tilespmem:$0x1FDA0]  }
0x198: {  	v1 =	vadd.f32 v13, v1;
	v13 =	vld [tilespmem:$0x1FE30];
	_ =	sdelay $0x1  }
0x199: {  	v16 =	vmul.f32 v24, v16;
	v24 =	vld [tilespmem:s9+$0x430]  }
0x19a: {  	v8 =	vmul.f32 v8, v26;
	v26 =	vld [tilespmem:s11+$0x4430]  }
0x19b: {  	v19 =	vadd.f32 v21, v19;
	v21 =	vld [tilespmem:s11+$0x430]  }
0x19c: {  	v59 =	vadd.f32 v13, v10;
	v10 =	vmul.f32 v57, v20;
	v20 =	vld [tilespmem:$0x1FE50]  }
0x19d: {  	v14 =	vadd.f32 v14, v17;
	v17 =	vld [tilespmem:s9+$0x4430];
	_ =	sdelay $0x1  }
0x19e: {  	v9 =	vadd.f32 v30, v9;
	_ =	sdelay $0x1  }
0x19f: {  	v20 =	vadd.f32 v20, v9;
	v9 =	vmul.f32 v26, v21  }
0x1a0: {  	v17 =	vmul.f32 v17, v24;
	v24 =	vadd.f32 v10, v7;
	v7 =	vld [tilespmem:$0x1FE90]  }
0x1a1: {  	v26 =	vadd.f32 v9, v6;
	v6 =	vld [tilespmem:$0x1FE80]  }
0x1a2: {  	v11 =	vld [tilespmem:$0x1FCE0]  }
0x1a3: {  	v0 =	vld [tilespmem:$0x1FCD0];
	_ =	sdelay $0x2  }
0x1a4: {  	v14 =	vadd.f32 v18, v14;
	v18 =	vadd.f32 v27, v3;
	v27 =	vmul.f32 v7, v6;
	v6 =	vld [tilespmem:$0x1FEA0];
	_ =	sdelay $0x1  }
0x1a5: {  	v0 =	vmul.f32 v11, v0;
	v11 =	vld [tilespmem:$0x1FCF0]  }
0x1a6: {  	v41 =	vld [tilespmem:s9+$0x4400]  }
0x1a7: {  	v36 =	vld [tilespmem:s9+$0x410]  }
0x1a8: {  	v9 =	vadd.f32 v6, v19;
	v6 =	vld [tilespmem:$0x1FEB0]  }
0x1a9: {  	v52 =	vld [tilespmem:s9+$0x4410]  }
0x1aa: {  	v60 =	vmul.f32 v60, v11;
	v11 =	vld [tilespmem:s9+$0x400];
	_ =	sdelay $0x1  }
0x1ab: {  	v7 =	vld [tilespmem:$0x1FED0]  }
0x1ac: {  	v10 =	vadd.f32 v6, v23;
	v6 =	vld [tilespmem:$0x1FEC0];
	_ =	sdelay $0x1  }
0x1ad: {  	v52 =	vmul.f32 v52, v36;
	v11 =	vmul.f32 v41, v11;
	_ =	sdelay $0x1  }
0x1ae: {  	v11 =	vadd.f32 v52, v11  }
0x1af: {  	v23 =	vmul.f32 v7, v6;
	v6 =	vld [tilespmem:$0x1FEE0]  }
0x1b0: {  	v11 =	vadd.f32 v16, v11;
	_ =	sdelay $0x1  }
0x1b1: {  	v17 =	vadd.f32 v17, v11;
	v11 =	vld [tilespmem:$0x1FE70]  }
0x1b2: {  	v3 =	vld [tilespmem:$0x1FE60]  }
0x1b3: {  	v6 =	vadd.f32 v6, v5;
	v5 =	vld [tilespmem:$0x1FEF0];
	_ =	sdelay $0x4  }
0x1b4: {  	v3 =	vmul.f32 v11, v3;
	v11 =	vadd.f32 v5, v2;
	v2 =	vld [tilespmem:$0x1FF00]  }
0x1b5: {  	v5 =	vld [tilespmem:$0x1FF10]  }
0x1b6: {  	v4 =	vadd.f32 v8, v4;
	v8 =	vld [tilespmem:s10+$0x4430]  }
0x1b7: {  	v16 =	vld [tilespmem:s10+$0x430];
	_ =	sdelay $0x1  }
0x1b8: {  	v61 =	vld [tilespmem:s11+$0x4440]  }
0x1b9: {  	v62 =	vmul.f32 v5, v2;
	v2 =	vld [tilespmem:$0x1FF20]  }
0x1ba: {  	v15 =	vadd.f32 v22, v15;
	v22 =	vld [tilespmem:s9+$0x440]  }
0x1bb: {  	v8 =	vmul.f32 v8, v16;
	v16 =	vadd.f32 v25, v12;
	v12 =	vld [tilespmem:s9+$0x4440]  }
0x1bc: {  	v58 =	vld [tilespmem:s13+$0x4450]  }
0x1bd: {  	v25 =	vadd.f32 v8, v4;
	v4 =	vld [tilespmem:s10+$0x4440]  }
0x1be: {  	v7 =	vadd.f32 v2, v1;
	v2 =	vld [tilespmem:$0x1FF30]  }
0x1bf: {  	v0 =	vadd.f32 v60, v0;
	v21 =	vld [tilespmem:s10+$0x440]  }
0x1c0: {  	v8 =	vld [tilespmem:$0x1FF60];
	v22 =	vmul.f32 v12, v22  }
0x1c1: {  	v0 =	vadd.f32 v35, v0;
	v13 =	vld [tilespmem:$0x1FE40]  }
0x1c2: {  	v3 =	vadd.f32 v3, v15;
	v15 =	vadd.f32 v22, v17;
	v17 =	vld [tilespmem:$0x1FF80]  }
0x1c3: {  	v5 =	vadd.f32 v2, v59;
	v2 =	vld [tilespmem:$0x1FF40]  }
0x1c4: {  	v0 =	vadd.f32 v29, v0;
	v63 =	vmul.f32 v4, v21;
	v4 =	vadd.f32 v23, v16;
	v16 =	vld [tilespmem:$0x1FF70]  }
0x1c5: {  	v60 =	vld [tilespmem:s11+$0x440]  }
0x1c6: {  	v0 =	vadd.f32 v13, v0;
	v13 =	vld [tilespmem:s9+$0x470]  }
0x1c7: {  	v8 =	vadd.f32 v8, v20;
	v20 =	vld [tilespmem:s10+$0x450]  }
0x1c8: {  	v21 =	vld [tilespmem:s9+$0x4450];
	v29 =	vmul.f32 v58, v2  }
0x1c9: {  	s7 =	simm.s32 @p0 $0x1C0;
	v22 =	vmul.f32 v17, v16;
	v17 =	vadd.f32 v63, v25;
	v25 =	vld [tilespmem:$0x1FFB0]  }
0x1ca: {  	v2 =	vld [tilespmem:$0x1FF50];
	v16 =	vadd.f32 v29, v24;
	v24 =	vmov s7  }
0x1cb: {  	[tilespmem:$0x1FF90] =	vst v24;
	v24 =	vld [tilespmem:$0x1FFA0]  }
0x1cc: {  	v19 =	vld [tilespmem:s9+$0x450]  }
0x1cd: {  	v23 =	vld [tilespmem:s10+$0x4450]  }
0x1ce: {  	v12 =	vadd.f32 v27, v14;
	v27 =	vmul.f32 v61, v60;
	v1 =	vld [tilespmem:s9+$0x4470]  }
0x1cf: {  	v2 =	vadd.f32 v2, v0;
	v0 =	vld [tilespmem:s10+$0x470]  }
0x1d0: {  	s6 =	simm.s32 $0x0;
	s19 =	simm.s32 $0x1;
	v14 =	vadd.f32 v62, v18;
	v18 =	vadd.f32 v27, v26;
	v25 =	vmul.f32 v25, v24;
	v24 =	vld [tilespmem:s11+$0x450]  }
.LBB2_3:
0x1d1: {  	v26 =	vld [tilespmem:$0x1F8D0]  }
0x1d2: {  	v27 =	vld [tilespmem:$0x1F910]  }
0x1d3: {  	v28 =	vld [tilespmem:$0x1F6D0]  }
0x1d4: {  	v38 =	vld [tilespmem:s10+$0x4470]  }
0x1d5: {  	v29 =	vld [tilespmem:$0x1F940]  }
0x1d6: {  	v39 =	vld [tilespmem:$0x1F950]  }
0x1d7: {  	v40 =	vld [tilespmem:$0x1F6E0]  }
0x1d8: {  	v30 =	vld [tilespmem:$0x1F6F0]  }
0x1d9: {  	v41 =	vld [tilespmem:s11+$0x470]  }
0x1da: {  	v31 =	vld [tilespmem:$0x1F960]  }
0x1db: {  	v42 =	vld [tilespmem:$0x1F970]  }
0x1dc: {  	v43 =	vld [tilespmem:$0x1F700]  }
0x1dd: {  	v32 =	vld [tilespmem:$0x1F710]  }
0x1de: {  	v44 =	vld [tilespmem:$0x1F980]  }
0x1df: {  	v45 =	vld [tilespmem:$0x1F9B0]  }
0x1e0: {  	v46 =	vld [tilespmem:s9+$0x4460]  }
0x1e1: {  	v3 =	vadd.f32 v22, v3;
	v22 =	vld [tilespmem:s10+$0x460]  }
0x1e2: {  	v47 =	vld [tilespmem:$0x1FF90];
	s7 =	sshll.u32 s19, $0xB  }
0x1e3: {  	v12 =	vadd.f32 v25, v12;
	v25 =	vld [tilespmem:$0x1F670];
	s5 =	sor.u32 s30, s7  }
0x1e4: {  	v56 =	vld [tilespmem:s5+$0x4470]  }
0x1e5: {  	v13 =	vmul.f32 v1, v13;
	v1 =	vld [tilespmem:$0x1F7A0]  }
0x1e6: {  	s22 =	sor.u32 s31, s7;
	v9 =	vadd.f32 v26, v9;
	v26 =	vld [tilespmem:s11+$0x4450]  }
0x1e7: {  	v60 =	vld [tilespmem:s22+$0x470]  }
0x1e8: {  	v19 =	vmul.f32 v21, v19;
	v21 =	vld [tilespmem:s9+$0x460];
	v6 =	vadd.f32 v29, v6  }
0x1e9: {  	v10 =	vadd.f32 v27, v10;
	v27 =	vld [tilespmem:$0x1F6C0]  }
0x1ea: {  	v6 =	vadd.f32 v1, v6;
	v1 =	vld [tilespmem:$0x1F7D0]  }
0x1eb: {  	v20 =	vmul.f32 v23, v20;
	v23 =	vmul.f32 v26, v24;
	v24 =	vld [tilespmem:$0x1F660]  }
0x1ec: {  	v15 =	vadd.f32 v19, v15;
	v19 =	vld [tilespmem:s10+$0x4460]  }
0x1ed: {  	v11 =	vadd.f32 v39, v11;
	v17 =	vadd.f32 v20, v17;
	v20 =	vld [tilespmem:s11+$0x460]  }
0x1ee: {  	v18 =	vadd.f32 v23, v18;
	v23 =	vld [tilespmem:$0x1F680]  }
0x1ef: {  	v11 =	vadd.f32 v1, v11;
	v1 =	vld [tilespmem:$0x1F860]  }
0x1f0: {  	v24 =	vmul.f32 v25, v24;
	v25 =	vld [tilespmem:$0x1F690]  }
0x1f1: {  	v27 =	vmul.f32 v28, v27;
	v26 =	vld [tilespmem:$0x1F770]  }
0x1f2: {  	v2 =	vadd.f32 v44, v2;
	v28 =	vmul.f32 v38, v0;
	v0 =	vld [tilespmem:$0x1F800]  }
0x1f3: {  	v4 =	vadd.f32 v27, v4;
	v27 =	vld [tilespmem:$0x1F6B0]  }
0x1f4: {  	v48 =	vadd.f32 v1, v2;
	v2 =	vld [tilespmem:$0x1F8A0]  }
0x1f5: {  	v7 =	vadd.f32 v31, v7;
	v23 =	vmul.f32 v25, v23;
	v25 =	vld [tilespmem:$0x1F740]  }
0x1f6: {  	v10 =	vadd.f32 v26, v10;
	v26 =	vld [tilespmem:$0x1F6A0]  }
0x1f7: {  	v29 =	vmul.f32 v30, v40;
	v7 =	vadd.f32 v0, v7;
	v0 =	vld [tilespmem:$0x1F830]  }
0x1f8: {  	v5 =	vadd.f32 v42, v5;
	v31 =	vmul.f32 v32, v43;
	v8 =	vadd.f32 v45, v8;
	v1 =	vld [tilespmem:$0x1F890]  }
0x1f9: {  	v21 =	vmul.f32 v46, v21;
	v19 =	vmul.f32 v19, v22;
	v22 =	vadd.f32 v2, v3;
	v2 =	vld [tilespmem:$0x1F8E0]  }
0x1fa: {  	v14 =	vadd.f32 v29, v14;
	v9 =	vadd.f32 v25, v9;
	v25 =	vld [tilespmem:s11+$0x4460]  }
0x1fb: {  	s1 =	sor.u32 s4, s7;
	v62 =	vld [tilespmem:s22+$0x4470];
	v16 =	vadd.f32 v31, v16;
	v15 =	vadd.f32 v21, v15  }
0x1fc: {  	v63 =	vld [tilespmem:s1+$0x4470];
	v17 =	vadd.f32 v19, v17;
	v4 =	vadd.f32 v24, v4;
	v26 =	vmul.f32 v27, v26  }
0x1fd: {  	s0 =	sshll.u32 s6, $0x4;
	v27 =	vld [tilespmem:s11+$0x4470];
	v5 =	vadd.f32 v0, v5;
	v14 =	vadd.f32 v23, v14  }
0x1fe: {  	s13 =	sor.u32 s29, s7;
	v0 =	vld.idx.msk [tilespmem:v47+s0+$0x8A00 ss:$0x1], $0xffff;
	v16 =	vadd.f32 v26, v16;
	v23 =	vsel vm3, v6, v4;
	v12 =	vadd.f32 v2, v12  }
0x1ff: {  	v26 =	vld [tilespmem:s13+$0x4470];
	v4 =	vsel vm3, v4, v6;
	v8 =	vadd.f32 v1, v8;
	v20 =	vmul.f32 v25, v20  }
0x200: {  	v1 =	vld.idx.msk [tilespmem:v47+s0+$0x8800 ss:$0x1], $0xffff;
	v19 =	vsel vm3, v9, v5;
	v5 =	vsel vm3, v5, v9;
	v9 =	vsel vm3, v12, v10  }
0x201: {  	v18 =	vadd.f32 v20, v18;
	v20 =	vsel vm3, v10, v12;
	v12 =	vadd.f32 v28, v17;
	v17 =	vld [tilespmem:$0x1FFF0]  }
0x202: {  	v3 =	vld.idx.msk [tilespmem:v47+s0+$0x8400 ss:$0x1], $0xffff;
	v24 =	vsel vm3, v11, v14;
	v6 =	vsel vm3, v14, v11;
	v11 =	vadd.f32 v13, v15  }
0x203: {  	v21 =	vmul.f32 v27, v41;
	v27 =	vld [tilespmem:s5+$0x470]  }
0x204: {  	v14 =	vsel vm3, v11, v48;
	v11 =	vsel vm3, v48, v11;
	v2 =	vld.idx.msk [tilespmem:v47+s0+$0x8600 ss:$0x1], $0xffff  }
0x205: {  	s0 =	sor.u32 s2, s7;
	v25 =	vld [tilespmem:s13+$0x470];
	v10 =	vsel vm3, v7, v16;
	v7 =	vsel vm3, v16, v7;
	v13 =	vadd.f32 v21, v18  }
0x206: {  	v28 =	vld [tilespmem:s0+$0x470];
	v15 =	vsel vm3, v12, v8;
	v8 =	vsel vm3, v8, v12;
	v5 =	vperm.xlane v5, v17  }
0x207: {  	v18 =	vld [tilespmem:s0+$0x4470];
	v16 =	vsel vm3, v13, v22;
	v9 =	vperm.xlane v9, v17;
	v11 =	vperm.xlane v11, v17  }
0x208: {  	v21 =	vld [tilespmem:s1+$0x470];
	v12 =	vsel vm3, v22, v13;
	v4 =	vperm.xlane v4, v17;
	v6 =	vperm.xlane v6, v17  }
0x209: {  	s16 =	sor.u32 s15, s7;
	v8 =	vperm.xlane v8, v17;
	v5 =	vadd.f32 v5, v19;
	v11 =	vadd.f32 v11, v14;
	v14 =	vld [tilespmem:$0x1FFD0]  }
0x20a: {  	v22 =	vld [tilespmem:s16+$0x4470];
	v7 =	vperm.xlane v7, v17;
	v9 =	vadd.f32 v9, v20;
	v4 =	vadd.f32 v4, v23  }
0x20b: {  	s26 =	sor.u32 s14, s7;
	v12 =	vperm.xlane v12, v17;
	v17 =	vld [tilespmem:s16+$0x470];
	v6 =	vadd.f32 v6, v24;
	v8 =	vadd.f32 v8, v15  }
0x20c: {  	v19 =	vld [tilespmem:s26+$0x470];
	v7 =	vadd.f32 v7, v10;
	v10 =	vsel vm0, v5, v9;
	v5 =	vsel vm0, v9, v5  }
0x20d: {  	s25 =	sor.u32 s17, s7;
	v20 =	vld [tilespmem:s26+$0x4470];
	v9 =	vsel vm0, v4, v11;
	v4 =	vsel vm0, v11, v4;
	v11 =	vsel vm0, v6, v8  }
0x20e: {  	v15 =	vld [tilespmem:s25+$0x470];
	v6 =	vsel vm0, v8, v6;
	v8 =	vperm.xlane v11, v14  }
0x20f: {  	s10 =	sor.u32 s21, s7;
	v12 =	vadd.f32 v12, v16;
	v16 =	vld [tilespmem:s25+$0x4470]  }
0x210: {  	v6 =	vadd.f32 v8, v6;
	v8 =	vld [tilespmem:s10+$0x470]  }
0x211: {  	v5 =	vperm.xlane v5, v14;
	_ =	sdelay $0x1  }
0x212: {  	v5 =	vadd.f32 v5, v10  }
0x213: {  	s9 =	sor.u32 s24, s7  }
0x214: {  	[tilespmem:$0x1F660] =	vst v8;
	v8 =	vsel vm1, v6, v5;
	v5 =	vsel vm1, v5, v6;
	v6 =	vld [tilespmem:s9+$0x4470]  }
0x215: {  	v10 =	vld [tilespmem:s10+$0x4470];
	_ =	sdelay $0x2  }
0x216: {  	s8 =	sor.u32 s3, s7  }
0x217: {  	v13 =	vsel vm0, v7, v12;
	[tilespmem:$0x1F690] =	vst v6;
	v6 =	vld [tilespmem:s8+$0x470]  }
0x218: {  	v9 =	vperm.xlane v9, v14;
	v11 =	vperm.xlane v13, v14;
	[tilespmem:$0x1F670] =	vst v10;
	v10 =	vld [tilespmem:$0x1FFC0]  }
0x219: {  	v7 =	vsel vm0, v12, v7  }
0x21a: {  	v4 =	vadd.f32 v9, v4;
	v7 =	vadd.f32 v11, v7;
	_ =	sdelay $0x1  }
0x21b: {  	v9 =	vsel vm1, v7, v4;
	[tilespmem:$0x1F6A0] =	vst v6;
	v6 =	vld [tilespmem:s8+$0x4470]  }
0x21c: {  	v4 =	vsel vm1, v4, v7;
	v7 =	vld [tilespmem:$0x1FFE0];
	v8 =	vperm.xlane v8, v10;
	v9 =	vperm.xlane v9, v10;
	_ =	sdelay $0x1  }
0x21d: {  	v5 =	vadd.f32 v8, v5;
	v4 =	vadd.f32 v9, v4;
	_ =	sdelay $0x1  }
0x21e: {  	[tilespmem:$0x1F6B0] =	vst v6;
	v6 =	vsel vm2, v4, v5  }
0x21f: {  	v6 =	vperm.xlane v6, v7  }
0x220: {  	v4 =	vsel vm2, v5, v4  }
0x221: {  	v4 =	vadd.f32 v4, v6;
	_ =	sdelay $0x1  }
0x222: {  	v3 =	vadd.f32 v4, v3;
	_ =	sdelay $0x1  }
0x223: {  	v2 =	vadd.f32 v3, v2;
	_ =	sdelay $0x1  }
0x224: {  	v1 =	vsub.f32 v2, v1;
	_ =	sdelay $0x1  }
0x225: {  	v0 =	vmul.f32 v1, v0;
	_ =	sdelay $0x1  }
0x226: {  	v0 =	vmul.f32 v0, v1;
	v1 =	vld [tilespmem:s16+$0x4460];
	_ =	sdelay $0x4  }
0x227: {  	[tilespmem:$0x1EF80] =	vst v1;
	v1 =	vld [tilespmem:s25+$0x460];
	_ =	sdelay $0x4  }
0x228: {  	[tilespmem:$0x1EFB0] =	vst v1;
	v1 =	vld [tilespmem:$0x1F650];
	_ =	sdelay $0x4  }
0x229: {  	v1 =	vadd.f32 v0, v1;
	v0 =	vld [tilespmem:s25+$0x4460];
	_ =	sdelay $0x3  }
0x22a: {  	s12 =	sor.u32 s18, s7  }
0x22b: {  	[tilespmem:$0x1EFC0] =	vst v0;
	v0 =	vld [tilespmem:s12+$0x460];
	_ =	sdelay $0x4  }
0x22c: {  	[tilespmem:$0x1F610] =	vst v0;
	v0 =	vld [tilespmem:s12+$0x4460];
	_ =	sdelay $0x3  }
0x22d: {  	s11 =	sor.u32 s20, s7  }
0x22e: {  	[tilespmem:$0x1F620] =	vst v0;
	v0 =	vld [tilespmem:s11+$0x460];
	_ =	sdelay $0x4  }
0x22f: {  	[tilespmem:$0x1F630] =	vst v0;
	v0 =	vld [tilespmem:s11+$0x4460];
	_ =	sdelay $0x4  }
0x230: {  	[tilespmem:$0x1F640] =	vst v0;
	v0 =	vld [tilespmem:s10+$0x460];
	_ =	sdelay $0x4  }
0x231: {  	[tilespmem:$0x1F6C0] =	vst v0;
	v0 =	vld [tilespmem:s10+$0x4460];
	_ =	sdelay $0x4  }
0x232: {  	[tilespmem:$0x1F6D0] =	vst v0;
	v0 =	vld [tilespmem:s9+$0x460];
	_ =	sdelay $0x4  }
0x233: {  	[tilespmem:$0x1F6E0] =	vst v0;
	v0 =	vld [tilespmem:s9+$0x4460];
	_ =	sdelay $0x4  }
0x234: {  	[tilespmem:$0x1F6F0] =	vst v0;
	v0 =	vld [tilespmem:s8+$0x460];
	_ =	sdelay $0x1  }
0x235: {  	v6 =	vld [tilespmem:s5+$0x420];
	_ =	sdelay $0x2  }
0x236: {  	[tilespmem:$0x1F700] =	vst v0;
	v0 =	vld [tilespmem:s8+$0x4460];
	_ =	sdelay $0x1  }
0x237: {  	[tilespmem:$0x1F260] =	vst v6;
	v6 =	vld [tilespmem:s5+$0x4420];
	_ =	sdelay $0x2  }
0x238: {  	[tilespmem:$0x1F710] =	vst v0;
	v0 =	vld [tilespmem:s13+$0x450];
	_ =	sdelay $0x1  }
0x239: {  	[tilespmem:$0x1F270] =	vst v6;
	v6 =	vld [tilespmem:s22+$0x420];
	_ =	sdelay $0x2  }
0x23a: {  	[tilespmem:$0x1EF90] =	vst v0;
	v0 =	vld [tilespmem:s13+$0x4450];
	_ =	sdelay $0x1  }
0x23b: {  	[tilespmem:$0x1F280] =	vst v6;
	v6 =	vld [tilespmem:s22+$0x4420];
	_ =	sdelay $0x2  }
0x23c: {  	[tilespmem:$0x1EFA0] =	vst v0;
	v0 =	vld [tilespmem:s5+$0x450];
	_ =	sdelay $0x1  }
0x23d: {  	[tilespmem:$0x1F290] =	vst v6;
	v6 =	vld [tilespmem:s0+$0x420];
	_ =	sdelay $0x2  }
0x23e: {  	[tilespmem:$0x1EFD0] =	vst v0;
	v0 =	vld [tilespmem:s5+$0x4450];
	_ =	sdelay $0x1  }
0x23f: {  	[tilespmem:$0x1F2A0] =	vst v6;
	v6 =	vld [tilespmem:s0+$0x4420];
	_ =	sdelay $0x2  }
0x240: {  	[tilespmem:$0x1EFE0] =	vst v0;
	v0 =	vld [tilespmem:s22+$0x450];
	_ =	sdelay $0x1  }
0x241: {  	[tilespmem:$0x1F2B0] =	vst v6;
	v6 =	vld [tilespmem:s1+$0x420];
	_ =	sdelay $0x2  }
0x242: {  	[tilespmem:$0x1EFF0] =	vst v0;
	v0 =	vld [tilespmem:s22+$0x4450];
	_ =	sdelay $0x1  }
0x243: {  	[tilespmem:$0x1F2C0] =	vst v6;
	v6 =	vld [tilespmem:s1+$0x4420];
	_ =	sdelay $0x2  }
0x244: {  	[tilespmem:$0x1F000] =	vst v0;
	v0 =	vld [tilespmem:s0+$0x450];
	_ =	sdelay $0x1  }
0x245: {  	[tilespmem:$0x1F2D0] =	vst v6;
	v6 =	vld [tilespmem:s26+$0x420];
	_ =	sdelay $0x2  }
0x246: {  	[tilespmem:$0x1F010] =	vst v0;
	v0 =	vld [tilespmem:s0+$0x4450];
	_ =	sdelay $0x1  }
0x247: {  	[tilespmem:$0x1F2E0] =	vst v6;
	v6 =	vld [tilespmem:s26+$0x4420];
	_ =	sdelay $0x2  }
0x248: {  	[tilespmem:$0x1F020] =	vst v0;
	v0 =	vld [tilespmem:s1+$0x450];
	_ =	sdelay $0x1  }
0x249: {  	[tilespmem:$0x1F2F0] =	vst v6;
	v6 =	vld [tilespmem:s16+$0x420];
	_ =	sdelay $0x2  }
0x24a: {  	[tilespmem:$0x1F030] =	vst v0;
	v0 =	vld [tilespmem:s1+$0x4450];
	_ =	sdelay $0x1  }
0x24b: {  	[tilespmem:$0x1F300] =	vst v6;
	v6 =	vld [tilespmem:s9+$0x420];
	_ =	sdelay $0x2  }
0x24c: {  	[tilespmem:$0x1F040] =	vst v0;
	v0 =	vld [tilespmem:s26+$0x450];
	_ =	sdelay $0x1  }
0x24d: {  	[tilespmem:$0x1F310] =	vst v6;
	v6 =	vld [tilespmem:s9+$0x4420];
	_ =	sdelay $0x2  }
0x24e: {  	[tilespmem:$0x1F050] =	vst v0;
	v0 =	vld [tilespmem:s26+$0x4450];
	_ =	sdelay $0x1  }
0x24f: {  	[tilespmem:$0x1F320] =	vst v6;
	v6 =	vld [tilespmem:s8+$0x420];
	_ =	sdelay $0x2  }
0x250: {  	[tilespmem:$0x1F060] =	vst v0;
	v0 =	vld [tilespmem:s16+$0x450];
	_ =	sdelay $0x1  }
0x251: {  	[tilespmem:$0x1F330] =	vst v6;
	v6 =	vld [tilespmem:s8+$0x4420];
	_ =	sdelay $0x2  }
0x252: {  	[tilespmem:$0x1F070] =	vst v0;
	v0 =	vld [tilespmem:s16+$0x4450];
	_ =	sdelay $0x1  }
0x253: {  	[tilespmem:$0x1F340] =	vst v6;
	v6 =	vmul.f32 v26, v25;
	_ =	sdelay $0x1  }
0x254: {  	[tilespmem:$0x1F740] =	vst v6  }
0x255: {  	v6 =	vmul.f32 v56, v27;
	[tilespmem:$0x1F080] =	vst v0;
	v0 =	vld [tilespmem:s25+$0x450];
	_ =	sdelay $0x1  }
0x256: {  	[tilespmem:$0x1F770] =	vst v6;
	v6 =	vmul.f32 v62, v60;
	_ =	sdelay $0x1  }
0x257: {  	[tilespmem:$0x1F7A0] =	vst v6  }
0x258: {  	v6 =	vmul.f32 v18, v28;
	[tilespmem:$0x1F0B0] =	vst v0;
	v0 =	vld [tilespmem:s25+$0x4450];
	_ =	sdelay $0x1  }
0x259: {  	v23 =	vld [tilespmem:s12+$0x470];
	[tilespmem:$0x1F7D0] =	vst v6;
	v6 =	vmul.f32 v63, v21  }
0x25a: {  	v24 =	vld [tilespmem:s22+$0x4460]  }
0x25b: {  	v12 =	vld [tilespmem:s11+$0x470];
	[tilespmem:$0x1F800] =	vst v6  }
0x25c: {  	v6 =	vmul.f32 v20, v19;
	[tilespmem:$0x1F0C0] =	vst v0;
	v0 =	vld [tilespmem:s12+$0x450]  }
0x25d: {  	v10 =	vld [tilespmem:s9+$0x470]  }
0x25e: {  	v13 =	vld [tilespmem:s12+$0x4470];
	[tilespmem:$0x1F830] =	vst v6;
	v6 =	vmul.f32 v22, v17  }
0x25f: {  	v8 =	vld [tilespmem:s13+$0x460]  }
0x260: {  	v9 =	vld [tilespmem:s13+$0x4460];
	[tilespmem:$0x1F860] =	vst v6  }
0x261: {  	v6 =	vmul.f32 v16, v15;
	[tilespmem:$0x1F500] =	vst v0;
	v0 =	vld [tilespmem:s12+$0x4450]  }
0x262: {  	v11 =	vld [tilespmem:s11+$0x4470];
	[tilespmem:$0x1F680] =	vst v10  }
0x263: {  	v10 =	vld [tilespmem:s5+$0x4460];
	[tilespmem:$0x1F890] =	vst v6;
	v6 =	vmul.f32 v13, v23  }
0x264: {  	v3 =	vld [tilespmem:s0+$0x4460]  }
0x265: {  	v7 =	vld [tilespmem:s5+$0x460];
	[tilespmem:$0x1F8A0] =	vst v6  }
0x266: {  	v6 =	vmul.f32 v9, v8;
	[tilespmem:$0x1F510] =	vst v0;
	v0 =	vld [tilespmem:s11+$0x450]  }
0x267: {  	v2 =	vld [tilespmem:s1+$0x4460]  }
0x268: {  	v14 =	vld [tilespmem:s22+$0x460];
	[tilespmem:$0x1F8D0] =	vst v6;
	v6 =	vmul.f32 v11, v12  }
0x269: {  	v4 =	vld [tilespmem:s0+$0x460];
	[tilespmem:$0x1EF20] =	vst v3  }
0x26a: {  	[tilespmem:$0x1F8E0] =	vst v6  }
0x26b: {  	v6 =	vmul.f32 v10, v7;
	[tilespmem:$0x1F520] =	vst v0;
	v0 =	vld [tilespmem:s11+$0x4450]  }
0x26c: {  	[tilespmem:$0x1EF40] =	vst v2  }
0x26d: {  	v2 =	vld [tilespmem:s26+$0x460];
	[tilespmem:$0x1F910] =	vst v6;
	v6 =	vmul.f32 v24, v14  }
0x26e: {  	[tilespmem:$0x1EF10] =	vst v4;
	v7 =	vld [tilespmem:$0x1EF20]  }
0x26f: {  	[tilespmem:$0x1F940] =	vst v6;
	v6 =	vld [tilespmem:$0x1EF10]  }
0x270: {  	[tilespmem:$0x1F530] =	vst v0;
	v0 =	vld [tilespmem:s10+$0x450]  }
0x271: {  	v3 =	vld [tilespmem:s1+$0x460];
	_ =	sdelay $0x2  }
0x272: {  	[tilespmem:$0x1EF50] =	vst v2;
	v2 =	vld [tilespmem:s26+$0x4460]  }
0x273: {  	v6 =	vmul.f32 v7, v6;
	[tilespmem:$0x1F560] =	vst v0;
	v0 =	vld [tilespmem:s10+$0x4450]  }
0x274: {  	[tilespmem:$0x1EF30] =	vst v3;
	v7 =	vld [tilespmem:$0x1EF40]  }
0x275: {  	[tilespmem:$0x1F950] =	vst v6;
	v6 =	vld [tilespmem:$0x1EF30];
	_ =	sdelay $0x2  }
0x276: {  	[tilespmem:$0x1F570] =	vst v0;
	v0 =	vld [tilespmem:s9+$0x450];
	_ =	sdelay $0x1  }
0x277: {  	[tilespmem:$0x1EF60] =	vst v2;
	v6 =	vmul.f32 v7, v6  }
0x278: {  	v7 =	vld [tilespmem:$0x1EF60]  }
0x279: {  	[tilespmem:$0x1F960] =	vst v6;
	v6 =	vld [tilespmem:$0x1EF50]  }
0x27a: {  	[tilespmem:$0x1F5A0] =	vst v0;
	v0 =	vld [tilespmem:s9+$0x4450]  }
0x27b: {  	v2 =	vld [tilespmem:s16+$0x460];
	_ =	sdelay $0x3  }
0x27c: {  	v6 =	vmul.f32 v7, v6;
	[tilespmem:$0x1F5B0] =	vst v0;
	v0 =	vld [tilespmem:s8+$0x450]  }
0x27d: {  	[tilespmem:$0x1EF70] =	vst v2;
	v7 =	vld [tilespmem:$0x1EF80]  }
0x27e: {  	[tilespmem:$0x1F970] =	vst v6;
	v6 =	vld [tilespmem:$0x1EF70];
	_ =	sdelay $0x2  }
0x27f: {  	[tilespmem:$0x1F5E0] =	vst v0;
	v0 =	vld [tilespmem:s13+$0x440];
	_ =	sdelay $0x1  }
0x280: {  	v6 =	vmul.f32 v7, v6  }
0x281: {  	v7 =	vld [tilespmem:$0x1EFA0]  }
0x282: {  	[tilespmem:$0x1F980] =	vst v6;
	v6 =	vld [tilespmem:$0x1EF90]  }
0x283: {  	[tilespmem:$0x1F090] =	vst v0;
	v0 =	vld [tilespmem:s13+$0x4440];
	_ =	sdelay $0x4  }
0x284: {  	v6 =	vmul.f32 v7, v6;
	[tilespmem:$0x1F0A0] =	vst v0;
	v0 =	vld [tilespmem:s5+$0x440]  }
0x285: {  	v7 =	vld [tilespmem:$0x1EFC0]  }
0x286: {  	[tilespmem:$0x1F540] =	vst v6;
	v6 =	vld [tilespmem:$0x1EFB0];
	_ =	sdelay $0x2  }
0x287: {  	[tilespmem:$0x1F0D0] =	vst v0;
	v0 =	vld [tilespmem:s5+$0x4440];
	_ =	sdelay $0x1  }
0x288: {  	v6 =	vmul.f32 v7, v6  }
0x289: {  	v7 =	vld [tilespmem:$0x1EFE0]  }
0x28a: {  	[tilespmem:$0x1F9B0] =	vst v6;
	v6 =	vld [tilespmem:$0x1EFD0]  }
0x28b: {  	[tilespmem:$0x1F0E0] =	vst v0;
	v0 =	vld [tilespmem:s22+$0x440];
	_ =	sdelay $0x4  }
0x28c: {  	v6 =	vmul.f32 v7, v6;
	[tilespmem:$0x1F0F0] =	vst v0;
	v0 =	vld [tilespmem:s22+$0x4440]  }
0x28d: {  	v7 =	vld [tilespmem:$0x1F000]  }
0x28e: {  	[tilespmem:$0x1F550] =	vst v6;
	v6 =	vld [tilespmem:$0x1EFF0];
	_ =	sdelay $0x2  }
0x28f: {  	[tilespmem:$0x1F100] =	vst v0;
	v0 =	vld [tilespmem:s0+$0x440];
	_ =	sdelay $0x1  }
0x290: {  	v6 =	vmul.f32 v7, v6  }
0x291: {  	v7 =	vld [tilespmem:$0x1F020]  }
0x292: {  	[tilespmem:$0x1F580] =	vst v6;
	v6 =	vld [tilespmem:$0x1F010]  }
0x293: {  	[tilespmem:$0x1F110] =	vst v0;
	v0 =	vld [tilespmem:s0+$0x4440];
	_ =	sdelay $0x4  }
0x294: {  	v6 =	vmul.f32 v7, v6;
	[tilespmem:$0x1F120] =	vst v0;
	v0 =	vld [tilespmem:s1+$0x440]  }
0x295: {  	v7 =	vld [tilespmem:$0x1F040]  }
0x296: {  	[tilespmem:$0x1F590] =	vst v6;
	v6 =	vld [tilespmem:$0x1F030];
	_ =	sdelay $0x2  }
0x297: {  	[tilespmem:$0x1F130] =	vst v0;
	v0 =	vld [tilespmem:s1+$0x4440];
	_ =	sdelay $0x1  }
0x298: {  	v6 =	vmul.f32 v7, v6  }
0x299: {  	v7 =	vld [tilespmem:$0x1F060]  }
0x29a: {  	[tilespmem:$0x1F5C0] =	vst v6;
	v6 =	vld [tilespmem:$0x1F050]  }
0x29b: {  	[tilespmem:$0x1F140] =	vst v0;
	v0 =	vld [tilespmem:s26+$0x440];
	_ =	sdelay $0x3  }
0x29c: {  	v6 =	vmul.f32 v7, v6;
	v7 =	vld [tilespmem:$0x1F080]  }
0x29d: {  	[tilespmem:$0x1F150] =	vst v0;
	v0 =	vld [tilespmem:s26+$0x4440]  }
0x29e: {  	[tilespmem:$0x1F5D0] =	vst v6;
	v6 =	vld [tilespmem:$0x1F070];
	_ =	sdelay $0x3  }
0x29f: {  	[tilespmem:$0x1F160] =	vst v0;
	v0 =	vld [tilespmem:s16+$0x440]  }
0x2a0: {  	v6 =	vmul.f32 v7, v6;
	_ =	sdelay $0x1  }
0x2a1: {  	[tilespmem:$0x1F5F0] =	vst v6;
	v6 =	vld [tilespmem:$0x1F090]  }
0x2a2: {  	v7 =	vld [tilespmem:$0x1F0A0]  }
0x2a3: {  	[tilespmem:$0x1F170] =	vst v0;
	v0 =	vld [tilespmem:s16+$0x4440];
	_ =	sdelay $0x4  }
0x2a4: {  	v6 =	vmul.f32 v7, v6;
	[tilespmem:$0x1F180] =	vst v0;
	v0 =	vld [tilespmem:s25+$0x440]  }
0x2a5: {  	v7 =	vld [tilespmem:$0x1F0C0]  }
0x2a6: {  	[tilespmem:$0x1F440] =	vst v6;
	v6 =	vld [tilespmem:$0x1F0B0];
	_ =	sdelay $0x2  }
0x2a7: {  	[tilespmem:$0x1F1A0] =	vst v0;
	v0 =	vld [tilespmem:s25+$0x4440];
	_ =	sdelay $0x1  }
0x2a8: {  	v6 =	vmul.f32 v7, v6  }
0x2a9: {  	v7 =	vld [tilespmem:$0x1F0E0]  }
0x2aa: {  	[tilespmem:$0x1F600] =	vst v6;
	v6 =	vld [tilespmem:$0x1F0D0]  }
0x2ab: {  	[tilespmem:$0x1F1B0] =	vst v0;
	v0 =	vld [tilespmem:s12+$0x440];
	_ =	sdelay $0x3  }
0x2ac: {  	v6 =	vmul.f32 v7, v6;
	v7 =	vld [tilespmem:$0x1F100]  }
0x2ad: {  	[tilespmem:$0x1F400] =	vst v0;
	v0 =	vld [tilespmem:s12+$0x4440]  }
0x2ae: {  	[tilespmem:$0x1F450] =	vst v6;
	v6 =	vld [tilespmem:$0x1F0F0];
	_ =	sdelay $0x3  }
0x2af: {  	[tilespmem:$0x1F410] =	vst v0;
	v0 =	vld [tilespmem:s11+$0x440]  }
0x2b0: {  	v6 =	vmul.f32 v7, v6;
	_ =	sdelay $0x1  }
0x2b1: {  	[tilespmem:$0x1F480] =	vst v6;
	v6 =	vld [tilespmem:$0x1F110]  }
0x2b2: {  	v7 =	vld [tilespmem:$0x1F120]  }
0x2b3: {  	[tilespmem:$0x1F420] =	vst v0;
	v0 =	vld [tilespmem:s11+$0x4440];
	_ =	sdelay $0x3  }
0x2b4: {  	v6 =	vmul.f32 v7, v6  }
0x2b5: {  	[tilespmem:$0x1F430] =	vst v0;
	v0 =	vld [tilespmem:s10+$0x440]  }
0x2b6: {  	[tilespmem:$0x1F490] =	vst v6;
	v6 =	vld [tilespmem:$0x1F130]  }
0x2b7: {  	v7 =	vld [tilespmem:$0x1F140];
	_ =	sdelay $0x2  }
0x2b8: {  	[tilespmem:$0x1F460] =	vst v0;
	v0 =	vld [tilespmem:s10+$0x4440];
	_ =	sdelay $0x1  }
0x2b9: {  	v57 =	vld [tilespmem:s5+$0x4430];
	v6 =	vmul.f32 v7, v6  }
0x2ba: {  	v59 =	vld [tilespmem:s16+$0x4420]  }
0x2bb: {  	[tilespmem:$0x1F4C0] =	vst v6;
	v6 =	vld [tilespmem:$0x1F150]  }
0x2bc: {  	[tilespmem:$0x1F470] =	vst v0;
	v0 =	vld [tilespmem:s9+$0x440]  }
0x2bd: {  	v7 =	vld [tilespmem:$0x1F160]  }
0x2be: {  	v4 =	vld [tilespmem:s25+$0x430]  }
0x2bf: {  	v61 =	vld [tilespmem:s25+$0x420]  }
0x2c0: {  	v58 =	vld [tilespmem:s25+$0x4420]  }
0x2c1: {  	[tilespmem:$0x1F4A0] =	vst v0;
	v0 =	vld [tilespmem:s9+$0x4440]  }
0x2c2: {  	v55 =	vld [tilespmem:s12+$0x420];
	v6 =	vmul.f32 v7, v6  }
0x2c3: {  	[tilespmem:$0x1F240] =	vst v4;
	v4 =	vld [tilespmem:s25+$0x4430]  }
0x2c4: {  	[tilespmem:$0x1F4D0] =	vst v6;
	v6 =	vld [tilespmem:$0x1F170]  }
0x2c5: {  	v7 =	vld [tilespmem:$0x1F180]  }
0x2c6: {  	[tilespmem:$0x1F4B0] =	vst v0;
	v0 =	vld [tilespmem:s13+$0x430]  }
0x2c7: {  	v53 =	vld [tilespmem:s12+$0x4420]  }
0x2c8: {  	v54 =	vld [tilespmem:s11+$0x420]  }
0x2c9: {  	v52 =	vld [tilespmem:s11+$0x4420]  }
0x2ca: {  	[tilespmem:$0x1F250] =	vst v4;
	v4 =	vld [tilespmem:s12+$0x430];
	v6 =	vmul.f32 v7, v6  }
0x2cb: {  	v2 =	vld [tilespmem:s13+$0x4430];
	[tilespmem:$0x1F190] =	vst v0  }
0x2cc: {  	[tilespmem:$0x1F4E0] =	vst v6;
	v6 =	vld [tilespmem:$0x1F190]  }
0x2cd: {  	v51 =	vld [tilespmem:s10+$0x420]  }
0x2ce: {  	v50 =	vld [tilespmem:s10+$0x4420]  }
0x2cf: {  	v49 =	vld [tilespmem:s13+$0x400]  }
0x2d0: {  	[tilespmem:$0x1F350] =	vst v4;
	v4 =	vld [tilespmem:s12+$0x4430]  }
0x2d1: {  	v62 =	vmul.f32 v2, v6;
	v2 =	vld [tilespmem:$0x1F1A0]  }
0x2d2: {  	v6 =	vld [tilespmem:$0x1F1B0]  }
0x2d3: {  	v0 =	vld [tilespmem:s5+$0x430]  }
0x2d4: {  	v48 =	vld [tilespmem:s13+$0x4400]  }
0x2d5: {  	v47 =	vld [tilespmem:s13+$0x410]  }
0x2d6: {  	[tilespmem:$0x1F650] =	vst v1;
	v1 =	vld [tilespmem:s0+$0x430]  }
0x2d7: {  	[tilespmem:$0x1F360] =	vst v4;
	v4 =	vld [tilespmem:s11+$0x430];
	v2 =	vmul.f32 v6, v2  }
0x2d8: {  	[tilespmem:$0x1F1C0] =	vst v0;
	v0 =	vld [tilespmem:s22+$0x430]  }
0x2d9: {  	[tilespmem:$0x1F4F0] =	vst v2;
	v2 =	vld [tilespmem:$0x1F1C0]  }
0x2da: {  	v45 =	vld [tilespmem:s13+$0x4410]  }
0x2db: {  	[tilespmem:$0x1F1E0] =	vst v1;
	v1 =	vld [tilespmem:s1+$0x430]  }
0x2dc: {  	[tilespmem:$0x1F370] =	vst v4;
	v4 =	vld [tilespmem:s11+$0x4430]  }
0x2dd: {  	[tilespmem:$0x1F1D0] =	vst v0;
	v0 =	vld [tilespmem:s22+$0x4430]  }
0x2de: {  	v57 =	vmul.f32 v57, v2;
	v2 =	vld [tilespmem:$0x1F1D0]  }
0x2df: {  	v46 =	vld [tilespmem:s5+$0x400]  }
0x2e0: {  	v3 =	vld [tilespmem:s0+$0x4430]  }
0x2e1: {  	[tilespmem:$0x1F380] =	vst v4;
	v4 =	vld [tilespmem:s10+$0x430]  }
0x2e2: {  	[tilespmem:$0x1F1F0] =	vst v1;
	v1 =	vld [tilespmem:s26+$0x430]  }
0x2e3: {  	v63 =	vmul.f32 v0, v2;
	v0 =	vld [tilespmem:$0x1F1E0]  }
0x2e4: {  	v44 =	vld [tilespmem:s5+$0x4400]  }
0x2e5: {  	v5 =	vld [tilespmem:s1+$0x4430]  }
0x2e6: {  	[tilespmem:$0x1F390] =	vst v4;
	v4 =	vld [tilespmem:s10+$0x4430]  }
0x2e7: {  	[tilespmem:$0x1F200] =	vst v1;
	v1 =	vld [tilespmem:s26+$0x4430]  }
0x2e8: {  	v56 =	vmul.f32 v3, v0;
	v0 =	vld [tilespmem:$0x1F1F0]  }
0x2e9: {  	v42 =	vld [tilespmem:s5+$0x410]  }
0x2ea: {  	v40 =	vld [tilespmem:s5+$0x4410]  }
0x2eb: {  	[tilespmem:$0x1F3A0] =	vst v4;
	v4 =	vld [tilespmem:s9+$0x430]  }
0x2ec: {  	v43 =	vld [tilespmem:s22+$0x400]  }
0x2ed: {  	[tilespmem:$0x1F210] =	vst v1;
	v1 =	vld [tilespmem:s16+$0x430];
	v0 =	vmul.f32 v5, v0  }
0x2ee: {  	v2 =	vld [tilespmem:$0x1F210]  }
0x2ef: {  	[tilespmem:$0x1F3D0] =	vst v0;
	v0 =	vld [tilespmem:$0x1F200]  }
0x2f0: {  	[tilespmem:$0x1F3B0] =	vst v4;
	v4 =	vld [tilespmem:s9+$0x4430]  }
0x2f1: {  	v41 =	vld [tilespmem:s22+$0x4400]  }
0x2f2: {  	v39 =	vld [tilespmem:s22+$0x410]  }
0x2f3: {  	[tilespmem:$0x1F220] =	vst v1;
	v1 =	vld [tilespmem:s16+$0x4430]  }
0x2f4: {  	v60 =	vmul.f32 v2, v0;
	v0 =	vld [tilespmem:$0x1F220]  }
0x2f5: {  	[tilespmem:$0x1F3C0] =	vst v4;
	v4 =	vld [tilespmem:s13+$0x420]  }
0x2f6: {  	v37 =	vld [tilespmem:s22+$0x4410]  }
0x2f7: {  	v38 =	vld [tilespmem:s0+$0x400]  }
0x2f8: {  	v36 =	vld [tilespmem:s0+$0x4400]  }
0x2f9: {  	v34 =	vld [tilespmem:s1+$0x400];
	v0 =	vmul.f32 v1, v0  }
0x2fa: {  	[tilespmem:$0x1F230] =	vst v4;
	v4 =	vld [tilespmem:s13+$0x4420]  }
0x2fb: {  	[tilespmem:$0x1F3E0] =	vst v0;
	v0 =	vld [tilespmem:$0x1F230]  }
0x2fc: {  	v32 =	vld [tilespmem:s1+$0x4400]  }
0x2fd: {  	v31 =	vld [tilespmem:s1+$0x410]  }
0x2fe: {  	v30 =	vld [tilespmem:s1+$0x4410]  }
0x2ff: {  	v1 =	vld [tilespmem:$0x1F250]  }
0x300: {  	v20 =	vmul.f32 v4, v0;
	v0 =	vld [tilespmem:$0x1F240]  }
0x301: {  	v29 =	vld [tilespmem:s26+$0x400]  }
0x302: {  	v53 =	vmul.f32 v53, v55;
	v55 =	vld [tilespmem:s9+$0x400]  }
0x303: {  	v50 =	vmul.f32 v50, v51;
	v51 =	vld [tilespmem:s9+$0x4400]  }
0x304: {  	v45 =	vmul.f32 v45, v47;
	v47 =	vld [tilespmem:s9+$0x410]  }
0x305: {  	v48 =	vmul.f32 v48, v49;
	v49 =	vld [tilespmem:s9+$0x4410];
	v0 =	vmul.f32 v1, v0  }
0x306: {  	v1 =	vld [tilespmem:$0x1F270]  }
0x307: {  	[tilespmem:$0x1F3F0] =	vst v0;
	v0 =	vld [tilespmem:$0x1F260]  }
0x308: {  	v52 =	vmul.f32 v52, v54;
	v54 =	vld [tilespmem:s8+$0x400]  }
0x309: {  	v58 =	vmul.f32 v58, v61;
	v61 =	vld [tilespmem:s8+$0x4400]  }
0x30a: {  	v26 =	vld [tilespmem:s26+$0x4410]  }
0x30b: {  	v27 =	vld [tilespmem:s26+$0x410]  }
0x30c: {  	v18 =	vmul.f32 v1, v0;
	v0 =	vld [tilespmem:$0x1F280]  }
0x30d: {  	v1 =	vld [tilespmem:$0x1F290]  }
0x30e: {  	v36 =	vmul.f32 v36, v38;
	v38 =	vld [tilespmem:s8+$0x410]  }
0x30f: {  	v25 =	vld [tilespmem:s16+$0x400]  }
0x310: {  	v28 =	vld [tilespmem:s26+$0x4400]  }
0x311: {  	v26 =	vmul.f32 v26, v27;
	v27 =	vld [tilespmem:s8+$0x4410]  }
0x312: {  	v21 =	vmul.f32 v1, v0;
	v0 =	vld [tilespmem:$0x1F2A0]  }
0x313: {  	v1 =	vld [tilespmem:$0x1F2B0]  }
0x314: {  	v19 =	vld [tilespmem:$0x1F2F0]  }
0x315: {  	v17 =	vld [tilespmem:s16+$0x4410]  }
0x316: {  	v15 =	vld [tilespmem:s25+$0x400]  }
0x317: {  	v23 =	vld [tilespmem:s16+$0x410]  }
0x318: {  	v16 =	vmul.f32 v1, v0;
	v0 =	vld [tilespmem:$0x1F2C0]  }
0x319: {  	v1 =	vld [tilespmem:$0x1F2D0]  }
0x31a: {  	v13 =	vld [tilespmem:s25+$0x410]  }
0x31b: {  	v9 =	vld [tilespmem:s12+$0x410]  }
0x31c: {  	v8 =	vld [tilespmem:s12+$0x4410]  }
0x31d: {  	v12 =	vld [tilespmem:s25+$0x4410]  }
0x31e: {  	v22 =	vmul.f32 v1, v0;
	v0 =	vld [tilespmem:$0x1F2E0]  }
0x31f: {  	v11 =	vld [tilespmem:s12+$0x400]  }
0x320: {  	v7 =	vld [tilespmem:s11+$0x400]  }
0x321: {  	v6 =	vld [tilespmem:s11+$0x4400]  }
0x322: {  	v3 =	vld [tilespmem:s11+$0x4410]  }
0x323: {  	v19 =	vmul.f32 v19, v0;
	v0 =	vld [tilespmem:$0x1F300]  }
0x324: {  	v5 =	vld [tilespmem:s11+$0x410]  }
0x325: {  	v2 =	vld [tilespmem:s10+$0x4400]  }
0x326: {  	v4 =	vld [tilespmem:s10+$0x400]  }
0x327: {  	v1 =	vld [tilespmem:s10+$0x410]  }
0x328: {  	v59 =	vmul.f32 v59, v0;
	v0 =	vld [tilespmem:s10+$0x4410]  }
0x329: {  	v24 =	vld [tilespmem:s16+$0x4400];
	s22 =	rddreg [dreg:$0x8]  }
0x32a: {  	v41 =	vmul.f32 v41, v43;
	v14 =	vld [tilespmem:s25+$0x4400];
	s9 =	sor.u32 s22, s7  }
0x32b: {  	v17 =	vmul.f32 v17, v23;
	v12 =	vmul.f32 v12, v13;
	v43 =	vld [tilespmem:s9+$0x400]  }
0x32c: {  	v23 =	vld [tilespmem:s9+$0x4400];
	v6 =	vmul.f32 v6, v7;
	v3 =	vmul.f32 v3, v5  }
0x32d: {  	v13 =	vld [tilespmem:s9+$0x410];
	v2 =	vmul.f32 v2, v4;
	v0 =	vmul.f32 v0, v1  }
0x32e: {  	v3 =	vadd.f32 v3, v6;
	v6 =	vld [tilespmem:$0x1F320]  }
0x32f: {  	s26 =	rddreg [dreg:$0xa];
	v5 =	vadd.f32 v45, v48;
	v0 =	vadd.f32 v0, v2;
	v2 =	vld [tilespmem:$0x1F310]  }
0x330: {  	v8 =	vmul.f32 v8, v9;
	s25 =	rddreg [dreg:$0x9];
	v9 =	vld [tilespmem:s9+$0x4410];
	s11 =	sor.u32 s26, s7  }
0x331: {  	v5 =	vadd.f32 v20, v5;
	v20 =	vmul.f32 v23, v43;
	v23 =	vld [tilespmem:s11+$0x4410];
	s10 =	sor.u32 s25, s7  }
0x332: {  	v7 =	vld [tilespmem:s10+$0x400]  }
0x333: {  	v24 =	vmul.f32 v24, v25;
	v25 =	vld [tilespmem:s10+$0x410]  }
0x334: {  	v2 =	vmul.f32 v6, v2;
	v6 =	vld [tilespmem:s11+$0x410]  }
0x335: {  	v45 =	vld [tilespmem:s10+$0x4410]  }
0x336: {  	v9 =	vmul.f32 v9, v13;
	v1 =	vld [tilespmem:s10+$0x4400]  }
0x337: {  	v32 =	vmul.f32 v32, v34;
	v30 =	vmul.f32 v30, v31;
	v10 =	vld [tilespmem:s12+$0x4400]  }
0x338: {  	v14 =	vmul.f32 v14, v15;
	v9 =	vadd.f32 v9, v20;
	v20 =	vld [tilespmem:$0x1F350]  }
0x339: {  	v30 =	vadd.f32 v30, v32;
	v6 =	vmul.f32 v23, v6;
	v23 =	vld [tilespmem:$0x1F360]  }
0x33a: {  	v44 =	vmul.f32 v44, v46;
	v12 =	vadd.f32 v12, v14;
	v46 =	vld [tilespmem:s11+$0x400]  }
0x33b: {  	v14 =	vld [tilespmem:s11+$0x4400];
	v1 =	vmul.f32 v1, v7;
	v7 =	vadd.f32 v22, v30;
	v22 =	vmul.f32 v45, v25  }
0x33c: {  	v35 =	vld [tilespmem:s0+$0x410];
	v10 =	vmul.f32 v10, v11  }
0x33d: {  	v1 =	vadd.f32 v22, v1;
	v22 =	vld [tilespmem:$0x1F370]  }
0x33e: {  	v8 =	vadd.f32 v8, v10;
	v20 =	vmul.f32 v23, v20;
	v23 =	vld [tilespmem:$0x1F380]  }
0x33f: {  	v33 =	vld [tilespmem:s0+$0x4410];
	v10 =	vmul.f32 v27, v38;
	v17 =	vadd.f32 v17, v24;
	v24 =	vmul.f32 v61, v54  }
0x340: {  	v27 =	vld [tilespmem:$0x1F340];
	v14 =	vmul.f32 v14, v46  }
0x341: {  	v10 =	vadd.f32 v10, v24;
	v24 =	vld [tilespmem:$0x1F330]  }
0x342: {  	v6 =	vadd.f32 v6, v14;
	v14 =	vld [tilespmem:s11+$0x420]  }
0x343: {  	v22 =	vmul.f32 v23, v22;
	v23 =	vld [tilespmem:s11+$0x4420];
	_ =	sdelay $0x1  }
0x344: {  	v3 =	vadd.f32 v52, v3  }
0x345: {  	v40 =	vmul.f32 v40, v42  }
0x346: {  	v33 =	vmul.f32 v33, v35;
	v28 =	vmul.f32 v28, v29;
	v3 =	vadd.f32 v22, v3;
	v22 =	vld [tilespmem:$0x1F400]  }
0x347: {  	v24 =	vmul.f32 v27, v24;
	v14 =	vmul.f32 v23, v14;
	v23 =	vld [tilespmem:$0x1F410]  }
0x348: {  	v33 =	vadd.f32 v33, v36;
	v26 =	vadd.f32 v26, v28;
	v27 =	vld [tilespmem:$0x1F3A0]  }
0x349: {  	v10 =	vadd.f32 v24, v10;
	v24 =	vld [tilespmem:$0x1F390];
	v4 =	vadd.f32 v40, v44  }
0x34a: {  	v15 =	vmul.f32 v51, v55;
	v44 =	vmul.f32 v49, v47;
	v13 =	vadd.f32 v16, v33;
	v16 =	vld [tilespmem:s8+$0x430]  }
0x34b: {  	v4 =	vadd.f32 v18, v4;
	v18 =	vadd.f32 v19, v26;
	v19 =	vld [tilespmem:s8+$0x4430]  }
0x34c: {  	v15 =	vadd.f32 v44, v15;
	v22 =	vmul.f32 v23, v22;
	v23 =	vld [tilespmem:$0x1F450]  }
0x34d: {  	v26 =	vld [tilespmem:s10+$0x420]  }
0x34e: {  	v24 =	vmul.f32 v27, v24;
	v0 =	vadd.f32 v50, v0;
	v2 =	vadd.f32 v2, v15;
	v15 =	vld [tilespmem:s10+$0x4420]  }
0x34f: {  	v4 =	vadd.f32 v57, v4  }
0x350: {  	v0 =	vadd.f32 v24, v0;
	v24 =	vld [tilespmem:$0x1F470]  }
0x351: {  	v4 =	vadd.f32 v23, v4;
	v23 =	vld [tilespmem:$0x1F460]  }
0x352: {  	v16 =	vmul.f32 v19, v16  }
0x353: {  	v37 =	vmul.f32 v37, v39;
	v15 =	vmul.f32 v15, v26  }
0x354: {  	v10 =	vadd.f32 v16, v10;
	v16 =	vld [tilespmem:$0x1F430]  }
0x355: {  	v11 =	vadd.f32 v37, v41;
	v1 =	vadd.f32 v15, v1;
	v15 =	vld [tilespmem:$0x1F420]  }
0x356: {  	v23 =	vmul.f32 v24, v23;
	v24 =	vld [tilespmem:$0x1F480]  }
0x357: {  	v11 =	vadd.f32 v21, v11  }
0x358: {  	v27 =	vld [tilespmem:$0x1F3B0]  }
0x359: {  	v21 =	vld [tilespmem:s9+$0x420];
	v11 =	vadd.f32 v63, v11  }
0x35a: {  	v15 =	vmul.f32 v16, v15;
	v16 =	vld [tilespmem:$0x1F440]  }
0x35b: {  	v11 =	vadd.f32 v24, v11;
	v24 =	vld [tilespmem:$0x1F490]  }
0x35c: {  	v25 =	vld [tilespmem:s9+$0x4420]  }
0x35d: {  	v5 =	vadd.f32 v62, v5;
	v47 =	vld [tilespmem:$0x1F3C0]  }
0x35e: {  	v13 =	vadd.f32 v56, v13;
	v26 =	vld [tilespmem:$0x1F4B0]  }
0x35f: {  	v5 =	vadd.f32 v16, v5;
	v16 =	vld [tilespmem:s11+$0x4430]  }
0x360: {  	v24 =	vadd.f32 v24, v13;
	v13 =	vld [tilespmem:$0x1F4A0]  }
0x361: {  	v21 =	vmul.f32 v25, v21;
	v6 =	vadd.f32 v14, v6;
	v14 =	vld [tilespmem:s11+$0x430]  }
0x362: {  	v8 =	vadd.f32 v53, v8  }
0x363: {  	v27 =	vmul.f32 v47, v27;
	v9 =	vadd.f32 v21, v9;
	v21 =	vld [tilespmem:s10+$0x4430]  }
0x364: {  	v8 =	vadd.f32 v20, v8;
	v20 =	vld [tilespmem:s10+$0x430]  }
0x365: {  	v2 =	vadd.f32 v27, v2;
	v26 =	vmul.f32 v26, v13  }
0x366: {  	v22 =	vadd.f32 v22, v8;
	v8 =	vmul.f32 v16, v14;
	v14 =	vadd.f32 v23, v0;
	v0 =	vld [tilespmem:$0x1F500]  }
0x367: {  	v16 =	vadd.f32 v26, v2;
	v2 =	vld [tilespmem:$0x1F510];
	_ =	sdelay $0x1  }
0x368: {  	v20 =	vmul.f32 v21, v20;
	_ =	sdelay $0x1  }
0x369: {  	v18 =	vadd.f32 v60, v18;
	v60 =	vadd.f32 v20, v1;
	v1 =	vld [tilespmem:$0x1F530]  }
0x36a: {  	v26 =	vmul.f32 v2, v0;
	v0 =	vld [tilespmem:$0x1F520];
	_ =	sdelay $0x1  }
0x36b: {  	v52 =	vld [tilespmem:s9+$0x4430]  }
0x36c: {  	v25 =	vld [tilespmem:s9+$0x430];
	_ =	sdelay $0x1  }
0x36d: {  	v20 =	vmul.f32 v1, v0;
	v0 =	vld [tilespmem:$0x1F540];
	_ =	sdelay $0x1  }
0x36e: {  	v48 =	vld [tilespmem:s8+$0x440]  }
0x36f: {  	v19 =	vld [tilespmem:s8+$0x4440];
	v25 =	vmul.f32 v52, v25;
	_ =	sdelay $0x1  }
0x370: {  	v23 =	vadd.f32 v25, v9;
	v9 =	vadd.f32 v0, v5;
	v0 =	vld [tilespmem:$0x1F550];
	_ =	sdelay $0x2  }
0x371: {  	v19 =	vmul.f32 v19, v48  }
0x372: {  	v17 =	vadd.f32 v59, v17;
	v1 =	vld [tilespmem:$0x1F570]  }
0x373: {  	v59 =	vadd.f32 v19, v10;
	v10 =	vadd.f32 v0, v4;
	v0 =	vld [tilespmem:$0x1F560];
	_ =	sdelay $0x4  }
0x374: {  	v4 =	vmul.f32 v1, v0;
	v0 =	vld [tilespmem:$0x1F580];
	_ =	sdelay $0x4  }
0x375: {  	v61 =	vadd.f32 v8, v6;
	v6 =	vadd.f32 v0, v11;
	v0 =	vld [tilespmem:$0x1F590];
	_ =	sdelay $0x3  }
0x376: {  	v2 =	vld [tilespmem:$0x1F5B0]  }
0x377: {  	v11 =	vadd.f32 v0, v24;
	v0 =	vld [tilespmem:$0x1F5A0]  }
0x378: {  	v49 =	vld [tilespmem:$0x1F3D0];
	_ =	sdelay $0x1  }
0x379: {  	v53 =	vld [tilespmem:$0x1F4C0];
	_ =	sdelay $0x1  }
0x37a: {  	v24 =	vmul.f32 v2, v0;
	v2 =	vld [tilespmem:$0x1F5C0]  }
0x37b: {  	v7 =	vadd.f32 v49, v7;
	_ =	sdelay $0x1  }
0x37c: {  	v54 =	vld [tilespmem:$0x1F4D0];
	v7 =	vadd.f32 v53, v7  }
0x37d: {  	v55 =	vld [tilespmem:s9+$0x440]  }
0x37e: {  	v7 =	vadd.f32 v2, v7;
	v2 =	vld [tilespmem:$0x1F5D0]  }
0x37f: {  	v12 =	vadd.f32 v58, v12;
	v58 =	vld [tilespmem:s9+$0x4440]  }
0x380: {  	v62 =	vld [tilespmem:s11+$0x440]  }
0x381: {  	v51 =	vld [tilespmem:$0x1F3F0];
	v18 =	vadd.f32 v54, v18  }
0x382: {  	v27 =	vld [tilespmem:s8+$0x4450]  }
0x383: {  	v5 =	vadd.f32 v2, v18;
	v2 =	vld [tilespmem:$0x1F5E0]  }
0x384: {  	v50 =	vld [tilespmem:$0x1F3E0]  }
0x385: {  	v56 =	vld [tilespmem:$0x1F4E0]  }
0x386: {  	v15 =	vadd.f32 v15, v3;
	v3 =	vld [tilespmem:s10+$0x440]  }
0x387: {  	v25 =	vld [tilespmem:s10+$0x4440]  }
0x388: {  	v18 =	vmul.f32 v27, v2;
	v2 =	vld [tilespmem:$0x1F5F0]  }
0x389: {  	v57 =	vld [tilespmem:$0x1F4F0];
	v17 =	vadd.f32 v50, v17  }
0x38a: {  	v63 =	vld [tilespmem:s11+$0x4440]  }
0x38b: {  	v19 =	vld [tilespmem:s9+$0x450];
	v17 =	vadd.f32 v56, v17  }
0x38c: {  	v4 =	vadd.f32 v4, v14;
	v14 =	vadd.f32 v24, v16;
	v16 =	vld [tilespmem:$0x1F610]  }
0x38d: {  	v2 =	vadd.f32 v2, v17;
	v17 =	vmul.f32 v25, v3;
	v3 =	vadd.f32 v26, v22;
	v22 =	vld [tilespmem:$0x1F620]  }
0x38e: {  	v8 =	vld [tilespmem:$0x1F600]  }
0x38f: {  	v12 =	vadd.f32 v51, v12;
	v21 =	vld [tilespmem:s9+$0x4450]  }
0x390: {  	v13 =	vld [tilespmem:s9+$0x470];
	v25 =	vmul.f32 v63, v62  }
0x391: {  	v12 =	vadd.f32 v57, v12;
	v26 =	vld [tilespmem:$0x1F640]  }
0x392: {  	p0 =	sne.s32 s19, $0x3;
	v22 =	vmul.f32 v22, v16;
	v16 =	vadd.f32 v18, v59;
	v18 =	vadd.f32 v25, v61;
	v25 =	vld [tilespmem:$0x1F630]  }
.Ltmp0:
0x393: {  	v8 =	vadd.f32 v8, v12;
	v12 =	vadd.f32 v20, v15;
	v20 =	vld [tilespmem:s10+$0x450];
	(pc) =	sbr.rel @p0 .LBB2_3-.Ltmp0, $4  }
0x394: {  	v1 =	vld [tilespmem:s9+$0x4470]  }
0x395: {  	v0 =	vld [tilespmem:s10+$0x470];
	v27 =	vmul.f32 v58, v55  }
0x396: {  	v24 =	vld [tilespmem:s11+$0x450]  }
0x397: {  	s6 =	smov.u32 s19;
	s19 =	sadd.s32 $0x1, s19;
	v15 =	vadd.f32 v27, v23;
	v23 =	vld [tilespmem:s10+$0x4450];
	v17 =	vadd.f32 v17, v60;
	v25 =	vmul.f32 v26, v25  }
0x398: {  	v26 =	vld [tilespmem:$0x1F8D0]  }
0x399: {  	v39 =	vld [tilespmem:s11+$0x4450]  }
0x39a: {  	v27 =	vld [tilespmem:$0x1F910]  }
0x39b: {  	v40 =	vld [tilespmem:$0x1F6C0]  }
0x39c: {  	v28 =	vld [tilespmem:$0x1F6D0]  }
0x39d: {  	v29 =	vld [tilespmem:$0x1F940]  }
0x39e: {  	v42 =	vld [tilespmem:$0x1F950]  }
0x39f: {  	v43 =	vld [tilespmem:$0x1F6E0]  }
0x3a0: {  	v30 =	vld [tilespmem:$0x1F6F0]  }
0x3a1: {  	v31 =	vld [tilespmem:$0x1F960]  }
0x3a2: {  	v45 =	vld [tilespmem:$0x1F970]  }
0x3a3: {  	v46 =	vld [tilespmem:$0x1F700]  }
0x3a4: {  	v32 =	vld [tilespmem:$0x1F710]  }
0x3a5: {  	v47 =	vld [tilespmem:s9+$0x460]  }
0x3a6: {  	v48 =	vld [tilespmem:$0x1F980]  }
0x3a7: {  	v49 =	vld [tilespmem:$0x1F9B0]  }
0x3a8: {  	v50 =	vld [tilespmem:s9+$0x4460]  }
0x3a9: {  	v51 =	vld [tilespmem:s10+$0x460]  }
0x3aa: {  	v53 =	vld [tilespmem:s10+$0x4460]  }
0x3ab: {  	v54 =	vld [tilespmem:$0x1F660]  }
0x3ac: {  	v55 =	vld [tilespmem:$0x1F670]  }
0x3ad: {  	v56 =	vld [tilespmem:s11+$0x460]  }
0x3ae: {  	v57 =	vld [tilespmem:$0x1F680]  }
0x3af: {  	v58 =	vld [tilespmem:$0x1F690]  }
0x3b0: {  	v59 =	vld [tilespmem:$0x1F740]  }
0x3b1: {  	v19 =	vmul.f32 v21, v19;
	v61 =	vld [tilespmem:$0x1F770]  }
0x3b2: {  	v3 =	vadd.f32 v22, v3;
	v62 =	vld [tilespmem:$0x1F6A0]  }
0x3b3: {  	v63 =	vld [tilespmem:$0x1F6B0];
	v12 =	vadd.f32 v25, v12;
	v15 =	vadd.f32 v19, v15  }
0x3b4: {  	v33 =	vld [tilespmem:$0x1F7A0];
	v20 =	vmul.f32 v23, v20;
	v9 =	vadd.f32 v26, v9;
	v10 =	vadd.f32 v27, v10  }
0x3b5: {  	v34 =	vld [tilespmem:$0x1F7D0];
	v27 =	vmul.f32 v28, v40;
	v6 =	vadd.f32 v29, v6;
	v11 =	vadd.f32 v42, v11  }
0x3b6: {  	v35 =	vld [tilespmem:$0x1F800];
	v29 =	vmul.f32 v30, v43;
	v7 =	vadd.f32 v31, v7;
	v5 =	vadd.f32 v45, v5  }
0x3b7: {  	v36 =	vld [tilespmem:$0x1F830];
	v31 =	vmul.f32 v32, v46;
	v2 =	vadd.f32 v48, v2;
	v8 =	vadd.f32 v49, v8  }
0x3b8: {  	v37 =	vld [tilespmem:$0x1F860];
	v52 =	vmul.f32 v39, v24;
	v17 =	vadd.f32 v20, v17;
	v4 =	vadd.f32 v27, v4  }
0x3b9: {  	v38 =	vld [tilespmem:$0x1F890];
	v1 =	vmul.f32 v1, v13;
	v14 =	vadd.f32 v29, v14;
	v16 =	vadd.f32 v31, v16  }
0x3ba: {  	v60 =	vld [tilespmem:s11+$0x4460];
	v24 =	vmul.f32 v55, v54;
	v18 =	vadd.f32 v52, v18;
	v9 =	vadd.f32 v59, v9  }
0x3bb: {  	v41 =	vld [tilespmem:s10+$0x4470];
	v23 =	vmul.f32 v58, v57;
	v10 =	vadd.f32 v61, v10;
	v6 =	vadd.f32 v33, v6  }
0x3bc: {  	v21 =	vmul.f32 v50, v47;
	v39 =	vld [tilespmem:$0x1F8A0];
	v11 =	vadd.f32 v34, v11;
	v7 =	vadd.f32 v35, v7  }
0x3bd: {  	v19 =	vmul.f32 v53, v51;
	v40 =	vld [tilespmem:$0x1F8E0];
	v5 =	vadd.f32 v36, v5;
	v2 =	vadd.f32 v37, v2  }
0x3be: {  	v26 =	vmul.f32 v63, v62;
	v48 =	vld [tilespmem:$0x1FFF0];
	v8 =	vadd.f32 v38, v8;
	v15 =	vadd.f32 v21, v15  }
0x3bf: {  	v20 =	vmul.f32 v60, v56;
	v17 =	vadd.f32 v19, v17;
	v4 =	vadd.f32 v24, v4  }
0x3c0: {  	v44 =	vld [tilespmem:s11+$0x470];
	v0 =	vmul.f32 v41, v0;
	v14 =	vadd.f32 v23, v14;
	v16 =	vadd.f32 v26, v16  }
0x3c1: {  	v31 =	vld [tilespmem:s11+$0x4470];
	v18 =	vadd.f32 v20, v18;
	v41 =	vsel vm3, v9, v5;
	v1 =	vadd.f32 v1, v15  }
0x3c2: {  	v5 =	vsel vm3, v5, v9;
	v3 =	vadd.f32 v39, v3;
	v12 =	vadd.f32 v40, v12  }
0x3c3: {  	v0 =	vadd.f32 v0, v17;
	v5 =	vperm.xlane v5, v48;
	v43 =	vsel vm3, v6, v4  }
0x3c4: {  	v46 =	vsel vm3, v7, v16;
	v4 =	vsel vm3, v4, v6;
	v47 =	vsel vm3, v14, v11  }
0x3c5: {  	v7 =	vsel vm3, v16, v7;
	v50 =	vsel vm3, v1, v2;
	v1 =	vsel vm3, v2, v1  }
0x3c6: {  	v13 =	vmul.f32 v31, v44;
	v42 =	vsel vm3, v10, v12;
	v44 =	vsel vm3, v11, v14  }
0x3c7: {  	v45 =	vsel vm3, v12, v10;
	v4 =	vperm.xlane v4, v48;
	v6 =	vperm.xlane v47, v48  }
0x3c8: {  	v7 =	vperm.xlane v7, v48;
	v2 =	vsel vm3, v0, v8;
	v5 =	vadd.f32 v5, v41  }
0x3c9: {  	v0 =	vsel vm3, v8, v0;
	v1 =	vperm.xlane v1, v48;
	v49 =	vadd.f32 v13, v18  }
0x3ca: {  	v52 =	vld [tilespmem:$0x1FFD0];
	v9 =	vperm.xlane v45, v48;
	v0 =	vperm.xlane v0, v48;
	v4 =	vadd.f32 v4, v43  }
0x3cb: {  	v6 =	vadd.f32 v6, v44;
	v13 =	vsel vm3, v49, v3;
	v3 =	vsel vm3, v3, v49  }
0x3cc: {  	v1 =	vadd.f32 v1, v50;
	v7 =	vadd.f32 v7, v46;
	v3 =	vperm.xlane v3, v48  }
0x3cd: {  	v51 =	vadd.f32 v9, v42;
	v0 =	vadd.f32 v0, v2  }
0x3ce: {  	v53 =	vsel vm0, v4, v1;
	v1 =	vsel vm0, v1, v4;
	v2 =	vadd.f32 v3, v13  }
0x3cf: {  	v9 =	vsel vm0, v5, v51;
	v54 =	vperm.xlane v53, v52;
	v55 =	vsel vm0, v6, v0  }
0x3d0: {  	v3 =	vsel vm0, v51, v5;
	v5 =	vperm.xlane v55, v52;
	v56 =	vsel vm0, v7, v2  }
0x3d1: {  	v60 =	vld [tilespmem:$0x1FFC0];
	v0 =	vsel vm0, v0, v6;
	v3 =	vperm.xlane v3, v52;
	v57 =	vperm.xlane v56, v52  }
0x3d2: {  	v61 =	vld [tilespmem:$0x1FF90];
	v1 =	vadd.f32 v54, v1;
	v2 =	vsel vm0, v2, v7;
	v0 =	vadd.f32 v5, v0  }
0x3d3: {  	v3 =	vadd.f32 v3, v9;
	v2 =	vadd.f32 v57, v2;
	_ =	sdelay $0x1  }
0x3d4: {  	v58 =	vsel vm1, v0, v3;
	v59 =	vsel vm1, v2, v1  }
0x3d5: {  	v62 =	vld [tilespmem:$0x1FFE0];
	v4 =	vperm.xlane v58, v60;
	v5 =	vperm.xlane v59, v60  }
0x3d6: {  	v0 =	vsel vm1, v3, v0;
	v1 =	vsel vm1, v1, v2  }
0x3d7: {  	v0 =	vadd.f32 v4, v0;
	v1 =	vadd.f32 v5, v1  }
0x3d8: {  	s0 =	sshll.u32 s6, $0x4  }
0x3d9: {  	v2 =	vld.idx.msk [tilespmem:v61+s0+$0x8400 ss:$0x1], $0xffff;
	v3 =	vsel vm2, v1, v0  }
0x3da: {  	v3 =	vperm.xlane v3, v62  }
0x3db: {  	v63 =	vld.idx.msk [tilespmem:v61+s0+$0x8600 ss:$0x1], $0xffff;
	v0 =	vsel vm2, v0, v1  }
0x3dc: {  	v0 =	vadd.f32 v0, v3  }
0x3dd: {  	v1 =	vld.idx.msk [tilespmem:v61+s0+$0x8800 ss:$0x1], $0xffff  }
0x3de: {  	v0 =	vadd.f32 v0, v2  }
0x3df: {  	v2 =	vld.idx.msk [tilespmem:v61+s0+$0x8A00 ss:$0x1], $0xffff  }
0x3e0: {  	v0 =	vadd.f32 v0, v63;
	_ =	sdelay $0x1  }
0x3e1: {  	v0 =	vsub.f32 v0, v1;
	_ =	sdelay $0x1  }
0x3e2: {  	s28 =	sadd.s32 $0x1, s28;
	v1 =	vmul.f32 v0, v2;
	v2 =	vld [tilespmem:$0x1F650]  }
0x3e3: {  	p0 =	sne.s32 s28, $0x8  }
.Ltmp1:
0x3e4: {  	_ = 	snop;
	(pc) =	sbr.rel @p0 .LBB2_2-.Ltmp1, $2  }
0x3e5: {  	v0 =	vmul.f32 v1, v0;
	_ =	sdelay $0x1  }
0x3e6: {  	v2 =	vadd.f32 v0, v2;
	_ =	sdelay $0x1  }
0x3e7: {  	s8 =	simm.s32 $0x0  }
0x3e8: {  	[tilespmem:$0x8C00] =	vst v2;
	s0 =	rddreg [dreg:$0x10];
	s1 =	simm.s32 $0x8C00;
	s30 =	simm.s32 $0x4  }
0x3e9: {  	[hbm4b:s0+s8] =	stream.linear.scatter [tilespmem:s1], [sflag:$0x4], $0x80, $0x38;
	[tilespmem:$0x8C80] =	vst v63  }
0x3ea: {  	_ =	swait.ge [sflag:s30], $0x80  }
0x3eb: {  	s2 =	rddreg [dreg:$0x12]  }
0x3ec: {  	s31 =	rddreg [dreg:$0x11];
	s2 =	sadd.s32 $0x1, s2  }
0x3ed: {  	p0 =	sne.s32 s2, s31  }
.Ltmp2:
0x3ee: {  	_ = 	snop;
	(pc) =	sbr.rel @p0 .LBB2_1-.Ltmp2, $3  }
0x3ef: {  	_ =	sdelay $0x1  }
0x3f0: {  	[sflag:s30] =	ssyncset.done $0x0  }
0x3f1: {  	[sflag:s30] =	ssyncadd.s32 $0xFFFFFF80  }
0x3f2: {  	_ =	sfence.sel $0x180000  }
0x3f3: {  	[bflag:$0x0] =	sbarrier.arrive $0xFFFF  }
0x3f4: {  	_ =	strace $0x90000047  }
0x3f5: {  	s0 =	stileid.u32;
	[bflag:$0x2] =	sbarrier.arrive $0xFFFF  }
0x3f6: {  	p0 =	sne.s32 s0, $0x0;
	s0 =	rddreg [dreg:$0x7]  }
0x3f7: {  	s0 =	sadd.s32 @!p0 $0x100000, s0  }
0x3f8: {  	[sflag:s0] =	ssyncadd.tile.s32 @!p0 $0x1;
	_ =	shalt  }
.Lfunc_end2:
_tile_overlayer_lowered:
.L_overlay_start_2:
0x3f9: {  	(tag) =	ssettag $0x2  }
0x3fa: {  	s0 =	rddreg [dreg:$0x0];
	s2 =	stileid.u32  }
0x3fb: {  	s1 =	rddreg [dreg:$0x1];
	p0 =	sne.s32 s2, $0x0  }
0x3fc: {  	s3 =	rddreg [dreg:$0x2];
	[bflag:$0x3] =	sbarrier.arrive $0xFFFF;
	s2 =	simm.s32 @!p0 $0x1C04  }
0x3fd: {  	[timem:s3], [sflag:s2] =	dma.local @!p0 [hbm:s0], s1  }
0x3fe: {  	s0 =	simm.s32 @!p0 $0x4  }
0x3ff: {  	_ =	swait.ge @!p0 [sflag:s0], s1  }
0x400: {  	s1 =	ssub.s32 @!p0 $0x0, s1;
	[sflag:s0] =	ssyncset.done @!p0 $0x0  }
0x401: {  	[sflag:s0] =	ssyncadd.s32 @!p0 s1  }
0x402: {  	[bflag:$0x3] =	sbarrier.arrive $0xFFFF  }
0x403: {  	_ =	shalt  }

</sc_bundles>
